<compile_context>
chip_gen: v7x
topology: tpu7x:2x2x1
jax: 0.10.2.dev20260603
libtpu: 0.0.44.dev20260713+nightly
codegen_flags: <defaults>
</compile_context>

<pallas_src>
import functools

import jax
import jax.numpy as jnp
from jax import lax
from jax.experimental import pallas as pl
from jax.experimental.pallas import tpu as pltpu
from jax.experimental.pallas import tpu_sc as plsc

N = 100000
D = 128
S = 256
U = 100
SR = 16
C = 160
NCH = N // C
GPC = C // 16
NW = 32
NBUF = 2
MAXCH = (NCH + NW - 1) // NW
MAXSLOT = -(-MAXCH // NBUF) * NBUF

_mesh = plsc.VectorSubcoreMesh(core_axis_name="c", subcore_axis_name="s")
_params = pltpu.CompilerParams(needs_layout_passes=False)


@functools.partial(
    pl.kernel,
    out_type=(jax.ShapeDtypeStruct((2, S, D), jnp.float32),
              jax.ShapeDtypeStruct((2, SR, D), jnp.float32)),
    mesh=_mesh,
    compiler_params=_params,
    scratch_types=[
        pltpu.VMEM((NBUF * C * D,), jnp.float32),
        pltpu.VMEM((NBUF * C,), jnp.int32),
        pltpu.VMEM((NBUF * C,), jnp.int32),
        pltpu.VMEM((D,), jnp.float32),
        pltpu.VMEM((D,), jnp.float32),
        pltpu.VMEM((D,), jnp.float32),
        pltpu.VMEM((S, D), jnp.float32),
        pltpu.VMEM((SR, D), jnp.float32),
        pltpu.VMEM((GPC * S,), jnp.float32),
        pltpu.VMEM_SHARED((S, D), jnp.float32),
        pltpu.VMEM_SHARED((SR, D), jnp.float32),
        pltpu.VMEM((S // 2,), jnp.int32),
        pltpu.VMEM((S // 2,), jnp.int32),
        pltpu.VMEM((SR,), jnp.int32),
        pltpu.SemaphoreType.DMA((NBUF,)),
        pltpu.SemaphoreType.DMA((NBUF,)),
        pltpu.SemaphoreType.DMA((NBUF,)),
    ],
)
def _phase1(h_hbm, seg_hbm, typ_hbm, w_hbm, a_hbm, c_hbm,
            part_hbm, partsc_hbm,
            hbuf, segbuf, typbuf, wbuf, abuf, cbuf, acc, accsc, dsc,
            shared, sharedsc, idxa, idxb, idxc, hsem, ssem, tsem):
    sid = lax.axis_index("s")
    cid = lax.axis_index("c")
    wid = sid * 2 + cid

    nchunks = (NCH - wid + NW - 1) // NW

    def _issue(b, i):
        chunk = wid + i * NW
        off = chunk * C
        pltpu.async_copy(seg_hbm.at[pl.ds(off, C)],
                         segbuf.at[pl.ds(b * C, C)], ssem.at[b])
        pltpu.async_copy(typ_hbm.at[pl.ds(off, C)],
                         typbuf.at[pl.ds(b * C, C)], tsem.at[b])
        pltpu.async_copy(h_hbm.at[pl.ds(chunk * (C * D), C * D)],
                         hbuf.at[pl.ds(b * C * D, C * D)], hsem.at[b])

    for p in range(NBUF - 1):
        @pl.when(p < nchunks)
        def _(p=p):
            _issue(p, p)

    pltpu.sync_copy(w_hbm, wbuf)
    pltpu.sync_copy(a_hbm, abuf)
    pltpu.sync_copy(c_hbm, cbuf)

    zeros16 = jnp.zeros((16,), jnp.float32)
    iota16 = lax.iota(jnp.int32, 16)

    def zero_body(i, carry):
        for j in range(D // 16):
            acc[i, pl.ds(16 * j, 16)] = zeros16
        return carry

    lax.fori_loop(0, S, zero_body, 0)
    for i in range(SR):
        for j in range(D // 16):
            accsc[i, pl.ds(16 * j, 16)] = zeros16
    for k in range(8):
        idxa[pl.ds(16 * k, 16)] = iota16 + 16 * k
        idxb[pl.ds(16 * k, 16)] = iota16 + (128 + 16 * k)
    idxc[...] = iota16

    @pl.when(sid == 0)
    def _():
        pltpu.sync_copy(acc, shared)
        pltpu.sync_copy(accsc, sharedsc)

    wvecs = [wbuf[pl.ds(16 * j, 16)] for j in range(8)]
    dsc_idx = iota16 * 16

    def _wait(b):
        pltpu.make_async_copy(seg_hbm.at[pl.ds(0, C)],
                              segbuf.at[pl.ds(b * C, C)], ssem.at[b]).wait()
        pltpu.make_async_copy(typ_hbm.at[pl.ds(0, C)],
                              typbuf.at[pl.ds(b * C, C)], tsem.at[b]).wait()
        pltpu.make_async_copy(h_hbm.at[pl.ds(0, C * D)],
                              hbuf.at[pl.ds(b * C * D, C * D)], hsem.at[b]).wait()

    def _process(b):
        hb0 = b * C * D
        sb0 = b * C

        @plsc.parallel_loop(0, C, 1, unroll=1)
        def row_body(r):
            rb = hb0 + r * D
            seg_b = plsc.load_gather(
                segbuf, [jnp.full((16,), sb0 + r, jnp.int32)])
            prods = []
            for j in range(8):
                hv = hbuf[pl.ds(rb + 16 * j, 16)]
                plsc.addupdate_scatter(acc, [seg_b, iota16 + (16 * j)], hv)
                prods.append(hv * wvecs[j])
            m = ((prods[0] + prods[1]) + (prods[2] + prods[3])) + \
                ((prods[4] + prods[5]) + (prods[6] + prods[7]))
            base_s = ((r >> 4) << 8) | (r & 15)
            plsc.store_scatter(dsc, [dsc_idx + base_s], m)

        @plsc.parallel_loop(0, GPC, 1)
        def group_body(g):
            seg_vec = segbuf[pl.ds(sb0 + g * 16, 16)]
            typ_vec = typbuf[pl.ds(sb0 + g * 16, 16)]
            a_g = plsc.load_gather(abuf, [typ_vec])
            c_g = plsc.load_gather(cbuf, [typ_vec])
            db = g * S
            vs = [dsc[pl.ds(db + 16 * l, 16)] for l in range(16)]
            while len(vs) > 1:
                vs = [vs[i] + vs[i + 1] for i in range(0, len(vs), 2)]
            f_vec = a_g * vs[0] + c_g
            plsc.addupdate_scatter(
                accsc, [seg_vec >> 4, seg_vec & 15], f_vec)

    def outer(k2, carry):
        for b in range(NBUF):
            i = k2 * NBUF + b

            @pl.when(i < nchunks)
            def _():
                _wait(b)

                @pl.when(i + (NBUF - 1) < nchunks)
                def _():
                    _issue((b + NBUF - 1) % NBUF, i + (NBUF - 1))

                _process(b)
        return carry

    lax.fori_loop(0, MAXSLOT // NBUF, outer, 0)
    plsc.subcore_barrier()
    pltpu.sync_copy(acc.at[pl.ds(0, S // 2)], shared.at[idxa], add=True)
    pltpu.sync_copy(acc.at[pl.ds(S // 2, S // 2)], shared.at[idxb], add=True)
    pltpu.sync_copy(accsc, sharedsc.at[idxc], add=True)
    plsc.subcore_barrier()
    rows = S // 16
    pltpu.sync_copy(shared.at[pl.ds(sid * rows, rows)],
                    part_hbm.at[cid, pl.ds(sid * rows, rows)])

    @pl.when(sid == 0)
    def _():
        pltpu.sync_copy(sharedsc, partsc_hbm.at[cid])


def _phase2_body(p1_ref, p2_ref, o1_ref, o2_ref):
    i = pl.program_id(0)

    @pl.when(i == 0)
    def _():
        o1_ref[...] = p1_ref[0]
        o2_ref[...] = p2_ref[0]

    @pl.when(i > 0)
    def _():
        o1_ref[...] += p1_ref[0]
        o2_ref[...] += p2_ref[0]


_phase2 = pl.pallas_call(
    _phase2_body,
    grid=(2,),
    in_specs=[pl.BlockSpec((1, 1, S * D), lambda i: (i, 0, 0)),
              pl.BlockSpec((1, 1, SR * D), lambda i: (i, 0, 0))],
    out_specs=[pl.BlockSpec((1, S * D), lambda i: (0, 0)),
               pl.BlockSpec((1, SR * D), lambda i: (0, 0))],
    out_shape=[jax.ShapeDtypeStruct((1, S * D), jnp.float32),
               jax.ShapeDtypeStruct((1, SR * D), jnp.float32)],
)


def kernel(h, node_feat_discrete, segment_ids, W, b, scale_table, bias_table,
           mean, std):
    h = h.astype(jnp.float32)
    seg = segment_ids.astype(jnp.int32)
    typ = node_feat_discrete.astype(jnp.int32)
    std0 = std.astype(jnp.float32)[0]
    a_small = std0 * scale_table.astype(jnp.float32)[:, 0]
    c_small = (a_small * b.astype(jnp.float32)[0]
               + std0 * bias_table.astype(jnp.float32)[:, 0]
               + mean.astype(jnp.float32)[0])
    a_pad = jnp.zeros((D,), jnp.float32).at[:U].set(a_small)
    c_pad = jnp.zeros((D,), jnp.float32).at[:U].set(c_small)
    partials, partsc = _phase1(h.reshape(-1), seg, typ,
                               W.astype(jnp.float32).reshape(-1),
                               a_pad, c_pad)
    gf_flat, sc_flat = _phase2(partials.reshape(2, 1, S * D),
                               partsc.reshape(2, 1, SR * D))
    graph_feat = gf_flat.reshape(S, D)
    node_score = sc_flat.reshape(SR, D)[:, :16].reshape(S, 1)
    return (graph_feat, node_score)

# --- scband reference (transcript-rebuilt; emitter-appended) ---
"""Pipeline reference for scband-output-module-33251636805921 (READ-ONLY COPY).

The authoritative reference and input builder live on the scoring server;
editing this copy changes nothing except your own understanding.
"""

import jax, jax.numpy as jnp
import numpy as np

N = 100000
D = 128
U = 100
NUM_SEGMENTS = 256


def setup_inputs(seed: int = 0) -> dict:
    key = jax.random.key(seed)
    ks = jax.random.split(key, 8)
    h = jax.random.normal(ks[0], (N, D), dtype=jnp.float32)
    node_feat_discrete = jax.random.randint(ks[1], (N,), 0, U)
    segment_ids = jnp.sort(jax.random.randint(ks[2], (N,), 0, NUM_SEGMENTS))
    # Linear(hidden_dim, 1): W [1, D], b [1] (Glorot-scaled init)
    W = jax.random.normal(ks[3], (1, D), dtype=jnp.float32) * np.sqrt(2.0 / (D + 1))
    b = jnp.zeros((1,), dtype=jnp.float32)
    # Embedding tables (zero-init in torch; small random here for nontrivial math)
    scale_table = jax.random.normal(ks[4], (U, 1), dtype=jnp.float32) * 0.1
    bias_table = jax.random.normal(ks[5], (U, 1), dtype=jnp.float32) * 0.1
    mean = jnp.array([0.0], dtype=jnp.float32)
    std = jnp.array([1.0], dtype=jnp.float32)
    return {
        "h": h,
        "node_feat_discrete": node_feat_discrete,
        "segment_ids": segment_ids,
        "W": W,
        "b": b,
        "scale_table": scale_table,
        "bias_table": bias_table,
        "mean": mean,
        "std": std,
    }


def reference(h, node_feat_discrete, segment_ids, W, b, scale_table, bias_table, mean, std):
    # node_out = Linear(h)
    node_out = h @ W.T + b                               # [N, 1]
    # per-node-type scale/bias via embedding lookup (gather)
    node_scale = jnp.take(scale_table, node_feat_discrete, axis=0)  # [N, 1]
    node_bias = jnp.take(bias_table, node_feat_discrete, axis=0)    # [N, 1]
    node_out = node_scale * node_out + node_bias
    node_out = node_out * std + mean
    # sum_hetero_nodes: unsorted 1d segment sum over graphs in the batch
    node_score = jax.ops.segment_sum(node_out, segment_ids, num_segments=NUM_SEGMENTS)  # [256, 1]
    graph_feat = jax.ops.segment_sum(h, segment_ids, num_segments=NUM_SEGMENTS)         # [256, 128]
    return (graph_feat, node_score)

if __name__ == "__main__":
    import jax
    _d = setup_inputs()
    print(jax.jit(kernel)(*tuple(_d.values())))

</pallas_src>

<mosaic_0001>
#map = affine_map<(d0, d1) -> (0)>
#map1 = affine_map<(d0, d1) -> (0, 0, 0)>
module attributes {stable_mosaic.version = 14 : i64} {
  func.func @_phase1(%arg0: i32, %arg1: i32, %arg2: memref<12800000xf32, #tpu.memory_space<hbm>>, %arg3: memref<100000xi32, #tpu.memory_space<hbm>>, %arg4: memref<100000xi32, #tpu.memory_space<hbm>>, %arg5: memref<128xf32, #tpu.memory_space<hbm>>, %arg6: memref<128xf32, #tpu.memory_space<hbm>>, %arg7: memref<128xf32, #tpu.memory_space<hbm>>, %arg8: memref<2x256x128xf32, #tpu.memory_space<hbm>>, %arg9: memref<2x16x128xf32, #tpu.memory_space<hbm>>, %arg10: memref<40960xf32, #tpu.memory_space<vmem>>, %arg11: memref<320xi32, #tpu.memory_space<vmem>>, %arg12: memref<320xi32, #tpu.memory_space<vmem>>, %arg13: memref<128xf32, #tpu.memory_space<vmem>>, %arg14: memref<128xf32, #tpu.memory_space<vmem>>, %arg15: memref<128xf32, #tpu.memory_space<vmem>>, %arg16: memref<256x128xf32, #tpu.memory_space<vmem>>, %arg17: memref<16x128xf32, #tpu.memory_space<vmem>>, %arg18: memref<2560xf32, #tpu.memory_space<vmem>>, %arg19: memref<256x128xf32, #tpu.memory_space<vmem_shared>>, %arg20: memref<16x128xf32, #tpu.memory_space<vmem_shared>>, %arg21: memref<128xi32, #tpu.memory_space<vmem>>, %arg22: memref<128xi32, #tpu.memory_space<vmem>>, %arg23: memref<16xi32, #tpu.memory_space<vmem>>, %arg24: memref<2x!tpu.dma_semaphore, #tpu.memory_space<semaphore_mem>>, %arg25: memref<2x!tpu.dma_semaphore, #tpu.memory_space<semaphore_mem>>, %arg26: memref<2x!tpu.dma_semaphore, #tpu.memory_space<semaphore_mem>>) attributes {dimension_semantics = [#tpu.dimension_semantics<core_parallel>, #tpu.dimension_semantics<subcore_parallel>], iteration_bounds = array<i64: 2, 16>, scalar_prefetch = 0 : i64, scratch_operands = 17 : i64, tpu.core_type = #tpu.core_type<sc_vector_subcore>, window_params = [{transform_indices = #map}, {transform_indices = #map}, {transform_indices = #map}, {transform_indices = #map}, {transform_indices = #map}, {transform_indices = #map}, {transform_indices = #map1}, {transform_indices = #map1}]} {
    %mul3A = arith.constant 2 : i32
    %mul3A_0 = arith.muli %arg1, %mul3A : i32
    %add3A = arith.addi %mul3A_0, %arg0 : i32
    %sub3A = arith.constant 625 : i32
    %sub3A_1 = arith.subi %sub3A, %add3A : i32
    %add3A_2 = arith.constant 32 : i32
    %add3A_3 = arith.addi %sub3A_1, %add3A_2 : i32
    %sub3A_4 = arith.constant 1 : i32
    %sub3A_5 = arith.subi %add3A_3, %sub3A_4 : i32
    %jit3A = arith.constant 32 : i32
    %div3A = arith.divsi %sub3A_5, %jit3A : i32
    %sign3A = arith.constant 0 : i32
    %sign3A_6 = arith.cmpi sgt, %sub3A_5, %sign3A : i32
    %sign3A_7 = arith.extui %sign3A_6 : i1 to i32
    %sign3A_8 = arith.constant 0 : i32
    %sign3A_9 = arith.cmpi slt, %sub3A_5, %sign3A_8 : i32
    %sign3A_10 = arith.extui %sign3A_9 : i1 to i32
    %sign3A_11 = arith.subi %sign3A_7, %sign3A_10 : i32
    %sign3A_12 = arith.constant 0 : i32
    %sign3A_13 = arith.cmpi sgt, %jit3A, %sign3A_12 : i32
    %sign3A_14 = arith.extui %sign3A_13 : i1 to i32
    %sign3A_15 = arith.constant 0 : i32
    %sign3A_16 = arith.cmpi slt, %jit3A, %sign3A_15 : i32
    %sign3A_17 = arith.extui %sign3A_16 : i1 to i32
    %sign3A_18 = arith.subi %sign3A_14, %sign3A_17 : i32
    %ne3A = arith.cmpi ne, %sign3A_11, %sign3A_18 : i32
    %rem3A = arith.remsi %sub3A_5, %jit3A : i32
    %ne3A_19 = arith.constant 0 : i32
    %ne3A_20 = arith.cmpi ne, %rem3A, %ne3A_19 : i32
    %and3A = arith.andi %ne3A, %ne3A_20 : i1
    %sub3A_21 = arith.constant 1 : i32
    %sub3A_22 = arith.subi %div3A, %sub3A_21 : i32
    %select_n3A = arith.select %and3A, %sub3A_22, %div3A : i32
    %gt3A = arith.constant 0 : i32
    %gt3A_23 = arith.cmpi sgt, %select_n3A, %gt3A : i32
    %convert_element_type3A = arith.extui %gt3A_23 : i1 to i32
    %cond3A = arith.constant 0 : i32
    %cond3A_24 = arith.cmpi ne, %convert_element_type3A, %cond3A : i32
    scf.if %cond3A_24 {
      %add3A_662 = arith.constant 0 : i32
      %add3A_663 = arith.addi %add3A, %add3A_662 : i32
      %mul3A_664 = arith.constant 160 : i32
      %mul3A_665 = arith.muli %add3A_663, %mul3A_664 : i32
      %dma_start3A = arith.constant 0 : i32
      %dma_start3A_666 = arith.constant 0 : i32
      %dma_start3A_667 = tpu.memref_slice %arg11[%dma_start3A_666] : memref<320xi32, #tpu.memory_space<vmem>> -> memref<160xi32, #tpu.memory_space<vmem>>
      %dma_start3A_668 = tpu.memref_slice %arg3[%mul3A_665] : memref<100000xi32, #tpu.memory_space<hbm>> -> memref<160xi32, #tpu.memory_space<hbm>>
      %dma_start3A_669 = tpu.memref_slice %arg25[%dma_start3A] : memref<2x!tpu.dma_semaphore, #tpu.memory_space<semaphore_mem>> -> memref<1x!tpu.dma_semaphore, #tpu.memory_space<semaphore_mem>>
      %dma_start3A_670 = tpu.memref_squeeze %dma_start3A_669 : memref<1x!tpu.dma_semaphore, #tpu.memory_space<semaphore_mem>> -> memref<!tpu.dma_semaphore, #tpu.memory_space<semaphore_mem>>
      %dma_start3A_671 = arith.constant 0 : i32
      %dma_start3A_672 = tpu.memref_slice %arg11[%dma_start3A_671] : memref<320xi32, #tpu.memory_space<vmem>> -> memref<160xi32, #tpu.memory_space<vmem>>
      %dma_start3A_673 = tpu.memref_slice %arg3[%mul3A_665] : memref<100000xi32, #tpu.memory_space<hbm>> -> memref<160xi32, #tpu.memory_space<hbm>>
      tpu.enqueue_dma source(%dma_start3A_673 : memref<160xi32, #tpu.memory_space<hbm>>) target(%dma_start3A_672 : memref<160xi32, #tpu.memory_space<vmem>>) target_semaphore(%dma_start3A_670 : memref<!tpu.dma_semaphore, #tpu.memory_space<semaphore_mem>>)
      %dma_start3A_674 = arith.constant 0 : i32
      %dma_start3A_675 = arith.constant 0 : i32
      %dma_start3A_676 = tpu.memref_slice %arg12[%dma_start3A_675] : memref<320xi32, #tpu.memory_space<vmem>> -> memref<160xi32, #tpu.memory_space<vmem>>
      %dma_start3A_677 = tpu.memref_slice %arg4[%mul3A_665] : memref<100000xi32, #tpu.memory_space<hbm>> -> memref<160xi32, #tpu.memory_space<hbm>>
      %dma_start3A_678 = tpu.memref_slice %arg26[%dma_start3A_674] : memref<2x!tpu.dma_semaphore, #tpu.memory_space<semaphore_mem>> -> memref<1x!tpu.dma_semaphore, #tpu.memory_space<semaphore_mem>>
      %dma_start3A_679 = tpu.memref_squeeze %dma_start3A_678 : memref<1x!tpu.dma_semaphore, #tpu.memory_space<semaphore_mem>> -> memref<!tpu.dma_semaphore, #tpu.memory_space<semaphore_mem>>
      %dma_start3A_680 = arith.constant 0 : i32
      %dma_start3A_681 = tpu.memref_slice %arg12[%dma_start3A_680] : memref<320xi32, #tpu.memory_space<vmem>> -> memref<160xi32, #tpu.memory_space<vmem>>
      %dma_start3A_682 = tpu.memref_slice %arg4[%mul3A_665] : memref<100000xi32, #tpu.memory_space<hbm>> -> memref<160xi32, #tpu.memory_space<hbm>>
      tpu.enqueue_dma source(%dma_start3A_682 : memref<160xi32, #tpu.memory_space<hbm>>) target(%dma_start3A_681 : memref<160xi32, #tpu.memory_space<vmem>>) target_semaphore(%dma_start3A_679 : memref<!tpu.dma_semaphore, #tpu.memory_space<semaphore_mem>>)
      %mul3A_683 = arith.constant 20480 : i32
      %mul3A_684 = arith.muli %add3A_663, %mul3A_683 : i32
      %dma_start3A_685 = arith.constant 0 : i32
      %dma_start3A_686 = arith.constant 0 : i32
      %dma_start3A_687 = tpu.memref_slice %arg10[%dma_start3A_686] : memref<40960xf32, #tpu.memory_space<vmem>> -> memref<20480xf32, #tpu.memory_space<vmem>>
      %dma_start3A_688 = tpu.memref_slice %arg2[%mul3A_684] : memref<12800000xf32, #tpu.memory_space<hbm>> -> memref<20480xf32, #tpu.memory_space<hbm>>
      %dma_start3A_689 = tpu.memref_slice %arg24[%dma_start3A_685] : memref<2x!tpu.dma_semaphore, #tpu.memory_space<semaphore_mem>> -> memref<1x!tpu.dma_semaphore, #tpu.memory_space<semaphore_mem>>
      %dma_start3A_690 = tpu.memref_squeeze %dma_start3A_689 : memref<1x!tpu.dma_semaphore, #tpu.memory_space<semaphore_mem>> -> memref<!tpu.dma_semaphore, #tpu.memory_space<semaphore_mem>>
      %dma_start3A_691 = arith.constant 0 : i32
      %dma_start3A_692 = tpu.memref_slice %arg10[%dma_start3A_691] : memref<40960xf32, #tpu.memory_space<vmem>> -> memref<20480xf32, #tpu.memory_space<vmem>>
      %dma_start3A_693 = tpu.memref_slice %arg2[%mul3A_684] : memref<12800000xf32, #tpu.memory_space<hbm>> -> memref<20480xf32, #tpu.memory_space<hbm>>
      tpu.enqueue_dma source(%dma_start3A_693 : memref<20480xf32, #tpu.memory_space<hbm>>) target(%dma_start3A_692 : memref<20480xf32, #tpu.memory_space<vmem>>) target_semaphore(%dma_start3A_690 : memref<!tpu.dma_semaphore, #tpu.memory_space<semaphore_mem>>)
    } else {
    }
    "tpu.region"() ({
      %run_scoped3A = tpu.sem_alloc : memref<!tpu.dma_semaphore, #tpu.memory_space<semaphore_mem>>
      tpu.enqueue_dma source(%arg5 : memref<128xf32, #tpu.memory_space<hbm>>) target(%arg13 : memref<128xf32, #tpu.memory_space<vmem>>) target_semaphore(%run_scoped3A : memref<!tpu.dma_semaphore, #tpu.memory_space<semaphore_mem>>)
      tpu.wait_dma2 semaphore(%run_scoped3A : memref<!tpu.dma_semaphore, #tpu.memory_space<semaphore_mem>>) src(%arg5 : memref<128xf32, #tpu.memory_space<hbm>>) dst(%arg13 : memref<128xf32, #tpu.memory_space<vmem>>)
      tpu.yield
    }) : () -> ()
    "tpu.region"() ({
      %run_scoped3A = tpu.sem_alloc : memref<!tpu.dma_semaphore, #tpu.memory_space<semaphore_mem>>
      tpu.enqueue_dma source(%arg6 : memref<128xf32, #tpu.memory_space<hbm>>) target(%arg14 : memref<128xf32, #tpu.memory_space<vmem>>) target_semaphore(%run_scoped3A : memref<!tpu.dma_semaphore, #tpu.memory_space<semaphore_mem>>)
      tpu.wait_dma2 semaphore(%run_scoped3A : memref<!tpu.dma_semaphore, #tpu.memory_space<semaphore_mem>>) src(%arg6 : memref<128xf32, #tpu.memory_space<hbm>>) dst(%arg14 : memref<128xf32, #tpu.memory_space<vmem>>)
      tpu.yield
    }) : () -> ()
    "tpu.region"() ({
      %run_scoped3A = tpu.sem_alloc : memref<!tpu.dma_semaphore, #tpu.memory_space<semaphore_mem>>
      tpu.enqueue_dma source(%arg7 : memref<128xf32, #tpu.memory_space<hbm>>) target(%arg15 : memref<128xf32, #tpu.memory_space<vmem>>) target_semaphore(%run_scoped3A : memref<!tpu.dma_semaphore, #tpu.memory_space<semaphore_mem>>)
      tpu.wait_dma2 semaphore(%run_scoped3A : memref<!tpu.dma_semaphore, #tpu.memory_space<semaphore_mem>>) src(%arg7 : memref<128xf32, #tpu.memory_space<hbm>>) dst(%arg15 : memref<128xf32, #tpu.memory_space<vmem>>)
      tpu.yield
    }) : () -> ()
    %broadcast_in_dim3A = arith.constant 0.000000e+00 : f32
    %broadcast_in_dim3A_25 = vector.broadcast %broadcast_in_dim3A : f32 to vector<16xf32>
    %iota3A = tpu.iota {dimensions = array<i32: 0>} : vector<16xi32>
    %scan3A = arith.constant 0 : i32
    %scan3A_26 = arith.constant 0 : i32
    %scan3A_27 = arith.constant 256 : i32
    %scan3A_28 = arith.addi %scan3A_26, %scan3A_27 : i32
    %scan3A_29 = arith.constant 1 : i32
    scf.for %scan3A_662 = %scan3A_26 to %scan3A_28 step %scan3A_29  : i32 {
      %swap3A_663 = arith.index_cast %scan3A_662 : i32 to index
      %swap3A_664 = arith.constant 0 : index
      %swap3A_665 = tpu.vector_load %arg16[%swap3A_663, %swap3A_664] {strides = array<i32>} : memref<256x128xf32, #tpu.memory_space<vmem>>, vector<16xf32>,
      tpu.vector_store %arg16[%swap3A_663, %swap3A_664], %broadcast_in_dim3A_25 {strides = array<i32>} : memref<256x128xf32, #tpu.memory_space<vmem>>, vector<16xf32>,
      %swap3A_666 = arith.index_cast %scan3A_662 : i32 to index
      %swap3A_667 = arith.constant 16 : index
      %swap3A_668 = tpu.vector_load %arg16[%swap3A_666, %swap3A_667] {strides = array<i32>} : memref<256x128xf32, #tpu.memory_space<vmem>>, vector<16xf32>,
      tpu.vector_store %arg16[%swap3A_666, %swap3A_667], %broadcast_in_dim3A_25 {strides = array<i32>} : memref<256x128xf32, #tpu.memory_space<vmem>>, vector<16xf32>,
      %swap3A_669 = arith.index_cast %scan3A_662 : i32 to index
      %swap3A_670 = arith.constant 32 : index
      %swap3A_671 = tpu.vector_load %arg16[%swap3A_669, %swap3A_670] {strides = array<i32>} : memref<256x128xf32, #tpu.memory_space<vmem>>, vector<16xf32>,
      tpu.vector_store %arg16[%swap3A_669, %swap3A_670], %broadcast_in_dim3A_25 {strides = array<i32>} : memref<256x128xf32, #tpu.memory_space<vmem>>, vector<16xf32>,
      %swap3A_672 = arith.index_cast %scan3A_662 : i32 to index
      %swap3A_673 = arith.constant 48 : index
      %swap3A_674 = tpu.vector_load %arg16[%swap3A_672, %swap3A_673] {strides = array<i32>} : memref<256x128xf32, #tpu.memory_space<vmem>>, vector<16xf32>,
      tpu.vector_store %arg16[%swap3A_672, %swap3A_673], %broadcast_in_dim3A_25 {strides = array<i32>} : memref<256x128xf32, #tpu.memory_space<vmem>>, vector<16xf32>,
      %swap3A_675 = arith.index_cast %scan3A_662 : i32 to index
      %swap3A_676 = arith.constant 64 : index
      %swap3A_677 = tpu.vector_load %arg16[%swap3A_675, %swap3A_676] {strides = array<i32>} : memref<256x128xf32, #tpu.memory_space<vmem>>, vector<16xf32>,
      tpu.vector_store %arg16[%swap3A_675, %swap3A_676], %broadcast_in_dim3A_25 {strides = array<i32>} : memref<256x128xf32, #tpu.memory_space<vmem>>, vector<16xf32>,
      %swap3A_678 = arith.index_cast %scan3A_662 : i32 to index
      %swap3A_679 = arith.constant 80 : index
      %swap3A_680 = tpu.vector_load %arg16[%swap3A_678, %swap3A_679] {strides = array<i32>} : memref<256x128xf32, #tpu.memory_space<vmem>>, vector<16xf32>,
      tpu.vector_store %arg16[%swap3A_678, %swap3A_679], %broadcast_in_dim3A_25 {strides = array<i32>} : memref<256x128xf32, #tpu.memory_space<vmem>>, vector<16xf32>,
      %swap3A_681 = arith.index_cast %scan3A_662 : i32 to index
      %swap3A_682 = arith.constant 96 : index
      %swap3A_683 = tpu.vector_load %arg16[%swap3A_681, %swap3A_682] {strides = array<i32>} : memref<256x128xf32, #tpu.memory_space<vmem>>, vector<16xf32>,
      tpu.vector_store %arg16[%swap3A_681, %swap3A_682], %broadcast_in_dim3A_25 {strides = array<i32>} : memref<256x128xf32, #tpu.memory_space<vmem>>, vector<16xf32>,
      %swap3A_684 = arith.index_cast %scan3A_662 : i32 to index
      %swap3A_685 = arith.constant 112 : index
      %swap3A_686 = tpu.vector_load %arg16[%swap3A_684, %swap3A_685] {strides = array<i32>} : memref<256x128xf32, #tpu.memory_space<vmem>>, vector<16xf32>,
      tpu.vector_store %arg16[%swap3A_684, %swap3A_685], %broadcast_in_dim3A_25 {strides = array<i32>} : memref<256x128xf32, #tpu.memory_space<vmem>>, vector<16xf32>,
    }
    %scan3A_30 = arith.constant 256 : i32
    %swap3A = arith.constant 0 : i32
    %swap3A_31 = arith.index_cast %swap3A : i32 to index
    %swap3A_32 = arith.constant 0 : index
    %swap3A_33 = tpu.vector_load %arg17[%swap3A_31, %swap3A_32] {strides = array<i32>} : memref<16x128xf32, #tpu.memory_space<vmem>>, vector<16xf32>,
    tpu.vector_store %arg17[%swap3A_31, %swap3A_32], %broadcast_in_dim3A_25 {strides = array<i32>} : memref<16x128xf32, #tpu.memory_space<vmem>>, vector<16xf32>,
    %swap3A_34 = arith.constant 0 : i32
    %swap3A_35 = arith.index_cast %swap3A_34 : i32 to index
    %swap3A_36 = arith.constant 16 : index
    %swap3A_37 = tpu.vector_load %arg17[%swap3A_35, %swap3A_36] {strides = array<i32>} : memref<16x128xf32, #tpu.memory_space<vmem>>, vector<16xf32>,
    tpu.vector_store %arg17[%swap3A_35, %swap3A_36], %broadcast_in_dim3A_25 {strides = array<i32>} : memref<16x128xf32, #tpu.memory_space<vmem>>, vector<16xf32>,
    %swap3A_38 = arith.constant 0 : i32
    %swap3A_39 = arith.index_cast %swap3A_38 : i32 to index
    %swap3A_40 = arith.constant 32 : index
    %swap3A_41 = tpu.vector_load %arg17[%swap3A_39, %swap3A_40] {strides = array<i32>} : memref<16x128xf32, #tpu.memory_space<vmem>>, vector<16xf32>,
    tpu.vector_store %arg17[%swap3A_39, %swap3A_40], %broadcast_in_dim3A_25 {strides = array<i32>} : memref<16x128xf32, #tpu.memory_space<vmem>>, vector<16xf32>,
    %swap3A_42 = arith.constant 0 : i32
    %swap3A_43 = arith.index_cast %swap3A_42 : i32 to index
    %swap3A_44 = arith.constant 48 : index
    %swap3A_45 = tpu.vector_load %arg17[%swap3A_43, %swap3A_44] {strides = array<i32>} : memref<16x128xf32, #tpu.memory_space<vmem>>, vector<16xf32>,
    tpu.vector_store %arg17[%swap3A_43, %swap3A_44], %broadcast_in_dim3A_25 {strides = array<i32>} : memref<16x128xf32, #tpu.memory_space<vmem>>, vector<16xf32>,
    %swap3A_46 = arith.constant 0 : i32
    %swap3A_47 = arith.index_cast %swap3A_46 : i32 to index
    %swap3A_48 = arith.constant 64 : index
    %swap3A_49 = tpu.vector_load %arg17[%swap3A_47, %swap3A_48] {strides = array<i32>} : memref<16x128xf32, #tpu.memory_space<vmem>>, vector<16xf32>,
    tpu.vector_store %arg17[%swap3A_47, %swap3A_48], %broadcast_in_dim3A_25 {strides = array<i32>} : memref<16x128xf32, #tpu.memory_space<vmem>>, vector<16xf32>,
    %swap3A_50 = arith.constant 0 : i32
    %swap3A_51 = arith.index_cast %swap3A_50 : i32 to index
    %swap3A_52 = arith.constant 80 : index
    %swap3A_53 = tpu.vector_load %arg17[%swap3A_51, %swap3A_52] {strides = array<i32>} : memref<16x128xf32, #tpu.memory_space<vmem>>, vector<16xf32>,
    tpu.vector_store %arg17[%swap3A_51, %swap3A_52], %broadcast_in_dim3A_25 {strides = array<i32>} : memref<16x128xf32, #tpu.memory_space<vmem>>, vector<16xf32>,
    %swap3A_54 = arith.constant 0 : i32
    %swap3A_55 = arith.index_cast %swap3A_54 : i32 to index
    %swap3A_56 = arith.constant 96 : index
    %swap3A_57 = tpu.vector_load %arg17[%swap3A_55, %swap3A_56] {strides = array<i32>} : memref<16x128xf32, #tpu.memory_space<vmem>>, vector<16xf32>,
    tpu.vector_store %arg17[%swap3A_55, %swap3A_56], %broadcast_in_dim3A_25 {strides = array<i32>} : memref<16x128xf32, #tpu.memory_space<vmem>>, vector<16xf32>,
    %swap3A_58 = arith.constant 0 : i32
    %swap3A_59 = arith.index_cast %swap3A_58 : i32 to index
    %swap3A_60 = arith.constant 112 : index
    %swap3A_61 = tpu.vector_load %arg17[%swap3A_59, %swap3A_60] {strides = array<i32>} : memref<16x128xf32, #tpu.memory_space<vmem>>, vector<16xf32>,
    tpu.vector_store %arg17[%swap3A_59, %swap3A_60], %broadcast_in_dim3A_25 {strides = array<i32>} : memref<16x128xf32, #tpu.memory_space<vmem>>, vector<16xf32>,
    %swap3A_62 = arith.constant 1 : i32
    %swap3A_63 = arith.index_cast %swap3A_62 : i32 to index
    %swap3A_64 = arith.constant 0 : index
    %swap3A_65 = tpu.vector_load %arg17[%swap3A_63, %swap3A_64] {strides = array<i32>} : memref<16x128xf32, #tpu.memory_space<vmem>>, vector<16xf32>,
    tpu.vector_store %arg17[%swap3A_63, %swap3A_64], %broadcast_in_dim3A_25 {strides = array<i32>} : memref<16x128xf32, #tpu.memory_space<vmem>>, vector<16xf32>,
    %swap3A_66 = arith.constant 1 : i32
    %swap3A_67 = arith.index_cast %swap3A_66 : i32 to index
    %swap3A_68 = arith.constant 16 : index
    %swap3A_69 = tpu.vector_load %arg17[%swap3A_67, %swap3A_68] {strides = array<i32>} : memref<16x128xf32, #tpu.memory_space<vmem>>, vector<16xf32>,
    tpu.vector_store %arg17[%swap3A_67, %swap3A_68], %broadcast_in_dim3A_25 {strides = array<i32>} : memref<16x128xf32, #tpu.memory_space<vmem>>, vector<16xf32>,
    %swap3A_70 = arith.constant 1 : i32
    %swap3A_71 = arith.index_cast %swap3A_70 : i32 to index
    %swap3A_72 = arith.constant 32 : index
    %swap3A_73 = tpu.vector_load %arg17[%swap3A_71, %swap3A_72] {strides = array<i32>} : memref<16x128xf32, #tpu.memory_space<vmem>>, vector<16xf32>,
    tpu.vector_store %arg17[%swap3A_71, %swap3A_72], %broadcast_in_dim3A_25 {strides = array<i32>} : memref<16x128xf32, #tpu.memory_space<vmem>>, vector<16xf32>,
    %swap3A_74 = arith.constant 1 : i32
    %swap3A_75 = arith.index_cast %swap3A_74 : i32 to index
    %swap3A_76 = arith.constant 48 : index
    %swap3A_77 = tpu.vector_load %arg17[%swap3A_75, %swap3A_76] {strides = array<i32>} : memref<16x128xf32, #tpu.memory_space<vmem>>, vector<16xf32>,
    tpu.vector_store %arg17[%swap3A_75, %swap3A_76], %broadcast_in_dim3A_25 {strides = array<i32>} : memref<16x128xf32, #tpu.memory_space<vmem>>, vector<16xf32>,
    %swap3A_78 = arith.constant 1 : i32
    %swap3A_79 = arith.index_cast %swap3A_78 : i32 to index
    %swap3A_80 = arith.constant 64 : index
    %swap3A_81 = tpu.vector_load %arg17[%swap3A_79, %swap3A_80] {strides = array<i32>} : memref<16x128xf32, #tpu.memory_space<vmem>>, vector<16xf32>,
    tpu.vector_store %arg17[%swap3A_79, %swap3A_80], %broadcast_in_dim3A_25 {strides = array<i32>} : memref<16x128xf32, #tpu.memory_space<vmem>>, vector<16xf32>,
    %swap3A_82 = arith.constant 1 : i32
    %swap3A_83 = arith.index_cast %swap3A_82 : i32 to index
    %swap3A_84 = arith.constant 80 : index
    %swap3A_85 = tpu.vector_load %arg17[%swap3A_83, %swap3A_84] {strides = array<i32>} : memref<16x128xf32, #tpu.memory_space<vmem>>, vector<16xf32>,
    tpu.vector_store %arg17[%swap3A_83, %swap3A_84], %broadcast_in_dim3A_25 {strides = array<i32>} : memref<16x128xf32, #tpu.memory_space<vmem>>, vector<16xf32>,
    %swap3A_86 = arith.constant 1 : i32
    %swap3A_87 = arith.index_cast %swap3A_86 : i32 to index
    %swap3A_88 = arith.constant 96 : index
    %swap3A_89 = tpu.vector_load %arg17[%swap3A_87, %swap3A_88] {strides = array<i32>} : memref<16x128xf32, #tpu.memory_space<vmem>>, vector<16xf32>,
    tpu.vector_store %arg17[%swap3A_87, %swap3A_88], %broadcast_in_dim3A_25 {strides = array<i32>} : memref<16x128xf32, #tpu.memory_space<vmem>>, vector<16xf32>,
    %swap3A_90 = arith.constant 1 : i32
    %swap3A_91 = arith.index_cast %swap3A_90 : i32 to index
    %swap3A_92 = arith.constant 112 : index
    %swap3A_93 = tpu.vector_load %arg17[%swap3A_91, %swap3A_92] {strides = array<i32>} : memref<16x128xf32, #tpu.memory_space<vmem>>, vector<16xf32>,
    tpu.vector_store %arg17[%swap3A_91, %swap3A_92], %broadcast_in_dim3A_25 {strides = array<i32>} : memref<16x128xf32, #tpu.memory_space<vmem>>, vector<16xf32>,
    %swap3A_94 = arith.constant 2 : i32
    %swap3A_95 = arith.index_cast %swap3A_94 : i32 to index
    %swap3A_96 = arith.constant 0 : index
    %swap3A_97 = tpu.vector_load %arg17[%swap3A_95, %swap3A_96] {strides = array<i32>} : memref<16x128xf32, #tpu.memory_space<vmem>>, vector<16xf32>,
    tpu.vector_store %arg17[%swap3A_95, %swap3A_96], %broadcast_in_dim3A_25 {strides = array<i32>} : memref<16x128xf32, #tpu.memory_space<vmem>>, vector<16xf32>,
    %swap3A_98 = arith.constant 2 : i32
    %swap3A_99 = arith.index_cast %swap3A_98 : i32 to index
    %swap3A_100 = arith.constant 16 : index
    %swap3A_101 = tpu.vector_load %arg17[%swap3A_99, %swap3A_100] {strides = array<i32>} : memref<16x128xf32, #tpu.memory_space<vmem>>, vector<16xf32>,
    tpu.vector_store %arg17[%swap3A_99, %swap3A_100], %broadcast_in_dim3A_25 {strides = array<i32>} : memref<16x128xf32, #tpu.memory_space<vmem>>, vector<16xf32>,
    %swap3A_102 = arith.constant 2 : i32
    %swap3A_103 = arith.index_cast %swap3A_102 : i32 to index
    %swap3A_104 = arith.constant 32 : index
    %swap3A_105 = tpu.vector_load %arg17[%swap3A_103, %swap3A_104] {strides = array<i32>} : memref<16x128xf32, #tpu.memory_space<vmem>>, vector<16xf32>,
    tpu.vector_store %arg17[%swap3A_103, %swap3A_104], %broadcast_in_dim3A_25 {strides = array<i32>} : memref<16x128xf32, #tpu.memory_space<vmem>>, vector<16xf32>,
    %swap3A_106 = arith.constant 2 : i32
    %swap3A_107 = arith.index_cast %swap3A_106 : i32 to index
    %swap3A_108 = arith.constant 48 : index
    %swap3A_109 = tpu.vector_load %arg17[%swap3A_107, %swap3A_108] {strides = array<i32>} : memref<16x128xf32, #tpu.memory_space<vmem>>, vector<16xf32>,
    tpu.vector_store %arg17[%swap3A_107, %swap3A_108], %broadcast_in_dim3A_25 {strides = array<i32>} : memref<16x128xf32, #tpu.memory_space<vmem>>, vector<16xf32>,
    %swap3A_110 = arith.constant 2 : i32
    %swap3A_111 = arith.index_cast %swap3A_110 : i32 to index
    %swap3A_112 = arith.constant 64 : index
    %swap3A_113 = tpu.vector_load %arg17[%swap3A_111, %swap3A_112] {strides = array<i32>} : memref<16x128xf32, #tpu.memory_space<vmem>>, vector<16xf32>,
    tpu.vector_store %arg17[%swap3A_111, %swap3A_112], %broadcast_in_dim3A_25 {strides = array<i32>} : memref<16x128xf32, #tpu.memory_space<vmem>>, vector<16xf32>,
    %swap3A_114 = arith.constant 2 : i32
    %swap3A_115 = arith.index_cast %swap3A_114 : i32 to index
    %swap3A_116 = arith.constant 80 : index
    %swap3A_117 = tpu.vector_load %arg17[%swap3A_115, %swap3A_116] {strides = array<i32>} : memref<16x128xf32, #tpu.memory_space<vmem>>, vector<16xf32>,
    tpu.vector_store %arg17[%swap3A_115, %swap3A_116], %broadcast_in_dim3A_25 {strides = array<i32>} : memref<16x128xf32, #tpu.memory_space<vmem>>, vector<16xf32>,
    %swap3A_118 = arith.constant 2 : i32
    %swap3A_119 = arith.index_cast %swap3A_118 : i32 to index
    %swap3A_120 = arith.constant 96 : index
    %swap3A_121 = tpu.vector_load %arg17[%swap3A_119, %swap3A_120] {strides = array<i32>} : memref<16x128xf32, #tpu.memory_space<vmem>>, vector<16xf32>,
    tpu.vector_store %arg17[%swap3A_119, %swap3A_120], %broadcast_in_dim3A_25 {strides = array<i32>} : memref<16x128xf32, #tpu.memory_space<vmem>>, vector<16xf32>,
    %swap3A_122 = arith.constant 2 : i32
    %swap3A_123 = arith.index_cast %swap3A_122 : i32 to index
    %swap3A_124 = arith.constant 112 : index
    %swap3A_125 = tpu.vector_load %arg17[%swap3A_123, %swap3A_124] {strides = array<i32>} : memref<16x128xf32, #tpu.memory_space<vmem>>, vector<16xf32>,
    tpu.vector_store %arg17[%swap3A_123, %swap3A_124], %broadcast_in_dim3A_25 {strides = array<i32>} : memref<16x128xf32, #tpu.memory_space<vmem>>, vector<16xf32>,
    %swap3A_126 = arith.constant 3 : i32
    %swap3A_127 = arith.index_cast %swap3A_126 : i32 to index
    %swap3A_128 = arith.constant 0 : index
    %swap3A_129 = tpu.vector_load %arg17[%swap3A_127, %swap3A_128] {strides = array<i32>} : memref<16x128xf32, #tpu.memory_space<vmem>>, vector<16xf32>,
    tpu.vector_store %arg17[%swap3A_127, %swap3A_128], %broadcast_in_dim3A_25 {strides = array<i32>} : memref<16x128xf32, #tpu.memory_space<vmem>>, vector<16xf32>,
    %swap3A_130 = arith.constant 3 : i32
    %swap3A_131 = arith.index_cast %swap3A_130 : i32 to index
    %swap3A_132 = arith.constant 16 : index
    %swap3A_133 = tpu.vector_load %arg17[%swap3A_131, %swap3A_132] {strides = array<i32>} : memref<16x128xf32, #tpu.memory_space<vmem>>, vector<16xf32>,
    tpu.vector_store %arg17[%swap3A_131, %swap3A_132], %broadcast_in_dim3A_25 {strides = array<i32>} : memref<16x128xf32, #tpu.memory_space<vmem>>, vector<16xf32>,
    %swap3A_134 = arith.constant 3 : i32
    %swap3A_135 = arith.index_cast %swap3A_134 : i32 to index
    %swap3A_136 = arith.constant 32 : index
    %swap3A_137 = tpu.vector_load %arg17[%swap3A_135, %swap3A_136] {strides = array<i32>} : memref<16x128xf32, #tpu.memory_space<vmem>>, vector<16xf32>,
    tpu.vector_store %arg17[%swap3A_135, %swap3A_136], %broadcast_in_dim3A_25 {strides = array<i32>} : memref<16x128xf32, #tpu.memory_space<vmem>>, vector<16xf32>,
    %swap3A_138 = arith.constant 3 : i32
    %swap3A_139 = arith.index_cast %swap3A_138 : i32 to index
    %swap3A_140 = arith.constant 48 : index
    %swap3A_141 = tpu.vector_load %arg17[%swap3A_139, %swap3A_140] {strides = array<i32>} : memref<16x128xf32, #tpu.memory_space<vmem>>, vector<16xf32>,
    tpu.vector_store %arg17[%swap3A_139, %swap3A_140], %broadcast_in_dim3A_25 {strides = array<i32>} : memref<16x128xf32, #tpu.memory_space<vmem>>, vector<16xf32>,
    %swap3A_142 = arith.constant 3 : i32
    %swap3A_143 = arith.index_cast %swap3A_142 : i32 to index
    %swap3A_144 = arith.constant 64 : index
    %swap3A_145 = tpu.vector_load %arg17[%swap3A_143, %swap3A_144] {strides = array<i32>} : memref<16x128xf32, #tpu.memory_space<vmem>>, vector<16xf32>,
    tpu.vector_store %arg17[%swap3A_143, %swap3A_144], %broadcast_in_dim3A_25 {strides = array<i32>} : memref<16x128xf32, #tpu.memory_space<vmem>>, vector<16xf32>,
    %swap3A_146 = arith.constant 3 : i32
    %swap3A_147 = arith.index_cast %swap3A_146 : i32 to index
    %swap3A_148 = arith.constant 80 : index
    %swap3A_149 = tpu.vector_load %arg17[%swap3A_147, %swap3A_148] {strides = array<i32>} : memref<16x128xf32, #tpu.memory_space<vmem>>, vector<16xf32>,
    tpu.vector_store %arg17[%swap3A_147, %swap3A_148], %broadcast_in_dim3A_25 {strides = array<i32>} : memref<16x128xf32, #tpu.memory_space<vmem>>, vector<16xf32>,
    %swap3A_150 = arith.constant 3 : i32
    %swap3A_151 = arith.index_cast %swap3A_150 : i32 to index
    %swap3A_152 = arith.constant 96 : index
    %swap3A_153 = tpu.vector_load %arg17[%swap3A_151, %swap3A_152] {strides = array<i32>} : memref<16x128xf32, #tpu.memory_space<vmem>>, vector<16xf32>,
    tpu.vector_store %arg17[%swap3A_151, %swap3A_152], %broadcast_in_dim3A_25 {strides = array<i32>} : memref<16x128xf32, #tpu.memory_space<vmem>>, vector<16xf32>,
    %swap3A_154 = arith.constant 3 : i32
    %swap3A_155 = arith.index_cast %swap3A_154 : i32 to index
    %swap3A_156 = arith.constant 112 : index
    %swap3A_157 = tpu.vector_load %arg17[%swap3A_155, %swap3A_156] {strides = array<i32>} : memref<16x128xf32, #tpu.memory_space<vmem>>, vector<16xf32>,
    tpu.vector_store %arg17[%swap3A_155, %swap3A_156], %broadcast_in_dim3A_25 {strides = array<i32>} : memref<16x128xf32, #tpu.memory_space<vmem>>, vector<16xf32>,
    %swap3A_158 = arith.constant 4 : i32
    %swap3A_159 = arith.index_cast %swap3A_158 : i32 to index
    %swap3A_160 = arith.constant 0 : index
    %swap3A_161 = tpu.vector_load %arg17[%swap3A_159, %swap3A_160] {strides = array<i32>} : memref<16x128xf32, #tpu.memory_space<vmem>>, vector<16xf32>,
    tpu.vector_store %arg17[%swap3A_159, %swap3A_160], %broadcast_in_dim3A_25 {strides = array<i32>} : memref<16x128xf32, #tpu.memory_space<vmem>>, vector<16xf32>,
    %swap3A_162 = arith.constant 4 : i32
    %swap3A_163 = arith.index_cast %swap3A_162 : i32 to index
    %swap3A_164 = arith.constant 16 : index
    %swap3A_165 = tpu.vector_load %arg17[%swap3A_163, %swap3A_164] {strides = array<i32>} : memref<16x128xf32, #tpu.memory_space<vmem>>, vector<16xf32>,
    tpu.vector_store %arg17[%swap3A_163, %swap3A_164], %broadcast_in_dim3A_25 {strides = array<i32>} : memref<16x128xf32, #tpu.memory_space<vmem>>, vector<16xf32>,
    %swap3A_166 = arith.constant 4 : i32
    %swap3A_167 = arith.index_cast %swap3A_166 : i32 to index
    %swap3A_168 = arith.constant 32 : index
    %swap3A_169 = tpu.vector_load %arg17[%swap3A_167, %swap3A_168] {strides = array<i32>} : memref<16x128xf32, #tpu.memory_space<vmem>>, vector<16xf32>,
    tpu.vector_store %arg17[%swap3A_167, %swap3A_168], %broadcast_in_dim3A_25 {strides = array<i32>} : memref<16x128xf32, #tpu.memory_space<vmem>>, vector<16xf32>,
    %swap3A_170 = arith.constant 4 : i32
    %swap3A_171 = arith.index_cast %swap3A_170 : i32 to index
    %swap3A_172 = arith.constant 48 : index
    %swap3A_173 = tpu.vector_load %arg17[%swap3A_171, %swap3A_172] {strides = array<i32>} : memref<16x128xf32, #tpu.memory_space<vmem>>, vector<16xf32>,
    tpu.vector_store %arg17[%swap3A_171, %swap3A_172], %broadcast_in_dim3A_25 {strides = array<i32>} : memref<16x128xf32, #tpu.memory_space<vmem>>, vector<16xf32>,
    %swap3A_174 = arith.constant 4 : i32
    %swap3A_175 = arith.index_cast %swap3A_174 : i32 to index
    %swap3A_176 = arith.constant 64 : index
    %swap3A_177 = tpu.vector_load %arg17[%swap3A_175, %swap3A_176] {strides = array<i32>} : memref<16x128xf32, #tpu.memory_space<vmem>>, vector<16xf32>,
    tpu.vector_store %arg17[%swap3A_175, %swap3A_176], %broadcast_in_dim3A_25 {strides = array<i32>} : memref<16x128xf32, #tpu.memory_space<vmem>>, vector<16xf32>,
    %swap3A_178 = arith.constant 4 : i32
    %swap3A_179 = arith.index_cast %swap3A_178 : i32 to index
    %swap3A_180 = arith.constant 80 : index
    %swap3A_181 = tpu.vector_load %arg17[%swap3A_179, %swap3A_180] {strides = array<i32>} : memref<16x128xf32, #tpu.memory_space<vmem>>, vector<16xf32>,
    tpu.vector_store %arg17[%swap3A_179, %swap3A_180], %broadcast_in_dim3A_25 {strides = array<i32>} : memref<16x128xf32, #tpu.memory_space<vmem>>, vector<16xf32>,
    %swap3A_182 = arith.constant 4 : i32
    %swap3A_183 = arith.index_cast %swap3A_182 : i32 to index
    %swap3A_184 = arith.constant 96 : index
    %swap3A_185 = tpu.vector_load %arg17[%swap3A_183, %swap3A_184] {strides = array<i32>} : memref<16x128xf32, #tpu.memory_space<vmem>>, vector<16xf32>,
    tpu.vector_store %arg17[%swap3A_183, %swap3A_184], %broadcast_in_dim3A_25 {strides = array<i32>} : memref<16x128xf32, #tpu.memory_space<vmem>>, vector<16xf32>,
    %swap3A_186 = arith.constant 4 : i32
    %swap3A_187 = arith.index_cast %swap3A_186 : i32 to index
    %swap3A_188 = arith.constant 112 : index
    %swap3A_189 = tpu.vector_load %arg17[%swap3A_187, %swap3A_188] {strides = array<i32>} : memref<16x128xf32, #tpu.memory_space<vmem>>, vector<16xf32>,
    tpu.vector_store %arg17[%swap3A_187, %swap3A_188], %broadcast_in_dim3A_25 {strides = array<i32>} : memref<16x128xf32, #tpu.memory_space<vmem>>, vector<16xf32>,
    %swap3A_190 = arith.constant 5 : i32
    %swap3A_191 = arith.index_cast %swap3A_190 : i32 to index
    %swap3A_192 = arith.constant 0 : index
    %swap3A_193 = tpu.vector_load %arg17[%swap3A_191, %swap3A_192] {strides = array<i32>} : memref<16x128xf32, #tpu.memory_space<vmem>>, vector<16xf32>,
    tpu.vector_store %arg17[%swap3A_191, %swap3A_192], %broadcast_in_dim3A_25 {strides = array<i32>} : memref<16x128xf32, #tpu.memory_space<vmem>>, vector<16xf32>,
    %swap3A_194 = arith.constant 5 : i32
    %swap3A_195 = arith.index_cast %swap3A_194 : i32 to index
    %swap3A_196 = arith.constant 16 : index
    %swap3A_197 = tpu.vector_load %arg17[%swap3A_195, %swap3A_196] {strides = array<i32>} : memref<16x128xf32, #tpu.memory_space<vmem>>, vector<16xf32>,
    tpu.vector_store %arg17[%swap3A_195, %swap3A_196], %broadcast_in_dim3A_25 {strides = array<i32>} : memref<16x128xf32, #tpu.memory_space<vmem>>, vector<16xf32>,
    %swap3A_198 = arith.constant 5 : i32
    %swap3A_199 = arith.index_cast %swap3A_198 : i32 to index
    %swap3A_200 = arith.constant 32 : index
    %swap3A_201 = tpu.vector_load %arg17[%swap3A_199, %swap3A_200] {strides = array<i32>} : memref<16x128xf32, #tpu.memory_space<vmem>>, vector<16xf32>,
    tpu.vector_store %arg17[%swap3A_199, %swap3A_200], %broadcast_in_dim3A_25 {strides = array<i32>} : memref<16x128xf32, #tpu.memory_space<vmem>>, vector<16xf32>,
    %swap3A_202 = arith.constant 5 : i32
    %swap3A_203 = arith.index_cast %swap3A_202 : i32 to index
    %swap3A_204 = arith.constant 48 : index
    %swap3A_205 = tpu.vector_load %arg17[%swap3A_203, %swap3A_204] {strides = array<i32>} : memref<16x128xf32, #tpu.memory_space<vmem>>, vector<16xf32>,
    tpu.vector_store %arg17[%swap3A_203, %swap3A_204], %broadcast_in_dim3A_25 {strides = array<i32>} : memref<16x128xf32, #tpu.memory_space<vmem>>, vector<16xf32>,
    %swap3A_206 = arith.constant 5 : i32
    %swap3A_207 = arith.index_cast %swap3A_206 : i32 to index
    %swap3A_208 = arith.constant 64 : index
    %swap3A_209 = tpu.vector_load %arg17[%swap3A_207, %swap3A_208] {strides = array<i32>} : memref<16x128xf32, #tpu.memory_space<vmem>>, vector<16xf32>,
    tpu.vector_store %arg17[%swap3A_207, %swap3A_208], %broadcast_in_dim3A_25 {strides = array<i32>} : memref<16x128xf32, #tpu.memory_space<vmem>>, vector<16xf32>,
    %swap3A_210 = arith.constant 5 : i32
    %swap3A_211 = arith.index_cast %swap3A_210 : i32 to index
    %swap3A_212 = arith.constant 80 : index
    %swap3A_213 = tpu.vector_load %arg17[%swap3A_211, %swap3A_212] {strides = array<i32>} : memref<16x128xf32, #tpu.memory_space<vmem>>, vector<16xf32>,
    tpu.vector_store %arg17[%swap3A_211, %swap3A_212], %broadcast_in_dim3A_25 {strides = array<i32>} : memref<16x128xf32, #tpu.memory_space<vmem>>, vector<16xf32>,
    %swap3A_214 = arith.constant 5 : i32
    %swap3A_215 = arith.index_cast %swap3A_214 : i32 to index
    %swap3A_216 = arith.constant 96 : index
    %swap3A_217 = tpu.vector_load %arg17[%swap3A_215, %swap3A_216] {strides = array<i32>} : memref<16x128xf32, #tpu.memory_space<vmem>>, vector<16xf32>,
    tpu.vector_store %arg17[%swap3A_215, %swap3A_216], %broadcast_in_dim3A_25 {strides = array<i32>} : memref<16x128xf32, #tpu.memory_space<vmem>>, vector<16xf32>,
    %swap3A_218 = arith.constant 5 : i32
    %swap3A_219 = arith.index_cast %swap3A_218 : i32 to index
    %swap3A_220 = arith.constant 112 : index
    %swap3A_221 = tpu.vector_load %arg17[%swap3A_219, %swap3A_220] {strides = array<i32>} : memref<16x128xf32, #tpu.memory_space<vmem>>, vector<16xf32>,
    tpu.vector_store %arg17[%swap3A_219, %swap3A_220], %broadcast_in_dim3A_25 {strides = array<i32>} : memref<16x128xf32, #tpu.memory_space<vmem>>, vector<16xf32>,
    %swap3A_222 = arith.constant 6 : i32
    %swap3A_223 = arith.index_cast %swap3A_222 : i32 to index
    %swap3A_224 = arith.constant 0 : index
    %swap3A_225 = tpu.vector_load %arg17[%swap3A_223, %swap3A_224] {strides = array<i32>} : memref<16x128xf32, #tpu.memory_space<vmem>>, vector<16xf32>,
    tpu.vector_store %arg17[%swap3A_223, %swap3A_224], %broadcast_in_dim3A_25 {strides = array<i32>} : memref<16x128xf32, #tpu.memory_space<vmem>>, vector<16xf32>,
    %swap3A_226 = arith.constant 6 : i32
    %swap3A_227 = arith.index_cast %swap3A_226 : i32 to index
    %swap3A_228 = arith.constant 16 : index
    %swap3A_229 = tpu.vector_load %arg17[%swap3A_227, %swap3A_228] {strides = array<i32>} : memref<16x128xf32, #tpu.memory_space<vmem>>, vector<16xf32>,
    tpu.vector_store %arg17[%swap3A_227, %swap3A_228], %broadcast_in_dim3A_25 {strides = array<i32>} : memref<16x128xf32, #tpu.memory_space<vmem>>, vector<16xf32>,
    %swap3A_230 = arith.constant 6 : i32
    %swap3A_231 = arith.index_cast %swap3A_230 : i32 to index
    %swap3A_232 = arith.constant 32 : index
    %swap3A_233 = tpu.vector_load %arg17[%swap3A_231, %swap3A_232] {strides = array<i32>} : memref<16x128xf32, #tpu.memory_space<vmem>>, vector<16xf32>,
    tpu.vector_store %arg17[%swap3A_231, %swap3A_232], %broadcast_in_dim3A_25 {strides = array<i32>} : memref<16x128xf32, #tpu.memory_space<vmem>>, vector<16xf32>,
    %swap3A_234 = arith.constant 6 : i32
    %swap3A_235 = arith.index_cast %swap3A_234 : i32 to index
    %swap3A_236 = arith.constant 48 : index
    %swap3A_237 = tpu.vector_load %arg17[%swap3A_235, %swap3A_236] {strides = array<i32>} : memref<16x128xf32, #tpu.memory_space<vmem>>, vector<16xf32>,
    tpu.vector_store %arg17[%swap3A_235, %swap3A_236], %broadcast_in_dim3A_25 {strides = array<i32>} : memref<16x128xf32, #tpu.memory_space<vmem>>, vector<16xf32>,
    %swap3A_238 = arith.constant 6 : i32
    %swap3A_239 = arith.index_cast %swap3A_238 : i32 to index
    %swap3A_240 = arith.constant 64 : index
    %swap3A_241 = tpu.vector_load %arg17[%swap3A_239, %swap3A_240] {strides = array<i32>} : memref<16x128xf32, #tpu.memory_space<vmem>>, vector<16xf32>,
    tpu.vector_store %arg17[%swap3A_239, %swap3A_240], %broadcast_in_dim3A_25 {strides = array<i32>} : memref<16x128xf32, #tpu.memory_space<vmem>>, vector<16xf32>,
    %swap3A_242 = arith.constant 6 : i32
    %swap3A_243 = arith.index_cast %swap3A_242 : i32 to index
    %swap3A_244 = arith.constant 80 : index
    %swap3A_245 = tpu.vector_load %arg17[%swap3A_243, %swap3A_244] {strides = array<i32>} : memref<16x128xf32, #tpu.memory_space<vmem>>, vector<16xf32>,
    tpu.vector_store %arg17[%swap3A_243, %swap3A_244], %broadcast_in_dim3A_25 {strides = array<i32>} : memref<16x128xf32, #tpu.memory_space<vmem>>, vector<16xf32>,
    %swap3A_246 = arith.constant 6 : i32
    %swap3A_247 = arith.index_cast %swap3A_246 : i32 to index
    %swap3A_248 = arith.constant 96 : index
    %swap3A_249 = tpu.vector_load %arg17[%swap3A_247, %swap3A_248] {strides = array<i32>} : memref<16x128xf32, #tpu.memory_space<vmem>>, vector<16xf32>,
    tpu.vector_store %arg17[%swap3A_247, %swap3A_248], %broadcast_in_dim3A_25 {strides = array<i32>} : memref<16x128xf32, #tpu.memory_space<vmem>>, vector<16xf32>,
    %swap3A_250 = arith.constant 6 : i32
    %swap3A_251 = arith.index_cast %swap3A_250 : i32 to index
    %swap3A_252 = arith.constant 112 : index
    %swap3A_253 = tpu.vector_load %arg17[%swap3A_251, %swap3A_252] {strides = array<i32>} : memref<16x128xf32, #tpu.memory_space<vmem>>, vector<16xf32>,
    tpu.vector_store %arg17[%swap3A_251, %swap3A_252], %broadcast_in_dim3A_25 {strides = array<i32>} : memref<16x128xf32, #tpu.memory_space<vmem>>, vector<16xf32>,
    %swap3A_254 = arith.constant 7 : i32
    %swap3A_255 = arith.index_cast %swap3A_254 : i32 to index
    %swap3A_256 = arith.constant 0 : index
    %swap3A_257 = tpu.vector_load %arg17[%swap3A_255, %swap3A_256] {strides = array<i32>} : memref<16x128xf32, #tpu.memory_space<vmem>>, vector<16xf32>,
    tpu.vector_store %arg17[%swap3A_255, %swap3A_256], %broadcast_in_dim3A_25 {strides = array<i32>} : memref<16x128xf32, #tpu.memory_space<vmem>>, vector<16xf32>,
    %swap3A_258 = arith.constant 7 : i32
    %swap3A_259 = arith.index_cast %swap3A_258 : i32 to index
    %swap3A_260 = arith.constant 16 : index
    %swap3A_261 = tpu.vector_load %arg17[%swap3A_259, %swap3A_260] {strides = array<i32>} : memref<16x128xf32, #tpu.memory_space<vmem>>, vector<16xf32>,
    tpu.vector_store %arg17[%swap3A_259, %swap3A_260], %broadcast_in_dim3A_25 {strides = array<i32>} : memref<16x128xf32, #tpu.memory_space<vmem>>, vector<16xf32>,
    %swap3A_262 = arith.constant 7 : i32
    %swap3A_263 = arith.index_cast %swap3A_262 : i32 to index
    %swap3A_264 = arith.constant 32 : index
    %swap3A_265 = tpu.vector_load %arg17[%swap3A_263, %swap3A_264] {strides = array<i32>} : memref<16x128xf32, #tpu.memory_space<vmem>>, vector<16xf32>,
    tpu.vector_store %arg17[%swap3A_263, %swap3A_264], %broadcast_in_dim3A_25 {strides = array<i32>} : memref<16x128xf32, #tpu.memory_space<vmem>>, vector<16xf32>,
    %swap3A_266 = arith.constant 7 : i32
    %swap3A_267 = arith.index_cast %swap3A_266 : i32 to index
    %swap3A_268 = arith.constant 48 : index
    %swap3A_269 = tpu.vector_load %arg17[%swap3A_267, %swap3A_268] {strides = array<i32>} : memref<16x128xf32, #tpu.memory_space<vmem>>, vector<16xf32>,
    tpu.vector_store %arg17[%swap3A_267, %swap3A_268], %broadcast_in_dim3A_25 {strides = array<i32>} : memref<16x128xf32, #tpu.memory_space<vmem>>, vector<16xf32>,
    %swap3A_270 = arith.constant 7 : i32
    %swap3A_271 = arith.index_cast %swap3A_270 : i32 to index
    %swap3A_272 = arith.constant 64 : index
    %swap3A_273 = tpu.vector_load %arg17[%swap3A_271, %swap3A_272] {strides = array<i32>} : memref<16x128xf32, #tpu.memory_space<vmem>>, vector<16xf32>,
    tpu.vector_store %arg17[%swap3A_271, %swap3A_272], %broadcast_in_dim3A_25 {strides = array<i32>} : memref<16x128xf32, #tpu.memory_space<vmem>>, vector<16xf32>,
    %swap3A_274 = arith.constant 7 : i32
    %swap3A_275 = arith.index_cast %swap3A_274 : i32 to index
    %swap3A_276 = arith.constant 80 : index
    %swap3A_277 = tpu.vector_load %arg17[%swap3A_275, %swap3A_276] {strides = array<i32>} : memref<16x128xf32, #tpu.memory_space<vmem>>, vector<16xf32>,
    tpu.vector_store %arg17[%swap3A_275, %swap3A_276], %broadcast_in_dim3A_25 {strides = array<i32>} : memref<16x128xf32, #tpu.memory_space<vmem>>, vector<16xf32>,
    %swap3A_278 = arith.constant 7 : i32
    %swap3A_279 = arith.index_cast %swap3A_278 : i32 to index
    %swap3A_280 = arith.constant 96 : index
    %swap3A_281 = tpu.vector_load %arg17[%swap3A_279, %swap3A_280] {strides = array<i32>} : memref<16x128xf32, #tpu.memory_space<vmem>>, vector<16xf32>,
    tpu.vector_store %arg17[%swap3A_279, %swap3A_280], %broadcast_in_dim3A_25 {strides = array<i32>} : memref<16x128xf32, #tpu.memory_space<vmem>>, vector<16xf32>,
    %swap3A_282 = arith.constant 7 : i32
    %swap3A_283 = arith.index_cast %swap3A_282 : i32 to index
    %swap3A_284 = arith.constant 112 : index
    %swap3A_285 = tpu.vector_load %arg17[%swap3A_283, %swap3A_284] {strides = array<i32>} : memref<16x128xf32, #tpu.memory_space<vmem>>, vector<16xf32>,
    tpu.vector_store %arg17[%swap3A_283, %swap3A_284], %broadcast_in_dim3A_25 {strides = array<i32>} : memref<16x128xf32, #tpu.memory_space<vmem>>, vector<16xf32>,
    %swap3A_286 = arith.constant 8 : i32
    %swap3A_287 = arith.index_cast %swap3A_286 : i32 to index
    %swap3A_288 = arith.constant 0 : index
    %swap3A_289 = tpu.vector_load %arg17[%swap3A_287, %swap3A_288] {strides = array<i32>} : memref<16x128xf32, #tpu.memory_space<vmem>>, vector<16xf32>,
    tpu.vector_store %arg17[%swap3A_287, %swap3A_288], %broadcast_in_dim3A_25 {strides = array<i32>} : memref<16x128xf32, #tpu.memory_space<vmem>>, vector<16xf32>,
    %swap3A_290 = arith.constant 8 : i32
    %swap3A_291 = arith.index_cast %swap3A_290 : i32 to index
    %swap3A_292 = arith.constant 16 : index
    %swap3A_293 = tpu.vector_load %arg17[%swap3A_291, %swap3A_292] {strides = array<i32>} : memref<16x128xf32, #tpu.memory_space<vmem>>, vector<16xf32>,
    tpu.vector_store %arg17[%swap3A_291, %swap3A_292], %broadcast_in_dim3A_25 {strides = array<i32>} : memref<16x128xf32, #tpu.memory_space<vmem>>, vector<16xf32>,
    %swap3A_294 = arith.constant 8 : i32
    %swap3A_295 = arith.index_cast %swap3A_294 : i32 to index
    %swap3A_296 = arith.constant 32 : index
    %swap3A_297 = tpu.vector_load %arg17[%swap3A_295, %swap3A_296] {strides = array<i32>} : memref<16x128xf32, #tpu.memory_space<vmem>>, vector<16xf32>,
    tpu.vector_store %arg17[%swap3A_295, %swap3A_296], %broadcast_in_dim3A_25 {strides = array<i32>} : memref<16x128xf32, #tpu.memory_space<vmem>>, vector<16xf32>,
    %swap3A_298 = arith.constant 8 : i32
    %swap3A_299 = arith.index_cast %swap3A_298 : i32 to index
    %swap3A_300 = arith.constant 48 : index
    %swap3A_301 = tpu.vector_load %arg17[%swap3A_299, %swap3A_300] {strides = array<i32>} : memref<16x128xf32, #tpu.memory_space<vmem>>, vector<16xf32>,
    tpu.vector_store %arg17[%swap3A_299, %swap3A_300], %broadcast_in_dim3A_25 {strides = array<i32>} : memref<16x128xf32, #tpu.memory_space<vmem>>, vector<16xf32>,
    %swap3A_302 = arith.constant 8 : i32
    %swap3A_303 = arith.index_cast %swap3A_302 : i32 to index
    %swap3A_304 = arith.constant 64 : index
    %swap3A_305 = tpu.vector_load %arg17[%swap3A_303, %swap3A_304] {strides = array<i32>} : memref<16x128xf32, #tpu.memory_space<vmem>>, vector<16xf32>,
    tpu.vector_store %arg17[%swap3A_303, %swap3A_304], %broadcast_in_dim3A_25 {strides = array<i32>} : memref<16x128xf32, #tpu.memory_space<vmem>>, vector<16xf32>,
    %swap3A_306 = arith.constant 8 : i32
    %swap3A_307 = arith.index_cast %swap3A_306 : i32 to index
    %swap3A_308 = arith.constant 80 : index
    %swap3A_309 = tpu.vector_load %arg17[%swap3A_307, %swap3A_308] {strides = array<i32>} : memref<16x128xf32, #tpu.memory_space<vmem>>, vector<16xf32>,
    tpu.vector_store %arg17[%swap3A_307, %swap3A_308], %broadcast_in_dim3A_25 {strides = array<i32>} : memref<16x128xf32, #tpu.memory_space<vmem>>, vector<16xf32>,
    %swap3A_310 = arith.constant 8 : i32
    %swap3A_311 = arith.index_cast %swap3A_310 : i32 to index
    %swap3A_312 = arith.constant 96 : index
    %swap3A_313 = tpu.vector_load %arg17[%swap3A_311, %swap3A_312] {strides = array<i32>} : memref<16x128xf32, #tpu.memory_space<vmem>>, vector<16xf32>,
    tpu.vector_store %arg17[%swap3A_311, %swap3A_312], %broadcast_in_dim3A_25 {strides = array<i32>} : memref<16x128xf32, #tpu.memory_space<vmem>>, vector<16xf32>,
    %swap3A_314 = arith.constant 8 : i32
    %swap3A_315 = arith.index_cast %swap3A_314 : i32 to index
    %swap3A_316 = arith.constant 112 : index
    %swap3A_317 = tpu.vector_load %arg17[%swap3A_315, %swap3A_316] {strides = array<i32>} : memref<16x128xf32, #tpu.memory_space<vmem>>, vector<16xf32>,
    tpu.vector_store %arg17[%swap3A_315, %swap3A_316], %broadcast_in_dim3A_25 {strides = array<i32>} : memref<16x128xf32, #tpu.memory_space<vmem>>, vector<16xf32>,
    %swap3A_318 = arith.constant 9 : i32
    %swap3A_319 = arith.index_cast %swap3A_318 : i32 to index
    %swap3A_320 = arith.constant 0 : index
    %swap3A_321 = tpu.vector_load %arg17[%swap3A_319, %swap3A_320] {strides = array<i32>} : memref<16x128xf32, #tpu.memory_space<vmem>>, vector<16xf32>,
    tpu.vector_store %arg17[%swap3A_319, %swap3A_320], %broadcast_in_dim3A_25 {strides = array<i32>} : memref<16x128xf32, #tpu.memory_space<vmem>>, vector<16xf32>,
    %swap3A_322 = arith.constant 9 : i32
    %swap3A_323 = arith.index_cast %swap3A_322 : i32 to index
    %swap3A_324 = arith.constant 16 : index
    %swap3A_325 = tpu.vector_load %arg17[%swap3A_323, %swap3A_324] {strides = array<i32>} : memref<16x128xf32, #tpu.memory_space<vmem>>, vector<16xf32>,
    tpu.vector_store %arg17[%swap3A_323, %swap3A_324], %broadcast_in_dim3A_25 {strides = array<i32>} : memref<16x128xf32, #tpu.memory_space<vmem>>, vector<16xf32>,
    %swap3A_326 = arith.constant 9 : i32
    %swap3A_327 = arith.index_cast %swap3A_326 : i32 to index
    %swap3A_328 = arith.constant 32 : index
    %swap3A_329 = tpu.vector_load %arg17[%swap3A_327, %swap3A_328] {strides = array<i32>} : memref<16x128xf32, #tpu.memory_space<vmem>>, vector<16xf32>,
    tpu.vector_store %arg17[%swap3A_327, %swap3A_328], %broadcast_in_dim3A_25 {strides = array<i32>} : memref<16x128xf32, #tpu.memory_space<vmem>>, vector<16xf32>,
    %swap3A_330 = arith.constant 9 : i32
    %swap3A_331 = arith.index_cast %swap3A_330 : i32 to index
    %swap3A_332 = arith.constant 48 : index
    %swap3A_333 = tpu.vector_load %arg17[%swap3A_331, %swap3A_332] {strides = array<i32>} : memref<16x128xf32, #tpu.memory_space<vmem>>, vector<16xf32>,
    tpu.vector_store %arg17[%swap3A_331, %swap3A_332], %broadcast_in_dim3A_25 {strides = array<i32>} : memref<16x128xf32, #tpu.memory_space<vmem>>, vector<16xf32>,
    %swap3A_334 = arith.constant 9 : i32
    %swap3A_335 = arith.index_cast %swap3A_334 : i32 to index
    %swap3A_336 = arith.constant 64 : index
    %swap3A_337 = tpu.vector_load %arg17[%swap3A_335, %swap3A_336] {strides = array<i32>} : memref<16x128xf32, #tpu.memory_space<vmem>>, vector<16xf32>,
    tpu.vector_store %arg17[%swap3A_335, %swap3A_336], %broadcast_in_dim3A_25 {strides = array<i32>} : memref<16x128xf32, #tpu.memory_space<vmem>>, vector<16xf32>,
    %swap3A_338 = arith.constant 9 : i32
    %swap3A_339 = arith.index_cast %swap3A_338 : i32 to index
    %swap3A_340 = arith.constant 80 : index
    %swap3A_341 = tpu.vector_load %arg17[%swap3A_339, %swap3A_340] {strides = array<i32>} : memref<16x128xf32, #tpu.memory_space<vmem>>, vector<16xf32>,
    tpu.vector_store %arg17[%swap3A_339, %swap3A_340], %broadcast_in_dim3A_25 {strides = array<i32>} : memref<16x128xf32, #tpu.memory_space<vmem>>, vector<16xf32>,
    %swap3A_342 = arith.constant 9 : i32
    %swap3A_343 = arith.index_cast %swap3A_342 : i32 to index
    %swap3A_344 = arith.constant 96 : index
    %swap3A_345 = tpu.vector_load %arg17[%swap3A_343, %swap3A_344] {strides = array<i32>} : memref<16x128xf32, #tpu.memory_space<vmem>>, vector<16xf32>,
    tpu.vector_store %arg17[%swap3A_343, %swap3A_344], %broadcast_in_dim3A_25 {strides = array<i32>} : memref<16x128xf32, #tpu.memory_space<vmem>>, vector<16xf32>,
    %swap3A_346 = arith.constant 9 : i32
    %swap3A_347 = arith.index_cast %swap3A_346 : i32 to index
    %swap3A_348 = arith.constant 112 : index
    %swap3A_349 = tpu.vector_load %arg17[%swap3A_347, %swap3A_348] {strides = array<i32>} : memref<16x128xf32, #tpu.memory_space<vmem>>, vector<16xf32>,
    tpu.vector_store %arg17[%swap3A_347, %swap3A_348], %broadcast_in_dim3A_25 {strides = array<i32>} : memref<16x128xf32, #tpu.memory_space<vmem>>, vector<16xf32>,
    %swap3A_350 = arith.constant 10 : i32
    %swap3A_351 = arith.index_cast %swap3A_350 : i32 to index
    %swap3A_352 = arith.constant 0 : index
    %swap3A_353 = tpu.vector_load %arg17[%swap3A_351, %swap3A_352] {strides = array<i32>} : memref<16x128xf32, #tpu.memory_space<vmem>>, vector<16xf32>,
    tpu.vector_store %arg17[%swap3A_351, %swap3A_352], %broadcast_in_dim3A_25 {strides = array<i32>} : memref<16x128xf32, #tpu.memory_space<vmem>>, vector<16xf32>,
    %swap3A_354 = arith.constant 10 : i32
    %swap3A_355 = arith.index_cast %swap3A_354 : i32 to index
    %swap3A_356 = arith.constant 16 : index
    %swap3A_357 = tpu.vector_load %arg17[%swap3A_355, %swap3A_356] {strides = array<i32>} : memref<16x128xf32, #tpu.memory_space<vmem>>, vector<16xf32>,
    tpu.vector_store %arg17[%swap3A_355, %swap3A_356], %broadcast_in_dim3A_25 {strides = array<i32>} : memref<16x128xf32, #tpu.memory_space<vmem>>, vector<16xf32>,
    %swap3A_358 = arith.constant 10 : i32
    %swap3A_359 = arith.index_cast %swap3A_358 : i32 to index
    %swap3A_360 = arith.constant 32 : index
    %swap3A_361 = tpu.vector_load %arg17[%swap3A_359, %swap3A_360] {strides = array<i32>} : memref<16x128xf32, #tpu.memory_space<vmem>>, vector<16xf32>,
    tpu.vector_store %arg17[%swap3A_359, %swap3A_360], %broadcast_in_dim3A_25 {strides = array<i32>} : memref<16x128xf32, #tpu.memory_space<vmem>>, vector<16xf32>,
    %swap3A_362 = arith.constant 10 : i32
    %swap3A_363 = arith.index_cast %swap3A_362 : i32 to index
    %swap3A_364 = arith.constant 48 : index
    %swap3A_365 = tpu.vector_load %arg17[%swap3A_363, %swap3A_364] {strides = array<i32>} : memref<16x128xf32, #tpu.memory_space<vmem>>, vector<16xf32>,
    tpu.vector_store %arg17[%swap3A_363, %swap3A_364], %broadcast_in_dim3A_25 {strides = array<i32>} : memref<16x128xf32, #tpu.memory_space<vmem>>, vector<16xf32>,
    %swap3A_366 = arith.constant 10 : i32
    %swap3A_367 = arith.index_cast %swap3A_366 : i32 to index
    %swap3A_368 = arith.constant 64 : index
    %swap3A_369 = tpu.vector_load %arg17[%swap3A_367, %swap3A_368] {strides = array<i32>} : memref<16x128xf32, #tpu.memory_space<vmem>>, vector<16xf32>,
    tpu.vector_store %arg17[%swap3A_367, %swap3A_368], %broadcast_in_dim3A_25 {strides = array<i32>} : memref<16x128xf32, #tpu.memory_space<vmem>>, vector<16xf32>,
    %swap3A_370 = arith.constant 10 : i32
    %swap3A_371 = arith.index_cast %swap3A_370 : i32 to index
    %swap3A_372 = arith.constant 80 : index
    %swap3A_373 = tpu.vector_load %arg17[%swap3A_371, %swap3A_372] {strides = array<i32>} : memref<16x128xf32, #tpu.memory_space<vmem>>, vector<16xf32>,
    tpu.vector_store %arg17[%swap3A_371, %swap3A_372], %broadcast_in_dim3A_25 {strides = array<i32>} : memref<16x128xf32, #tpu.memory_space<vmem>>, vector<16xf32>,
    %swap3A_374 = arith.constant 10 : i32
    %swap3A_375 = arith.index_cast %swap3A_374 : i32 to index
    %swap3A_376 = arith.constant 96 : index
    %swap3A_377 = tpu.vector_load %arg17[%swap3A_375, %swap3A_376] {strides = array<i32>} : memref<16x128xf32, #tpu.memory_space<vmem>>, vector<16xf32>,
    tpu.vector_store %arg17[%swap3A_375, %swap3A_376], %broadcast_in_dim3A_25 {strides = array<i32>} : memref<16x128xf32, #tpu.memory_space<vmem>>, vector<16xf32>,
    %swap3A_378 = arith.constant 10 : i32
    %swap3A_379 = arith.index_cast %swap3A_378 : i32 to index
    %swap3A_380 = arith.constant 112 : index
    %swap3A_381 = tpu.vector_load %arg17[%swap3A_379, %swap3A_380] {strides = array<i32>} : memref<16x128xf32, #tpu.memory_space<vmem>>, vector<16xf32>,
    tpu.vector_store %arg17[%swap3A_379, %swap3A_380], %broadcast_in_dim3A_25 {strides = array<i32>} : memref<16x128xf32, #tpu.memory_space<vmem>>, vector<16xf32>,
    %swap3A_382 = arith.constant 11 : i32
    %swap3A_383 = arith.index_cast %swap3A_382 : i32 to index
    %swap3A_384 = arith.constant 0 : index
    %swap3A_385 = tpu.vector_load %arg17[%swap3A_383, %swap3A_384] {strides = array<i32>} : memref<16x128xf32, #tpu.memory_space<vmem>>, vector<16xf32>,
    tpu.vector_store %arg17[%swap3A_383, %swap3A_384], %broadcast_in_dim3A_25 {strides = array<i32>} : memref<16x128xf32, #tpu.memory_space<vmem>>, vector<16xf32>,
    %swap3A_386 = arith.constant 11 : i32
    %swap3A_387 = arith.index_cast %swap3A_386 : i32 to index
    %swap3A_388 = arith.constant 16 : index
    %swap3A_389 = tpu.vector_load %arg17[%swap3A_387, %swap3A_388] {strides = array<i32>} : memref<16x128xf32, #tpu.memory_space<vmem>>, vector<16xf32>,
    tpu.vector_store %arg17[%swap3A_387, %swap3A_388], %broadcast_in_dim3A_25 {strides = array<i32>} : memref<16x128xf32, #tpu.memory_space<vmem>>, vector<16xf32>,
    %swap3A_390 = arith.constant 11 : i32
    %swap3A_391 = arith.index_cast %swap3A_390 : i32 to index
    %swap3A_392 = arith.constant 32 : index
    %swap3A_393 = tpu.vector_load %arg17[%swap3A_391, %swap3A_392] {strides = array<i32>} : memref<16x128xf32, #tpu.memory_space<vmem>>, vector<16xf32>,
    tpu.vector_store %arg17[%swap3A_391, %swap3A_392], %broadcast_in_dim3A_25 {strides = array<i32>} : memref<16x128xf32, #tpu.memory_space<vmem>>, vector<16xf32>,
    %swap3A_394 = arith.constant 11 : i32
    %swap3A_395 = arith.index_cast %swap3A_394 : i32 to index
    %swap3A_396 = arith.constant 48 : index
    %swap3A_397 = tpu.vector_load %arg17[%swap3A_395, %swap3A_396] {strides = array<i32>} : memref<16x128xf32, #tpu.memory_space<vmem>>, vector<16xf32>,
    tpu.vector_store %arg17[%swap3A_395, %swap3A_396], %broadcast_in_dim3A_25 {strides = array<i32>} : memref<16x128xf32, #tpu.memory_space<vmem>>, vector<16xf32>,
    %swap3A_398 = arith.constant 11 : i32
    %swap3A_399 = arith.index_cast %swap3A_398 : i32 to index
    %swap3A_400 = arith.constant 64 : index
    %swap3A_401 = tpu.vector_load %arg17[%swap3A_399, %swap3A_400] {strides = array<i32>} : memref<16x128xf32, #tpu.memory_space<vmem>>, vector<16xf32>,
    tpu.vector_store %arg17[%swap3A_399, %swap3A_400], %broadcast_in_dim3A_25 {strides = array<i32>} : memref<16x128xf32, #tpu.memory_space<vmem>>, vector<16xf32>,
    %swap3A_402 = arith.constant 11 : i32
    %swap3A_403 = arith.index_cast %swap3A_402 : i32 to index
    %swap3A_404 = arith.constant 80 : index
    %swap3A_405 = tpu.vector_load %arg17[%swap3A_403, %swap3A_404] {strides = array<i32>} : memref<16x128xf32, #tpu.memory_space<vmem>>, vector<16xf32>,
    tpu.vector_store %arg17[%swap3A_403, %swap3A_404], %broadcast_in_dim3A_25 {strides = array<i32>} : memref<16x128xf32, #tpu.memory_space<vmem>>, vector<16xf32>,
    %swap3A_406 = arith.constant 11 : i32
    %swap3A_407 = arith.index_cast %swap3A_406 : i32 to index
    %swap3A_408 = arith.constant 96 : index
    %swap3A_409 = tpu.vector_load %arg17[%swap3A_407, %swap3A_408] {strides = array<i32>} : memref<16x128xf32, #tpu.memory_space<vmem>>, vector<16xf32>,
    tpu.vector_store %arg17[%swap3A_407, %swap3A_408], %broadcast_in_dim3A_25 {strides = array<i32>} : memref<16x128xf32, #tpu.memory_space<vmem>>, vector<16xf32>,
    %swap3A_410 = arith.constant 11 : i32
    %swap3A_411 = arith.index_cast %swap3A_410 : i32 to index
    %swap3A_412 = arith.constant 112 : index
    %swap3A_413 = tpu.vector_load %arg17[%swap3A_411, %swap3A_412] {strides = array<i32>} : memref<16x128xf32, #tpu.memory_space<vmem>>, vector<16xf32>,
    tpu.vector_store %arg17[%swap3A_411, %swap3A_412], %broadcast_in_dim3A_25 {strides = array<i32>} : memref<16x128xf32, #tpu.memory_space<vmem>>, vector<16xf32>,
    %swap3A_414 = arith.constant 12 : i32
    %swap3A_415 = arith.index_cast %swap3A_414 : i32 to index
    %swap3A_416 = arith.constant 0 : index
    %swap3A_417 = tpu.vector_load %arg17[%swap3A_415, %swap3A_416] {strides = array<i32>} : memref<16x128xf32, #tpu.memory_space<vmem>>, vector<16xf32>,
    tpu.vector_store %arg17[%swap3A_415, %swap3A_416], %broadcast_in_dim3A_25 {strides = array<i32>} : memref<16x128xf32, #tpu.memory_space<vmem>>, vector<16xf32>,
    %swap3A_418 = arith.constant 12 : i32
    %swap3A_419 = arith.index_cast %swap3A_418 : i32 to index
    %swap3A_420 = arith.constant 16 : index
    %swap3A_421 = tpu.vector_load %arg17[%swap3A_419, %swap3A_420] {strides = array<i32>} : memref<16x128xf32, #tpu.memory_space<vmem>>, vector<16xf32>,
    tpu.vector_store %arg17[%swap3A_419, %swap3A_420], %broadcast_in_dim3A_25 {strides = array<i32>} : memref<16x128xf32, #tpu.memory_space<vmem>>, vector<16xf32>,
    %swap3A_422 = arith.constant 12 : i32
    %swap3A_423 = arith.index_cast %swap3A_422 : i32 to index
    %swap3A_424 = arith.constant 32 : index
    %swap3A_425 = tpu.vector_load %arg17[%swap3A_423, %swap3A_424] {strides = array<i32>} : memref<16x128xf32, #tpu.memory_space<vmem>>, vector<16xf32>,
    tpu.vector_store %arg17[%swap3A_423, %swap3A_424], %broadcast_in_dim3A_25 {strides = array<i32>} : memref<16x128xf32, #tpu.memory_space<vmem>>, vector<16xf32>,
    %swap3A_426 = arith.constant 12 : i32
    %swap3A_427 = arith.index_cast %swap3A_426 : i32 to index
    %swap3A_428 = arith.constant 48 : index
    %swap3A_429 = tpu.vector_load %arg17[%swap3A_427, %swap3A_428] {strides = array<i32>} : memref<16x128xf32, #tpu.memory_space<vmem>>, vector<16xf32>,
    tpu.vector_store %arg17[%swap3A_427, %swap3A_428], %broadcast_in_dim3A_25 {strides = array<i32>} : memref<16x128xf32, #tpu.memory_space<vmem>>, vector<16xf32>,
    %swap3A_430 = arith.constant 12 : i32
    %swap3A_431 = arith.index_cast %swap3A_430 : i32 to index
    %swap3A_432 = arith.constant 64 : index
    %swap3A_433 = tpu.vector_load %arg17[%swap3A_431, %swap3A_432] {strides = array<i32>} : memref<16x128xf32, #tpu.memory_space<vmem>>, vector<16xf32>,
    tpu.vector_store %arg17[%swap3A_431, %swap3A_432], %broadcast_in_dim3A_25 {strides = array<i32>} : memref<16x128xf32, #tpu.memory_space<vmem>>, vector<16xf32>,
    %swap3A_434 = arith.constant 12 : i32
    %swap3A_435 = arith.index_cast %swap3A_434 : i32 to index
    %swap3A_436 = arith.constant 80 : index
    %swap3A_437 = tpu.vector_load %arg17[%swap3A_435, %swap3A_436] {strides = array<i32>} : memref<16x128xf32, #tpu.memory_space<vmem>>, vector<16xf32>,
    tpu.vector_store %arg17[%swap3A_435, %swap3A_436], %broadcast_in_dim3A_25 {strides = array<i32>} : memref<16x128xf32, #tpu.memory_space<vmem>>, vector<16xf32>,
    %swap3A_438 = arith.constant 12 : i32
    %swap3A_439 = arith.index_cast %swap3A_438 : i32 to index
    %swap3A_440 = arith.constant 96 : index
    %swap3A_441 = tpu.vector_load %arg17[%swap3A_439, %swap3A_440] {strides = array<i32>} : memref<16x128xf32, #tpu.memory_space<vmem>>, vector<16xf32>,
    tpu.vector_store %arg17[%swap3A_439, %swap3A_440], %broadcast_in_dim3A_25 {strides = array<i32>} : memref<16x128xf32, #tpu.memory_space<vmem>>, vector<16xf32>,
    %swap3A_442 = arith.constant 12 : i32
    %swap3A_443 = arith.index_cast %swap3A_442 : i32 to index
    %swap3A_444 = arith.constant 112 : index
    %swap3A_445 = tpu.vector_load %arg17[%swap3A_443, %swap3A_444] {strides = array<i32>} : memref<16x128xf32, #tpu.memory_space<vmem>>, vector<16xf32>,
    tpu.vector_store %arg17[%swap3A_443, %swap3A_444], %broadcast_in_dim3A_25 {strides = array<i32>} : memref<16x128xf32, #tpu.memory_space<vmem>>, vector<16xf32>,
    %swap3A_446 = arith.constant 13 : i32
    %swap3A_447 = arith.index_cast %swap3A_446 : i32 to index
    %swap3A_448 = arith.constant 0 : index
    %swap3A_449 = tpu.vector_load %arg17[%swap3A_447, %swap3A_448] {strides = array<i32>} : memref<16x128xf32, #tpu.memory_space<vmem>>, vector<16xf32>,
    tpu.vector_store %arg17[%swap3A_447, %swap3A_448], %broadcast_in_dim3A_25 {strides = array<i32>} : memref<16x128xf32, #tpu.memory_space<vmem>>, vector<16xf32>,
    %swap3A_450 = arith.constant 13 : i32
    %swap3A_451 = arith.index_cast %swap3A_450 : i32 to index
    %swap3A_452 = arith.constant 16 : index
    %swap3A_453 = tpu.vector_load %arg17[%swap3A_451, %swap3A_452] {strides = array<i32>} : memref<16x128xf32, #tpu.memory_space<vmem>>, vector<16xf32>,
    tpu.vector_store %arg17[%swap3A_451, %swap3A_452], %broadcast_in_dim3A_25 {strides = array<i32>} : memref<16x128xf32, #tpu.memory_space<vmem>>, vector<16xf32>,
    %swap3A_454 = arith.constant 13 : i32
    %swap3A_455 = arith.index_cast %swap3A_454 : i32 to index
    %swap3A_456 = arith.constant 32 : index
    %swap3A_457 = tpu.vector_load %arg17[%swap3A_455, %swap3A_456] {strides = array<i32>} : memref<16x128xf32, #tpu.memory_space<vmem>>, vector<16xf32>,
    tpu.vector_store %arg17[%swap3A_455, %swap3A_456], %broadcast_in_dim3A_25 {strides = array<i32>} : memref<16x128xf32, #tpu.memory_space<vmem>>, vector<16xf32>,
    %swap3A_458 = arith.constant 13 : i32
    %swap3A_459 = arith.index_cast %swap3A_458 : i32 to index
    %swap3A_460 = arith.constant 48 : index
    %swap3A_461 = tpu.vector_load %arg17[%swap3A_459, %swap3A_460] {strides = array<i32>} : memref<16x128xf32, #tpu.memory_space<vmem>>, vector<16xf32>,
    tpu.vector_store %arg17[%swap3A_459, %swap3A_460], %broadcast_in_dim3A_25 {strides = array<i32>} : memref<16x128xf32, #tpu.memory_space<vmem>>, vector<16xf32>,
    %swap3A_462 = arith.constant 13 : i32
    %swap3A_463 = arith.index_cast %swap3A_462 : i32 to index
    %swap3A_464 = arith.constant 64 : index
    %swap3A_465 = tpu.vector_load %arg17[%swap3A_463, %swap3A_464] {strides = array<i32>} : memref<16x128xf32, #tpu.memory_space<vmem>>, vector<16xf32>,
    tpu.vector_store %arg17[%swap3A_463, %swap3A_464], %broadcast_in_dim3A_25 {strides = array<i32>} : memref<16x128xf32, #tpu.memory_space<vmem>>, vector<16xf32>,
    %swap3A_466 = arith.constant 13 : i32
    %swap3A_467 = arith.index_cast %swap3A_466 : i32 to index
    %swap3A_468 = arith.constant 80 : index
    %swap3A_469 = tpu.vector_load %arg17[%swap3A_467, %swap3A_468] {strides = array<i32>} : memref<16x128xf32, #tpu.memory_space<vmem>>, vector<16xf32>,
    tpu.vector_store %arg17[%swap3A_467, %swap3A_468], %broadcast_in_dim3A_25 {strides = array<i32>} : memref<16x128xf32, #tpu.memory_space<vmem>>, vector<16xf32>,
    %swap3A_470 = arith.constant 13 : i32
    %swap3A_471 = arith.index_cast %swap3A_470 : i32 to index
    %swap3A_472 = arith.constant 96 : index
    %swap3A_473 = tpu.vector_load %arg17[%swap3A_471, %swap3A_472] {strides = array<i32>} : memref<16x128xf32, #tpu.memory_space<vmem>>, vector<16xf32>,
    tpu.vector_store %arg17[%swap3A_471, %swap3A_472], %broadcast_in_dim3A_25 {strides = array<i32>} : memref<16x128xf32, #tpu.memory_space<vmem>>, vector<16xf32>,
    %swap3A_474 = arith.constant 13 : i32
    %swap3A_475 = arith.index_cast %swap3A_474 : i32 to index
    %swap3A_476 = arith.constant 112 : index
    %swap3A_477 = tpu.vector_load %arg17[%swap3A_475, %swap3A_476] {strides = array<i32>} : memref<16x128xf32, #tpu.memory_space<vmem>>, vector<16xf32>,
    tpu.vector_store %arg17[%swap3A_475, %swap3A_476], %broadcast_in_dim3A_25 {strides = array<i32>} : memref<16x128xf32, #tpu.memory_space<vmem>>, vector<16xf32>,
    %swap3A_478 = arith.constant 14 : i32
    %swap3A_479 = arith.index_cast %swap3A_478 : i32 to index
    %swap3A_480 = arith.constant 0 : index
    %swap3A_481 = tpu.vector_load %arg17[%swap3A_479, %swap3A_480] {strides = array<i32>} : memref<16x128xf32, #tpu.memory_space<vmem>>, vector<16xf32>,
    tpu.vector_store %arg17[%swap3A_479, %swap3A_480], %broadcast_in_dim3A_25 {strides = array<i32>} : memref<16x128xf32, #tpu.memory_space<vmem>>, vector<16xf32>,
    %swap3A_482 = arith.constant 14 : i32
    %swap3A_483 = arith.index_cast %swap3A_482 : i32 to index
    %swap3A_484 = arith.constant 16 : index
    %swap3A_485 = tpu.vector_load %arg17[%swap3A_483, %swap3A_484] {strides = array<i32>} : memref<16x128xf32, #tpu.memory_space<vmem>>, vector<16xf32>,
    tpu.vector_store %arg17[%swap3A_483, %swap3A_484], %broadcast_in_dim3A_25 {strides = array<i32>} : memref<16x128xf32, #tpu.memory_space<vmem>>, vector<16xf32>,
    %swap3A_486 = arith.constant 14 : i32
    %swap3A_487 = arith.index_cast %swap3A_486 : i32 to index
    %swap3A_488 = arith.constant 32 : index
    %swap3A_489 = tpu.vector_load %arg17[%swap3A_487, %swap3A_488] {strides = array<i32>} : memref<16x128xf32, #tpu.memory_space<vmem>>, vector<16xf32>,
    tpu.vector_store %arg17[%swap3A_487, %swap3A_488], %broadcast_in_dim3A_25 {strides = array<i32>} : memref<16x128xf32, #tpu.memory_space<vmem>>, vector<16xf32>,
    %swap3A_490 = arith.constant 14 : i32
    %swap3A_491 = arith.index_cast %swap3A_490 : i32 to index
    %swap3A_492 = arith.constant 48 : index
    %swap3A_493 = tpu.vector_load %arg17[%swap3A_491, %swap3A_492] {strides = array<i32>} : memref<16x128xf32, #tpu.memory_space<vmem>>, vector<16xf32>,
    tpu.vector_store %arg17[%swap3A_491, %swap3A_492], %broadcast_in_dim3A_25 {strides = array<i32>} : memref<16x128xf32, #tpu.memory_space<vmem>>, vector<16xf32>,
    %swap3A_494 = arith.constant 14 : i32
    %swap3A_495 = arith.index_cast %swap3A_494 : i32 to index
    %swap3A_496 = arith.constant 64 : index
    %swap3A_497 = tpu.vector_load %arg17[%swap3A_495, %swap3A_496] {strides = array<i32>} : memref<16x128xf32, #tpu.memory_space<vmem>>, vector<16xf32>,
    tpu.vector_store %arg17[%swap3A_495, %swap3A_496], %broadcast_in_dim3A_25 {strides = array<i32>} : memref<16x128xf32, #tpu.memory_space<vmem>>, vector<16xf32>,
    %swap3A_498 = arith.constant 14 : i32
    %swap3A_499 = arith.index_cast %swap3A_498 : i32 to index
    %swap3A_500 = arith.constant 80 : index
    %swap3A_501 = tpu.vector_load %arg17[%swap3A_499, %swap3A_500] {strides = array<i32>} : memref<16x128xf32, #tpu.memory_space<vmem>>, vector<16xf32>,
    tpu.vector_store %arg17[%swap3A_499, %swap3A_500], %broadcast_in_dim3A_25 {strides = array<i32>} : memref<16x128xf32, #tpu.memory_space<vmem>>, vector<16xf32>,
    %swap3A_502 = arith.constant 14 : i32
    %swap3A_503 = arith.index_cast %swap3A_502 : i32 to index
    %swap3A_504 = arith.constant 96 : index
    %swap3A_505 = tpu.vector_load %arg17[%swap3A_503, %swap3A_504] {strides = array<i32>} : memref<16x128xf32, #tpu.memory_space<vmem>>, vector<16xf32>,
    tpu.vector_store %arg17[%swap3A_503, %swap3A_504], %broadcast_in_dim3A_25 {strides = array<i32>} : memref<16x128xf32, #tpu.memory_space<vmem>>, vector<16xf32>,
    %swap3A_506 = arith.constant 14 : i32
    %swap3A_507 = arith.index_cast %swap3A_506 : i32 to index
    %swap3A_508 = arith.constant 112 : index
    %swap3A_509 = tpu.vector_load %arg17[%swap3A_507, %swap3A_508] {strides = array<i32>} : memref<16x128xf32, #tpu.memory_space<vmem>>, vector<16xf32>,
    tpu.vector_store %arg17[%swap3A_507, %swap3A_508], %broadcast_in_dim3A_25 {strides = array<i32>} : memref<16x128xf32, #tpu.memory_space<vmem>>, vector<16xf32>,
    %swap3A_510 = arith.constant 15 : i32
    %swap3A_511 = arith.index_cast %swap3A_510 : i32 to index
    %swap3A_512 = arith.constant 0 : index
    %swap3A_513 = tpu.vector_load %arg17[%swap3A_511, %swap3A_512] {strides = array<i32>} : memref<16x128xf32, #tpu.memory_space<vmem>>, vector<16xf32>,
    tpu.vector_store %arg17[%swap3A_511, %swap3A_512], %broadcast_in_dim3A_25 {strides = array<i32>} : memref<16x128xf32, #tpu.memory_space<vmem>>, vector<16xf32>,
    %swap3A_514 = arith.constant 15 : i32
    %swap3A_515 = arith.index_cast %swap3A_514 : i32 to index
    %swap3A_516 = arith.constant 16 : index
    %swap3A_517 = tpu.vector_load %arg17[%swap3A_515, %swap3A_516] {strides = array<i32>} : memref<16x128xf32, #tpu.memory_space<vmem>>, vector<16xf32>,
    tpu.vector_store %arg17[%swap3A_515, %swap3A_516], %broadcast_in_dim3A_25 {strides = array<i32>} : memref<16x128xf32, #tpu.memory_space<vmem>>, vector<16xf32>,
    %swap3A_518 = arith.constant 15 : i32
    %swap3A_519 = arith.index_cast %swap3A_518 : i32 to index
    %swap3A_520 = arith.constant 32 : index
    %swap3A_521 = tpu.vector_load %arg17[%swap3A_519, %swap3A_520] {strides = array<i32>} : memref<16x128xf32, #tpu.memory_space<vmem>>, vector<16xf32>,
    tpu.vector_store %arg17[%swap3A_519, %swap3A_520], %broadcast_in_dim3A_25 {strides = array<i32>} : memref<16x128xf32, #tpu.memory_space<vmem>>, vector<16xf32>,
    %swap3A_522 = arith.constant 15 : i32
    %swap3A_523 = arith.index_cast %swap3A_522 : i32 to index
    %swap3A_524 = arith.constant 48 : index
    %swap3A_525 = tpu.vector_load %arg17[%swap3A_523, %swap3A_524] {strides = array<i32>} : memref<16x128xf32, #tpu.memory_space<vmem>>, vector<16xf32>,
    tpu.vector_store %arg17[%swap3A_523, %swap3A_524], %broadcast_in_dim3A_25 {strides = array<i32>} : memref<16x128xf32, #tpu.memory_space<vmem>>, vector<16xf32>,
    %swap3A_526 = arith.constant 15 : i32
    %swap3A_527 = arith.index_cast %swap3A_526 : i32 to index
    %swap3A_528 = arith.constant 64 : index
    %swap3A_529 = tpu.vector_load %arg17[%swap3A_527, %swap3A_528] {strides = array<i32>} : memref<16x128xf32, #tpu.memory_space<vmem>>, vector<16xf32>,
    tpu.vector_store %arg17[%swap3A_527, %swap3A_528], %broadcast_in_dim3A_25 {strides = array<i32>} : memref<16x128xf32, #tpu.memory_space<vmem>>, vector<16xf32>,
    %swap3A_530 = arith.constant 15 : i32
    %swap3A_531 = arith.index_cast %swap3A_530 : i32 to index
    %swap3A_532 = arith.constant 80 : index
    %swap3A_533 = tpu.vector_load %arg17[%swap3A_531, %swap3A_532] {strides = array<i32>} : memref<16x128xf32, #tpu.memory_space<vmem>>, vector<16xf32>,
    tpu.vector_store %arg17[%swap3A_531, %swap3A_532], %broadcast_in_dim3A_25 {strides = array<i32>} : memref<16x128xf32, #tpu.memory_space<vmem>>, vector<16xf32>,
    %swap3A_534 = arith.constant 15 : i32
    %swap3A_535 = arith.index_cast %swap3A_534 : i32 to index
    %swap3A_536 = arith.constant 96 : index
    %swap3A_537 = tpu.vector_load %arg17[%swap3A_535, %swap3A_536] {strides = array<i32>} : memref<16x128xf32, #tpu.memory_space<vmem>>, vector<16xf32>,
    tpu.vector_store %arg17[%swap3A_535, %swap3A_536], %broadcast_in_dim3A_25 {strides = array<i32>} : memref<16x128xf32, #tpu.memory_space<vmem>>, vector<16xf32>,
    %swap3A_538 = arith.constant 15 : i32
    %swap3A_539 = arith.index_cast %swap3A_538 : i32 to index
    %swap3A_540 = arith.constant 112 : index
    %swap3A_541 = tpu.vector_load %arg17[%swap3A_539, %swap3A_540] {strides = array<i32>} : memref<16x128xf32, #tpu.memory_space<vmem>>, vector<16xf32>,
    tpu.vector_store %arg17[%swap3A_539, %swap3A_540], %broadcast_in_dim3A_25 {strides = array<i32>} : memref<16x128xf32, #tpu.memory_space<vmem>>, vector<16xf32>,
    %add3A_542 = arith.constant 0 : i32
    %add3A_543 = vector.broadcast %add3A_542 : i32 to vector<16xi32>
    %add3A_544 = arith.addi %iota3A, %add3A_543 : vector<16xi32>
    %swap3A_545 = arith.constant 0 : index
    %swap3A_546 = tpu.vector_load %arg21[%swap3A_545] {strides = array<i32>} : memref<128xi32, #tpu.memory_space<vmem>>, vector<16xi32>,
    tpu.vector_store %arg21[%swap3A_545], %add3A_544 {strides = array<i32>} : memref<128xi32, #tpu.memory_space<vmem>>, vector<16xi32>,
    %add3A_547 = arith.constant 128 : i32
    %add3A_548 = vector.broadcast %add3A_547 : i32 to vector<16xi32>
    %add3A_549 = arith.addi %iota3A, %add3A_548 : vector<16xi32>
    %swap3A_550 = arith.constant 0 : index
    %swap3A_551 = tpu.vector_load %arg22[%swap3A_550] {strides = array<i32>} : memref<128xi32, #tpu.memory_space<vmem>>, vector<16xi32>,
    tpu.vector_store %arg22[%swap3A_550], %add3A_549 {strides = array<i32>} : memref<128xi32, #tpu.memory_space<vmem>>, vector<16xi32>,
    %add3A_552 = arith.constant 16 : i32
    %add3A_553 = vector.broadcast %add3A_552 : i32 to vector<16xi32>
    %add3A_554 = arith.addi %iota3A, %add3A_553 : vector<16xi32>
    %swap3A_555 = arith.constant 16 : index
    %swap3A_556 = tpu.vector_load %arg21[%swap3A_555] {strides = array<i32>} : memref<128xi32, #tpu.memory_space<vmem>>, vector<16xi32>,
    tpu.vector_store %arg21[%swap3A_555], %add3A_554 {strides = array<i32>} : memref<128xi32, #tpu.memory_space<vmem>>, vector<16xi32>,
    %add3A_557 = arith.constant 144 : i32
    %add3A_558 = vector.broadcast %add3A_557 : i32 to vector<16xi32>
    %add3A_559 = arith.addi %iota3A, %add3A_558 : vector<16xi32>
    %swap3A_560 = arith.constant 16 : index
    %swap3A_561 = tpu.vector_load %arg22[%swap3A_560] {strides = array<i32>} : memref<128xi32, #tpu.memory_space<vmem>>, vector<16xi32>,
    tpu.vector_store %arg22[%swap3A_560], %add3A_559 {strides = array<i32>} : memref<128xi32, #tpu.memory_space<vmem>>, vector<16xi32>,
    %add3A_562 = arith.constant 32 : i32
    %add3A_563 = vector.broadcast %add3A_562 : i32 to vector<16xi32>
    %add3A_564 = arith.addi %iota3A, %add3A_563 : vector<16xi32>
    %swap3A_565 = arith.constant 32 : index
    %swap3A_566 = tpu.vector_load %arg21[%swap3A_565] {strides = array<i32>} : memref<128xi32, #tpu.memory_space<vmem>>, vector<16xi32>,
    tpu.vector_store %arg21[%swap3A_565], %add3A_564 {strides = array<i32>} : memref<128xi32, #tpu.memory_space<vmem>>, vector<16xi32>,
    %add3A_567 = arith.constant 160 : i32
    %add3A_568 = vector.broadcast %add3A_567 : i32 to vector<16xi32>
    %add3A_569 = arith.addi %iota3A, %add3A_568 : vector<16xi32>
    %swap3A_570 = arith.constant 32 : index
    %swap3A_571 = tpu.vector_load %arg22[%swap3A_570] {strides = array<i32>} : memref<128xi32, #tpu.memory_space<vmem>>, vector<16xi32>,
    tpu.vector_store %arg22[%swap3A_570], %add3A_569 {strides = array<i32>} : memref<128xi32, #tpu.memory_space<vmem>>, vector<16xi32>,
    %add3A_572 = arith.constant 48 : i32
    %add3A_573 = vector.broadcast %add3A_572 : i32 to vector<16xi32>
    %add3A_574 = arith.addi %iota3A, %add3A_573 : vector<16xi32>
    %swap3A_575 = arith.constant 48 : index
    %swap3A_576 = tpu.vector_load %arg21[%swap3A_575] {strides = array<i32>} : memref<128xi32, #tpu.memory_space<vmem>>, vector<16xi32>,
    tpu.vector_store %arg21[%swap3A_575], %add3A_574 {strides = array<i32>} : memref<128xi32, #tpu.memory_space<vmem>>, vector<16xi32>,
    %add3A_577 = arith.constant 176 : i32
    %add3A_578 = vector.broadcast %add3A_577 : i32 to vector<16xi32>
    %add3A_579 = arith.addi %iota3A, %add3A_578 : vector<16xi32>
    %swap3A_580 = arith.constant 48 : index
    %swap3A_581 = tpu.vector_load %arg22[%swap3A_580] {strides = array<i32>} : memref<128xi32, #tpu.memory_space<vmem>>, vector<16xi32>,
    tpu.vector_store %arg22[%swap3A_580], %add3A_579 {strides = array<i32>} : memref<128xi32, #tpu.memory_space<vmem>>, vector<16xi32>,
    %add3A_582 = arith.constant 64 : i32
    %add3A_583 = vector.broadcast %add3A_582 : i32 to vector<16xi32>
    %add3A_584 = arith.addi %iota3A, %add3A_583 : vector<16xi32>
    %swap3A_585 = arith.constant 64 : index
    %swap3A_586 = tpu.vector_load %arg21[%swap3A_585] {strides = array<i32>} : memref<128xi32, #tpu.memory_space<vmem>>, vector<16xi32>,
    tpu.vector_store %arg21[%swap3A_585], %add3A_584 {strides = array<i32>} : memref<128xi32, #tpu.memory_space<vmem>>, vector<16xi32>,
    %add3A_587 = arith.constant 192 : i32
    %add3A_588 = vector.broadcast %add3A_587 : i32 to vector<16xi32>
    %add3A_589 = arith.addi %iota3A, %add3A_588 : vector<16xi32>
    %swap3A_590 = arith.constant 64 : index
    %swap3A_591 = tpu.vector_load %arg22[%swap3A_590] {strides = array<i32>} : memref<128xi32, #tpu.memory_space<vmem>>, vector<16xi32>,
    tpu.vector_store %arg22[%swap3A_590], %add3A_589 {strides = array<i32>} : memref<128xi32, #tpu.memory_space<vmem>>, vector<16xi32>,
    %add3A_592 = arith.constant 80 : i32
    %add3A_593 = vector.broadcast %add3A_592 : i32 to vector<16xi32>
    %add3A_594 = arith.addi %iota3A, %add3A_593 : vector<16xi32>
    %swap3A_595 = arith.constant 80 : index
    %swap3A_596 = tpu.vector_load %arg21[%swap3A_595] {strides = array<i32>} : memref<128xi32, #tpu.memory_space<vmem>>, vector<16xi32>,
    tpu.vector_store %arg21[%swap3A_595], %add3A_594 {strides = array<i32>} : memref<128xi32, #tpu.memory_space<vmem>>, vector<16xi32>,
    %add3A_597 = arith.constant 208 : i32
    %add3A_598 = vector.broadcast %add3A_597 : i32 to vector<16xi32>
    %add3A_599 = arith.addi %iota3A, %add3A_598 : vector<16xi32>
    %swap3A_600 = arith.constant 80 : index
    %swap3A_601 = tpu.vector_load %arg22[%swap3A_600] {strides = array<i32>} : memref<128xi32, #tpu.memory_space<vmem>>, vector<16xi32>,
    tpu.vector_store %arg22[%swap3A_600], %add3A_599 {strides = array<i32>} : memref<128xi32, #tpu.memory_space<vmem>>, vector<16xi32>,
    %add3A_602 = arith.constant 96 : i32
    %add3A_603 = vector.broadcast %add3A_602 : i32 to vector<16xi32>
    %add3A_604 = arith.addi %iota3A, %add3A_603 : vector<16xi32>
    %swap3A_605 = arith.constant 96 : index
    %swap3A_606 = tpu.vector_load %arg21[%swap3A_605] {strides = array<i32>} : memref<128xi32, #tpu.memory_space<vmem>>, vector<16xi32>,
    tpu.vector_store %arg21[%swap3A_605], %add3A_604 {strides = array<i32>} : memref<128xi32, #tpu.memory_space<vmem>>, vector<16xi32>,
    %add3A_607 = arith.constant 224 : i32
    %add3A_608 = vector.broadcast %add3A_607 : i32 to vector<16xi32>
    %add3A_609 = arith.addi %iota3A, %add3A_608 : vector<16xi32>
    %swap3A_610 = arith.constant 96 : index
    %swap3A_611 = tpu.vector_load %arg22[%swap3A_610] {strides = array<i32>} : memref<128xi32, #tpu.memory_space<vmem>>, vector<16xi32>,
    tpu.vector_store %arg22[%swap3A_610], %add3A_609 {strides = array<i32>} : memref<128xi32, #tpu.memory_space<vmem>>, vector<16xi32>,
    %add3A_612 = arith.constant 112 : i32
    %add3A_613 = vector.broadcast %add3A_612 : i32 to vector<16xi32>
    %add3A_614 = arith.addi %iota3A, %add3A_613 : vector<16xi32>
    %swap3A_615 = arith.constant 112 : index
    %swap3A_616 = tpu.vector_load %arg21[%swap3A_615] {strides = array<i32>} : memref<128xi32, #tpu.memory_space<vmem>>, vector<16xi32>,
    tpu.vector_store %arg21[%swap3A_615], %add3A_614 {strides = array<i32>} : memref<128xi32, #tpu.memory_space<vmem>>, vector<16xi32>,
    %add3A_617 = arith.constant 240 : i32
    %add3A_618 = vector.broadcast %add3A_617 : i32 to vector<16xi32>
    %add3A_619 = arith.addi %iota3A, %add3A_618 : vector<16xi32>
    %swap3A_620 = arith.constant 112 : index
    %swap3A_621 = tpu.vector_load %arg22[%swap3A_620] {strides = array<i32>} : memref<128xi32, #tpu.memory_space<vmem>>, vector<16xi32>,
    tpu.vector_store %arg22[%swap3A_620], %add3A_619 {strides = array<i32>} : memref<128xi32, #tpu.memory_space<vmem>>, vector<16xi32>,
    %swap3A_622 = arith.constant 0 : index
    %swap3A_623 = tpu.vector_load %arg23[%swap3A_622] {strides = array<i32>} : memref<16xi32, #tpu.memory_space<vmem>>, vector<16xi32>,
    tpu.vector_store %arg23[%swap3A_622], %iota3A {strides = array<i32>} : memref<16xi32, #tpu.memory_space<vmem>>, vector<16xi32>,
    %eq3A = arith.constant 0 : i32
    %eq3A_624 = arith.cmpi eq, %arg1, %eq3A : i32
    %convert_element_type3A_625 = arith.extui %eq3A_624 : i1 to i32
    %cond3A_626 = arith.constant 0 : i32
    %cond3A_627 = arith.cmpi ne, %convert_element_type3A_625, %cond3A_626 : i32
    scf.if %cond3A_627 {
      "tpu.region"() ({
        %run_scoped3A = tpu.sem_alloc : memref<!tpu.dma_semaphore, #tpu.memory_space<semaphore_mem>>
        tpu.enqueue_dma source(%arg16 : memref<256x128xf32, #tpu.memory_space<vmem>>) target(%arg19 : memref<256x128xf32, #tpu.memory_space<vmem_shared>>) target_semaphore(%run_scoped3A : memref<!tpu.dma_semaphore, #tpu.memory_space<semaphore_mem>>)
        tpu.wait_dma2 semaphore(%run_scoped3A : memref<!tpu.dma_semaphore, #tpu.memory_space<semaphore_mem>>) src(%arg16 : memref<256x128xf32, #tpu.memory_space<vmem>>) dst(%arg19 : memref<256x128xf32, #tpu.memory_space<vmem_shared>>)
        tpu.yield
      }) : () -> ()
      "tpu.region"() ({
        %run_scoped3A = tpu.sem_alloc : memref<!tpu.dma_semaphore, #tpu.memory_space<semaphore_mem>>
        tpu.enqueue_dma source(%arg17 : memref<16x128xf32, #tpu.memory_space<vmem>>) target(%arg20 : memref<16x128xf32, #tpu.memory_space<vmem_shared>>) target_semaphore(%run_scoped3A : memref<!tpu.dma_semaphore, #tpu.memory_space<semaphore_mem>>)
        tpu.wait_dma2 semaphore(%run_scoped3A : memref<!tpu.dma_semaphore, #tpu.memory_space<semaphore_mem>>) src(%arg17 : memref<16x128xf32, #tpu.memory_space<vmem>>) dst(%arg20 : memref<16x128xf32, #tpu.memory_space<vmem_shared>>)
        tpu.yield
      }) : () -> ()
    } else {
    }
    %get3A = arith.constant 0 : index
    %get3A_628 = tpu.vector_load %arg13[%get3A] {strides = array<i32>} : memref<128xf32, #tpu.memory_space<vmem>>, vector<16xf32>,
    %get3A_629 = arith.constant 16 : index
    %get3A_630 = tpu.vector_load %arg13[%get3A_629] {strides = array<i32>} : memref<128xf32, #tpu.memory_space<vmem>>, vector<16xf32>,
    %get3A_631 = arith.constant 32 : index
    %get3A_632 = tpu.vector_load %arg13[%get3A_631] {strides = array<i32>} : memref<128xf32, #tpu.memory_space<vmem>>, vector<16xf32>,
    %get3A_633 = arith.constant 48 : index
    %get3A_634 = tpu.vector_load %arg13[%get3A_633] {strides = array<i32>} : memref<128xf32, #tpu.memory_space<vmem>>, vector<16xf32>,
    %get3A_635 = arith.constant 64 : index
    %get3A_636 = tpu.vector_load %arg13[%get3A_635] {strides = array<i32>} : memref<128xf32, #tpu.memory_space<vmem>>, vector<16xf32>,
    %get3A_637 = arith.constant 80 : index
    %get3A_638 = tpu.vector_load %arg13[%get3A_637] {strides = array<i32>} : memref<128xf32, #tpu.memory_space<vmem>>, vector<16xf32>,
    %get3A_639 = arith.constant 96 : index
    %get3A_640 = tpu.vector_load %arg13[%get3A_639] {strides = array<i32>} : memref<128xf32, #tpu.memory_space<vmem>>, vector<16xf32>,
    %get3A_641 = arith.constant 112 : index
    %get3A_642 = tpu.vector_load %arg13[%get3A_641] {strides = array<i32>} : memref<128xf32, #tpu.memory_space<vmem>>, vector<16xf32>,
    %mul3A_643 = arith.constant 16 : i32
    %mul3A_644 = vector.broadcast %mul3A_643 : i32 to vector<16xi32>
    %mul3A_645 = arith.muli %iota3A, %mul3A_644 : vector<16xi32>
    %scan3A_646 = arith.constant 0 : i32
    %scan3A_647 = arith.constant 0 : i32
    %scan3A_648 = arith.constant 10 : i32
    %scan3A_649 = arith.addi %scan3A_647, %scan3A_648 : i32
    %scan3A_650 = arith.constant 1 : i32
    scf.for %scan3A_662 = %scan3A_647 to %scan3A_649 step %scan3A_650  : i32 {
      %mul3A_663 = arith.constant 2 : i32
      %mul3A_664 = arith.muli %scan3A_662, %mul3A_663 : i32
      %add3A_665 = arith.constant 0 : i32
      %add3A_666 = arith.addi %mul3A_664, %add3A_665 : i32
      %lt3A = arith.cmpi slt, %add3A_666, %select_n3A : i32
      %convert_element_type3A_667 = arith.extui %lt3A : i1 to i32
      %cond3A_668 = arith.constant 0 : i32
      %cond3A_669 = arith.cmpi ne, %convert_element_type3A_667, %cond3A_668 : i32
      scf.if %cond3A_669 {
        %dma_wait3A = arith.constant 0 : i32
        %dma_wait3A_678 = arith.constant 0 : i32
        %dma_wait3A_679 = tpu.memref_slice %arg11[%dma_wait3A_678] : memref<320xi32, #tpu.memory_space<vmem>> -> memref<160xi32, #tpu.memory_space<vmem>>
        %dma_wait3A_680 = arith.constant 0 : i32
        %dma_wait3A_681 = tpu.memref_slice %arg3[%dma_wait3A_680] : memref<100000xi32, #tpu.memory_space<hbm>> -> memref<160xi32, #tpu.memory_space<hbm>>
        %dma_wait3A_682 = tpu.memref_slice %arg25[%dma_wait3A] : memref<2x!tpu.dma_semaphore, #tpu.memory_space<semaphore_mem>> -> memref<1x!tpu.dma_semaphore, #tpu.memory_space<semaphore_mem>>
        %dma_wait3A_683 = tpu.memref_squeeze %dma_wait3A_682 : memref<1x!tpu.dma_semaphore, #tpu.memory_space<semaphore_mem>> -> memref<!tpu.dma_semaphore, #tpu.memory_space<semaphore_mem>>
        %dma_wait3A_684 = arith.constant 0 : i32
        %dma_wait3A_685 = tpu.memref_slice %arg11[%dma_wait3A_684] : memref<320xi32, #tpu.memory_space<vmem>> -> memref<160xi32, #tpu.memory_space<vmem>>
        %dma_wait3A_686 = arith.constant 0 : i32
        %dma_wait3A_687 = tpu.memref_slice %arg3[%dma_wait3A_686] : memref<100000xi32, #tpu.memory_space<hbm>> -> memref<160xi32, #tpu.memory_space<hbm>>
        tpu.wait_dma2 semaphore(%dma_wait3A_683 : memref<!tpu.dma_semaphore, #tpu.memory_space<semaphore_mem>>) src(%dma_wait3A_687 : memref<160xi32, #tpu.memory_space<hbm>>) dst(%dma_wait3A_685 : memref<160xi32, #tpu.memory_space<vmem>>)
        %dma_wait3A_688 = arith.constant 0 : i32
        %dma_wait3A_689 = arith.constant 0 : i32
        %dma_wait3A_690 = tpu.memref_slice %arg12[%dma_wait3A_689] : memref<320xi32, #tpu.memory_space<vmem>> -> memref<160xi32, #tpu.memory_space<vmem>>
        %dma_wait3A_691 = arith.constant 0 : i32
        %dma_wait3A_692 = tpu.memref_slice %arg4[%dma_wait3A_691] : memref<100000xi32, #tpu.memory_space<hbm>> -> memref<160xi32, #tpu.memory_space<hbm>>
        %dma_wait3A_693 = tpu.memref_slice %arg26[%dma_wait3A_688] : memref<2x!tpu.dma_semaphore, #tpu.memory_space<semaphore_mem>> -> memref<1x!tpu.dma_semaphore, #tpu.memory_space<semaphore_mem>>
        %dma_wait3A_694 = tpu.memref_squeeze %dma_wait3A_693 : memref<1x!tpu.dma_semaphore, #tpu.memory_space<semaphore_mem>> -> memref<!tpu.dma_semaphore, #tpu.memory_space<semaphore_mem>>
        %dma_wait3A_695 = arith.constant 0 : i32
        %dma_wait3A_696 = tpu.memref_slice %arg12[%dma_wait3A_695] : memref<320xi32, #tpu.memory_space<vmem>> -> memref<160xi32, #tpu.memory_space<vmem>>
        %dma_wait3A_697 = arith.constant 0 : i32
        %dma_wait3A_698 = tpu.memref_slice %arg4[%dma_wait3A_697] : memref<100000xi32, #tpu.memory_space<hbm>> -> memref<160xi32, #tpu.memory_space<hbm>>
        tpu.wait_dma2 semaphore(%dma_wait3A_694 : memref<!tpu.dma_semaphore, #tpu.memory_space<semaphore_mem>>) src(%dma_wait3A_698 : memref<160xi32, #tpu.memory_space<hbm>>) dst(%dma_wait3A_696 : memref<160xi32, #tpu.memory_space<vmem>>)
        %dma_wait3A_699 = arith.constant 0 : i32
        %dma_wait3A_700 = arith.constant 0 : i32
        %dma_wait3A_701 = tpu.memref_slice %arg10[%dma_wait3A_700] : memref<40960xf32, #tpu.memory_space<vmem>> -> memref<20480xf32, #tpu.memory_space<vmem>>
        %dma_wait3A_702 = arith.constant 0 : i32
        %dma_wait3A_703 = tpu.memref_slice %arg2[%dma_wait3A_702] : memref<12800000xf32, #tpu.memory_space<hbm>> -> memref<20480xf32, #tpu.memory_space<hbm>>
        %dma_wait3A_704 = tpu.memref_slice %arg24[%dma_wait3A_699] : memref<2x!tpu.dma_semaphore, #tpu.memory_space<semaphore_mem>> -> memref<1x!tpu.dma_semaphore, #tpu.memory_space<semaphore_mem>>
        %dma_wait3A_705 = tpu.memref_squeeze %dma_wait3A_704 : memref<1x!tpu.dma_semaphore, #tpu.memory_space<semaphore_mem>> -> memref<!tpu.dma_semaphore, #tpu.memory_space<semaphore_mem>>
        %dma_wait3A_706 = arith.constant 0 : i32
        %dma_wait3A_707 = tpu.memref_slice %arg10[%dma_wait3A_706] : memref<40960xf32, #tpu.memory_space<vmem>> -> memref<20480xf32, #tpu.memory_space<vmem>>
        %dma_wait3A_708 = arith.constant 0 : i32
        %dma_wait3A_709 = tpu.memref_slice %arg2[%dma_wait3A_708] : memref<12800000xf32, #tpu.memory_space<hbm>> -> memref<20480xf32, #tpu.memory_space<hbm>>
        tpu.wait_dma2 semaphore(%dma_wait3A_705 : memref<!tpu.dma_semaphore, #tpu.memory_space<semaphore_mem>>) src(%dma_wait3A_709 : memref<20480xf32, #tpu.memory_space<hbm>>) dst(%dma_wait3A_707 : memref<20480xf32, #tpu.memory_space<vmem>>)
        %add3A_710 = arith.constant 1 : i32
        %add3A_711 = arith.addi %add3A_666, %add3A_710 : i32
        %lt3A_712 = arith.cmpi slt, %add3A_711, %select_n3A : i32
        %convert_element_type3A_713 = arith.extui %lt3A_712 : i1 to i32
        %cond3A_714 = arith.constant 0 : i32
        %cond3A_715 = arith.cmpi ne, %convert_element_type3A_713, %cond3A_714 : i32
        scf.if %cond3A_715 {
          %add3A_721 = arith.constant 1 : i32
          %add3A_722 = arith.addi %add3A_666, %add3A_721 : i32
          %mul3A_723 = arith.constant 32 : i32
          %mul3A_724 = arith.muli %add3A_722, %mul3A_723 : i32
          %add3A_725 = arith.addi %add3A, %mul3A_724 : i32
          %mul3A_726 = arith.constant 160 : i32
          %mul3A_727 = arith.muli %add3A_725, %mul3A_726 : i32
          %dma_start3A = arith.constant 1 : i32
          %dma_start3A_728 = arith.constant 160 : i32
          %dma_start3A_729 = tpu.memref_slice %arg11[%dma_start3A_728] : memref<320xi32, #tpu.memory_space<vmem>> -> memref<160xi32, #tpu.memory_space<vmem>>
          %dma_start3A_730 = tpu.memref_slice %arg3[%mul3A_727] : memref<100000xi32, #tpu.memory_space<hbm>> -> memref<160xi32, #tpu.memory_space<hbm>>
          %dma_start3A_731 = tpu.memref_slice %arg25[%dma_start3A] : memref<2x!tpu.dma_semaphore, #tpu.memory_space<semaphore_mem>> -> memref<1x!tpu.dma_semaphore, #tpu.memory_space<semaphore_mem>>
          %dma_start3A_732 = tpu.memref_squeeze %dma_start3A_731 : memref<1x!tpu.dma_semaphore, #tpu.memory_space<semaphore_mem>> -> memref<!tpu.dma_semaphore, #tpu.memory_space<semaphore_mem>>
          %dma_start3A_733 = arith.constant 160 : i32
          %dma_start3A_734 = tpu.memref_slice %arg11[%dma_start3A_733] : memref<320xi32, #tpu.memory_space<vmem>> -> memref<160xi32, #tpu.memory_space<vmem>>
          %dma_start3A_735 = tpu.memref_slice %arg3[%mul3A_727] : memref<100000xi32, #tpu.memory_space<hbm>> -> memref<160xi32, #tpu.memory_space<hbm>>
          tpu.enqueue_dma source(%dma_start3A_735 : memref<160xi32, #tpu.memory_space<hbm>>) target(%dma_start3A_734 : memref<160xi32, #tpu.memory_space<vmem>>) target_semaphore(%dma_start3A_732 : memref<!tpu.dma_semaphore, #tpu.memory_space<semaphore_mem>>)
          %dma_start3A_736 = arith.constant 1 : i32
          %dma_start3A_737 = arith.constant 160 : i32
          %dma_start3A_738 = tpu.memref_slice %arg12[%dma_start3A_737] : memref<320xi32, #tpu.memory_space<vmem>> -> memref<160xi32, #tpu.memory_space<vmem>>
          %dma_start3A_739 = tpu.memref_slice %arg4[%mul3A_727] : memref<100000xi32, #tpu.memory_space<hbm>> -> memref<160xi32, #tpu.memory_space<hbm>>
          %dma_start3A_740 = tpu.memref_slice %arg26[%dma_start3A_736] : memref<2x!tpu.dma_semaphore, #tpu.memory_space<semaphore_mem>> -> memref<1x!tpu.dma_semaphore, #tpu.memory_space<semaphore_mem>>
          %dma_start3A_741 = tpu.memref_squeeze %dma_start3A_740 : memref<1x!tpu.dma_semaphore, #tpu.memory_space<semaphore_mem>> -> memref<!tpu.dma_semaphore, #tpu.memory_space<semaphore_mem>>
          %dma_start3A_742 = arith.constant 160 : i32
          %dma_start3A_743 = tpu.memref_slice %arg12[%dma_start3A_742] : memref<320xi32, #tpu.memory_space<vmem>> -> memref<160xi32, #tpu.memory_space<vmem>>
          %dma_start3A_744 = tpu.memref_slice %arg4[%mul3A_727] : memref<100000xi32, #tpu.memory_space<hbm>> -> memref<160xi32, #tpu.memory_space<hbm>>
          tpu.enqueue_dma source(%dma_start3A_744 : memref<160xi32, #tpu.memory_space<hbm>>) target(%dma_start3A_743 : memref<160xi32, #tpu.memory_space<vmem>>) target_semaphore(%dma_start3A_741 : memref<!tpu.dma_semaphore, #tpu.memory_space<semaphore_mem>>)
          %mul3A_745 = arith.constant 20480 : i32
          %mul3A_746 = arith.muli %add3A_725, %mul3A_745 : i32
          %dma_start3A_747 = arith.constant 1 : i32
          %dma_start3A_748 = arith.constant 20480 : i32
          %dma_start3A_749 = tpu.memref_slice %arg10[%dma_start3A_748] : memref<40960xf32, #tpu.memory_space<vmem>> -> memref<20480xf32, #tpu.memory_space<vmem>>
          %dma_start3A_750 = tpu.memref_slice %arg2[%mul3A_746] : memref<12800000xf32, #tpu.memory_space<hbm>> -> memref<20480xf32, #tpu.memory_space<hbm>>
          %dma_start3A_751 = tpu.memref_slice %arg24[%dma_start3A_747] : memref<2x!tpu.dma_semaphore, #tpu.memory_space<semaphore_mem>> -> memref<1x!tpu.dma_semaphore, #tpu.memory_space<semaphore_mem>>
          %dma_start3A_752 = tpu.memref_squeeze %dma_start3A_751 : memref<1x!tpu.dma_semaphore, #tpu.memory_space<semaphore_mem>> -> memref<!tpu.dma_semaphore, #tpu.memory_space<semaphore_mem>>
          %dma_start3A_753 = arith.constant 20480 : i32
          %dma_start3A_754 = tpu.memref_slice %arg10[%dma_start3A_753] : memref<40960xf32, #tpu.memory_space<vmem>> -> memref<20480xf32, #tpu.memory_space<vmem>>
          %dma_start3A_755 = tpu.memref_slice %arg2[%mul3A_746] : memref<12800000xf32, #tpu.memory_space<hbm>> -> memref<20480xf32, #tpu.memory_space<hbm>>
          tpu.enqueue_dma source(%dma_start3A_755 : memref<20480xf32, #tpu.memory_space<hbm>>) target(%dma_start3A_754 : memref<20480xf32, #tpu.memory_space<vmem>>) target_semaphore(%dma_start3A_752 : memref<!tpu.dma_semaphore, #tpu.memory_space<semaphore_mem>>)
        } else {
        }
        %parallel_loop3A = arith.constant 0 : i32
        %parallel_loop3A_716 = arith.constant 160 : i32
        %parallel_loop3A_717 = arith.constant 1 : i32
        scf.for %parallel_loop3A_721 = %parallel_loop3A to %parallel_loop3A_716 step %parallel_loop3A_717  : i32 {
          %parallel_loop3A_722 = arith.constant 128 : i32
          %parallel_loop3A_723 = arith.muli %parallel_loop3A_721, %parallel_loop3A_722 : i32
          %parallel_loop3A_724 = arith.constant 0 : i32
          %parallel_loop3A_725 = arith.addi %parallel_loop3A_724, %parallel_loop3A_723 : i32
          %parallel_loop3A_726 = arith.constant 0 : i32
          %parallel_loop3A_727 = arith.addi %parallel_loop3A_726, %parallel_loop3A_721 : i32
          %parallel_loop3A_728 = vector.broadcast %parallel_loop3A_727 : i32 to vector<16xi32>
          %parallel_loop3A_729 = tpu.vector_load_idx %arg11[%parallel_loop3A_728] : memref<320xi32, #tpu.memory_space<vmem>>[vector<16xi32>], vector<16xi32>,
          %parallel_loop3A_730 = arith.constant 0 : i32
          %parallel_loop3A_731 = arith.addi %parallel_loop3A_725, %parallel_loop3A_730 : i32
          %parallel_loop3A_732 = arith.index_cast %parallel_loop3A_731 : i32 to index
          %parallel_loop3A_733 = tpu.vector_load %arg10[%parallel_loop3A_732] {strides = array<i32>} : memref<40960xf32, #tpu.memory_space<vmem>>, vector<16xf32>,
          %parallel_loop3A_734 = arith.constant 0 : i32
          %parallel_loop3A_735 = vector.broadcast %parallel_loop3A_734 : i32 to vector<16xi32>
          %parallel_loop3A_736 = arith.addi %iota3A, %parallel_loop3A_735 : vector<16xi32>
          tpu.vector_store_idx %arg16[%parallel_loop3A_729, %parallel_loop3A_736], %parallel_loop3A_733 {add = true} : memref<256x128xf32, #tpu.memory_space<vmem>>[vector<16xi32>, vector<16xi32>], vector<16xf32>,
          %parallel_loop3A_737 = arith.mulf %parallel_loop3A_733, %get3A_628 : vector<16xf32>
          %parallel_loop3A_738 = arith.constant 16 : i32
          %parallel_loop3A_739 = arith.addi %parallel_loop3A_725, %parallel_loop3A_738 : i32
          %parallel_loop3A_740 = arith.index_cast %parallel_loop3A_739 : i32 to index
          %parallel_loop3A_741 = tpu.vector_load %arg10[%parallel_loop3A_740] {strides = array<i32>} : memref<40960xf32, #tpu.memory_space<vmem>>, vector<16xf32>,
          %parallel_loop3A_742 = arith.constant 16 : i32
          %parallel_loop3A_743 = vector.broadcast %parallel_loop3A_742 : i32 to vector<16xi32>
          %parallel_loop3A_744 = arith.addi %iota3A, %parallel_loop3A_743 : vector<16xi32>
          tpu.vector_store_idx %arg16[%parallel_loop3A_729, %parallel_loop3A_744], %parallel_loop3A_741 {add = true} : memref<256x128xf32, #tpu.memory_space<vmem>>[vector<16xi32>, vector<16xi32>], vector<16xf32>,
          %parallel_loop3A_745 = arith.mulf %parallel_loop3A_741, %get3A_630 : vector<16xf32>
          %parallel_loop3A_746 = arith.constant 32 : i32
          %parallel_loop3A_747 = arith.addi %parallel_loop3A_725, %parallel_loop3A_746 : i32
          %parallel_loop3A_748 = arith.index_cast %parallel_loop3A_747 : i32 to index
          %parallel_loop3A_749 = tpu.vector_load %arg10[%parallel_loop3A_748] {strides = array<i32>} : memref<40960xf32, #tpu.memory_space<vmem>>, vector<16xf32>,
          %parallel_loop3A_750 = arith.constant 32 : i32
          %parallel_loop3A_751 = vector.broadcast %parallel_loop3A_750 : i32 to vector<16xi32>
          %parallel_loop3A_752 = arith.addi %iota3A, %parallel_loop3A_751 : vector<16xi32>
          tpu.vector_store_idx %arg16[%parallel_loop3A_729, %parallel_loop3A_752], %parallel_loop3A_749 {add = true} : memref<256x128xf32, #tpu.memory_space<vmem>>[vector<16xi32>, vector<16xi32>], vector<16xf32>,
          %parallel_loop3A_753 = arith.mulf %parallel_loop3A_749, %get3A_632 : vector<16xf32>
          %parallel_loop3A_754 = arith.constant 48 : i32
          %parallel_loop3A_755 = arith.addi %parallel_loop3A_725, %parallel_loop3A_754 : i32
          %parallel_loop3A_756 = arith.index_cast %parallel_loop3A_755 : i32 to index
          %parallel_loop3A_757 = tpu.vector_load %arg10[%parallel_loop3A_756] {strides = array<i32>} : memref<40960xf32, #tpu.memory_space<vmem>>, vector<16xf32>,
          %parallel_loop3A_758 = arith.constant 48 : i32
          %parallel_loop3A_759 = vector.broadcast %parallel_loop3A_758 : i32 to vector<16xi32>
          %parallel_loop3A_760 = arith.addi %iota3A, %parallel_loop3A_759 : vector<16xi32>
          tpu.vector_store_idx %arg16[%parallel_loop3A_729, %parallel_loop3A_760], %parallel_loop3A_757 {add = true} : memref<256x128xf32, #tpu.memory_space<vmem>>[vector<16xi32>, vector<16xi32>], vector<16xf32>,
          %parallel_loop3A_761 = arith.mulf %parallel_loop3A_757, %get3A_634 : vector<16xf32>
          %parallel_loop3A_762 = arith.constant 64 : i32
          %parallel_loop3A_763 = arith.addi %parallel_loop3A_725, %parallel_loop3A_762 : i32
          %parallel_loop3A_764 = arith.index_cast %parallel_loop3A_763 : i32 to index
          %parallel_loop3A_765 = tpu.vector_load %arg10[%parallel_loop3A_764] {strides = array<i32>} : memref<40960xf32, #tpu.memory_space<vmem>>, vector<16xf32>,
          %parallel_loop3A_766 = arith.constant 64 : i32
          %parallel_loop3A_767 = vector.broadcast %parallel_loop3A_766 : i32 to vector<16xi32>
          %parallel_loop3A_768 = arith.addi %iota3A, %parallel_loop3A_767 : vector<16xi32>
          tpu.vector_store_idx %arg16[%parallel_loop3A_729, %parallel_loop3A_768], %parallel_loop3A_765 {add = true} : memref<256x128xf32, #tpu.memory_space<vmem>>[vector<16xi32>, vector<16xi32>], vector<16xf32>,
          %parallel_loop3A_769 = arith.mulf %parallel_loop3A_765, %get3A_636 : vector<16xf32>
          %parallel_loop3A_770 = arith.constant 80 : i32
          %parallel_loop3A_771 = arith.addi %parallel_loop3A_725, %parallel_loop3A_770 : i32
          %parallel_loop3A_772 = arith.index_cast %parallel_loop3A_771 : i32 to index
          %parallel_loop3A_773 = tpu.vector_load %arg10[%parallel_loop3A_772] {strides = array<i32>} : memref<40960xf32, #tpu.memory_space<vmem>>, vector<16xf32>,
          %parallel_loop3A_774 = arith.constant 80 : i32
          %parallel_loop3A_775 = vector.broadcast %parallel_loop3A_774 : i32 to vector<16xi32>
          %parallel_loop3A_776 = arith.addi %iota3A, %parallel_loop3A_775 : vector<16xi32>
          tpu.vector_store_idx %arg16[%parallel_loop3A_729, %parallel_loop3A_776], %parallel_loop3A_773 {add = true} : memref<256x128xf32, #tpu.memory_space<vmem>>[vector<16xi32>, vector<16xi32>], vector<16xf32>,
          %parallel_loop3A_777 = arith.mulf %parallel_loop3A_773, %get3A_638 : vector<16xf32>
          %parallel_loop3A_778 = arith.constant 96 : i32
          %parallel_loop3A_779 = arith.addi %parallel_loop3A_725, %parallel_loop3A_778 : i32
          %parallel_loop3A_780 = arith.index_cast %parallel_loop3A_779 : i32 to index
          %parallel_loop3A_781 = tpu.vector_load %arg10[%parallel_loop3A_780] {strides = array<i32>} : memref<40960xf32, #tpu.memory_space<vmem>>, vector<16xf32>,
          %parallel_loop3A_782 = arith.constant 96 : i32
          %parallel_loop3A_783 = vector.broadcast %parallel_loop3A_782 : i32 to vector<16xi32>
          %parallel_loop3A_784 = arith.addi %iota3A, %parallel_loop3A_783 : vector<16xi32>
          tpu.vector_store_idx %arg16[%parallel_loop3A_729, %parallel_loop3A_784], %parallel_loop3A_781 {add = true} : memref<256x128xf32, #tpu.memory_space<vmem>>[vector<16xi32>, vector<16xi32>], vector<16xf32>,
          %parallel_loop3A_785 = arith.mulf %parallel_loop3A_781, %get3A_640 : vector<16xf32>
          %parallel_loop3A_786 = arith.constant 112 : i32
          %parallel_loop3A_787 = arith.addi %parallel_loop3A_725, %parallel_loop3A_786 : i32
          %parallel_loop3A_788 = arith.index_cast %parallel_loop3A_787 : i32 to index
          %parallel_loop3A_789 = tpu.vector_load %arg10[%parallel_loop3A_788] {strides = array<i32>} : memref<40960xf32, #tpu.memory_space<vmem>>, vector<16xf32>,
          %parallel_loop3A_790 = arith.constant 112 : i32
          %parallel_loop3A_791 = vector.broadcast %parallel_loop3A_790 : i32 to vector<16xi32>
          %parallel_loop3A_792 = arith.addi %iota3A, %parallel_loop3A_791 : vector<16xi32>
          tpu.vector_store_idx %arg16[%parallel_loop3A_729, %parallel_loop3A_792], %parallel_loop3A_789 {add = true} : memref<256x128xf32, #tpu.memory_space<vmem>>[vector<16xi32>, vector<16xi32>], vector<16xf32>,
          %parallel_loop3A_793 = arith.mulf %parallel_loop3A_789, %get3A_642 : vector<16xf32>
          %parallel_loop3A_794 = arith.addf %parallel_loop3A_737, %parallel_loop3A_745 : vector<16xf32>
          %parallel_loop3A_795 = arith.addf %parallel_loop3A_753, %parallel_loop3A_761 : vector<16xf32>
          %parallel_loop3A_796 = arith.addf %parallel_loop3A_794, %parallel_loop3A_795 : vector<16xf32>
          %parallel_loop3A_797 = arith.addf %parallel_loop3A_769, %parallel_loop3A_777 : vector<16xf32>
          %parallel_loop3A_798 = arith.addf %parallel_loop3A_785, %parallel_loop3A_793 : vector<16xf32>
          %parallel_loop3A_799 = arith.addf %parallel_loop3A_797, %parallel_loop3A_798 : vector<16xf32>
          %parallel_loop3A_800 = arith.addf %parallel_loop3A_796, %parallel_loop3A_799 : vector<16xf32>
          %parallel_loop3A_801 = arith.constant 4 : i32
          %parallel_loop3A_802 = arith.shrsi %parallel_loop3A_721, %parallel_loop3A_801 : i32
          %parallel_loop3A_803 = arith.constant 8 : i32
          %parallel_loop3A_804 = arith.shli %parallel_loop3A_802, %parallel_loop3A_803 : i32
          %parallel_loop3A_805 = arith.constant 15 : i32
          %parallel_loop3A_806 = arith.andi %parallel_loop3A_721, %parallel_loop3A_805 : i32
          %parallel_loop3A_807 = arith.ori %parallel_loop3A_804, %parallel_loop3A_806 : i32
          %parallel_loop3A_808 = vector.broadcast %parallel_loop3A_807 : i32 to vector<16xi32>
          %parallel_loop3A_809 = arith.addi %mul3A_645, %parallel_loop3A_808 : vector<16xi32>
          tpu.vector_store_idx %arg18[%parallel_loop3A_809], %parallel_loop3A_800 : memref<2560xf32, #tpu.memory_space<vmem>>[vector<16xi32>], vector<16xf32>,
        } {sc.loop_unroll_factor = 1 : i64, sc.parallel_access}
        %parallel_loop3A_718 = arith.constant 0 : i32
        %parallel_loop3A_719 = arith.constant 10 : i32
        %parallel_loop3A_720 = arith.constant 1 : i32
        scf.for %parallel_loop3A_721 = %parallel_loop3A_718 to %parallel_loop3A_719 step %parallel_loop3A_720  : i32 {
          %parallel_loop3A_722 = arith.constant 16 : i32
          %parallel_loop3A_723 = arith.muli %parallel_loop3A_721, %parallel_loop3A_722 : i32
          %parallel_loop3A_724 = arith.constant 0 : i32
          %parallel_loop3A_725 = arith.addi %parallel_loop3A_724, %parallel_loop3A_723 : i32
          %parallel_loop3A_726 = arith.index_cast %parallel_loop3A_725 : i32 to index
          %parallel_loop3A_727 = tpu.vector_load %arg11[%parallel_loop3A_726] {strides = array<i32>} : memref<320xi32, #tpu.memory_space<vmem>>, vector<16xi32>,
          %parallel_loop3A_728 = arith.constant 16 : i32
          %parallel_loop3A_729 = arith.muli %parallel_loop3A_721, %parallel_loop3A_728 : i32
          %parallel_loop3A_730 = arith.constant 0 : i32
          %parallel_loop3A_731 = arith.addi %parallel_loop3A_730, %parallel_loop3A_729 : i32
          %parallel_loop3A_732 = arith.index_cast %parallel_loop3A_731 : i32 to index
          %parallel_loop3A_733 = tpu.vector_load %arg12[%parallel_loop3A_732] {strides = array<i32>} : memref<320xi32, #tpu.memory_space<vmem>>, vector<16xi32>,
          %parallel_loop3A_734 = tpu.vector_load_idx %arg14[%parallel_loop3A_733] : memref<128xf32, #tpu.memory_space<vmem>>[vector<16xi32>], vector<16xf32>,
          %parallel_loop3A_735 = tpu.vector_load_idx %arg15[%parallel_loop3A_733] : memref<128xf32, #tpu.memory_space<vmem>>[vector<16xi32>], vector<16xf32>,
          %parallel_loop3A_736 = arith.constant 256 : i32
          %parallel_loop3A_737 = arith.muli %parallel_loop3A_721, %parallel_loop3A_736 : i32
          %parallel_loop3A_738 = arith.constant 0 : i32
          %parallel_loop3A_739 = arith.addi %parallel_loop3A_737, %parallel_loop3A_738 : i32
          %parallel_loop3A_740 = arith.index_cast %parallel_loop3A_739 : i32 to index
          %parallel_loop3A_741 = tpu.vector_load %arg18[%parallel_loop3A_740] {strides = array<i32>} : memref<2560xf32, #tpu.memory_space<vmem>>, vector<16xf32>,
          %parallel_loop3A_742 = arith.constant 16 : i32
          %parallel_loop3A_743 = arith.addi %parallel_loop3A_737, %parallel_loop3A_742 : i32
          %parallel_loop3A_744 = arith.index_cast %parallel_loop3A_743 : i32 to index
          %parallel_loop3A_745 = tpu.vector_load %arg18[%parallel_loop3A_744] {strides = array<i32>} : memref<2560xf32, #tpu.memory_space<vmem>>, vector<16xf32>,
          %parallel_loop3A_746 = arith.constant 32 : i32
          %parallel_loop3A_747 = arith.addi %parallel_loop3A_737, %parallel_loop3A_746 : i32
          %parallel_loop3A_748 = arith.index_cast %parallel_loop3A_747 : i32 to index
          %parallel_loop3A_749 = tpu.vector_load %arg18[%parallel_loop3A_748] {strides = array<i32>} : memref<2560xf32, #tpu.memory_space<vmem>>, vector<16xf32>,
          %parallel_loop3A_750 = arith.constant 48 : i32
          %parallel_loop3A_751 = arith.addi %parallel_loop3A_737, %parallel_loop3A_750 : i32
          %parallel_loop3A_752 = arith.index_cast %parallel_loop3A_751 : i32 to index
          %parallel_loop3A_753 = tpu.vector_load %arg18[%parallel_loop3A_752] {strides = array<i32>} : memref<2560xf32, #tpu.memory_space<vmem>>, vector<16xf32>,
          %parallel_loop3A_754 = arith.constant 64 : i32
          %parallel_loop3A_755 = arith.addi %parallel_loop3A_737, %parallel_loop3A_754 : i32
          %parallel_loop3A_756 = arith.index_cast %parallel_loop3A_755 : i32 to index
          %parallel_loop3A_757 = tpu.vector_load %arg18[%parallel_loop3A_756] {strides = array<i32>} : memref<2560xf32, #tpu.memory_space<vmem>>, vector<16xf32>,
          %parallel_loop3A_758 = arith.constant 80 : i32
          %parallel_loop3A_759 = arith.addi %parallel_loop3A_737, %parallel_loop3A_758 : i32
          %parallel_loop3A_760 = arith.index_cast %parallel_loop3A_759 : i32 to index
          %parallel_loop3A_761 = tpu.vector_load %arg18[%parallel_loop3A_760] {strides = array<i32>} : memref<2560xf32, #tpu.memory_space<vmem>>, vector<16xf32>,
          %parallel_loop3A_762 = arith.constant 96 : i32
          %parallel_loop3A_763 = arith.addi %parallel_loop3A_737, %parallel_loop3A_762 : i32
          %parallel_loop3A_764 = arith.index_cast %parallel_loop3A_763 : i32 to index
          %parallel_loop3A_765 = tpu.vector_load %arg18[%parallel_loop3A_764] {strides = array<i32>} : memref<2560xf32, #tpu.memory_space<vmem>>, vector<16xf32>,
          %parallel_loop3A_766 = arith.constant 112 : i32
          %parallel_loop3A_767 = arith.addi %parallel_loop3A_737, %parallel_loop3A_766 : i32
          %parallel_loop3A_768 = arith.index_cast %parallel_loop3A_767 : i32 to index
          %parallel_loop3A_769 = tpu.vector_load %arg18[%parallel_loop3A_768] {strides = array<i32>} : memref<2560xf32, #tpu.memory_space<vmem>>, vector<16xf32>,
          %parallel_loop3A_770 = arith.constant 128 : i32
          %parallel_loop3A_771 = arith.addi %parallel_loop3A_737, %parallel_loop3A_770 : i32
          %parallel_loop3A_772 = arith.index_cast %parallel_loop3A_771 : i32 to index
          %parallel_loop3A_773 = tpu.vector_load %arg18[%parallel_loop3A_772] {strides = array<i32>} : memref<2560xf32, #tpu.memory_space<vmem>>, vector<16xf32>,
          %parallel_loop3A_774 = arith.constant 144 : i32
          %parallel_loop3A_775 = arith.addi %parallel_loop3A_737, %parallel_loop3A_774 : i32
          %parallel_loop3A_776 = arith.index_cast %parallel_loop3A_775 : i32 to index
          %parallel_loop3A_777 = tpu.vector_load %arg18[%parallel_loop3A_776] {strides = array<i32>} : memref<2560xf32, #tpu.memory_space<vmem>>, vector<16xf32>,
          %parallel_loop3A_778 = arith.constant 160 : i32
          %parallel_loop3A_779 = arith.addi %parallel_loop3A_737, %parallel_loop3A_778 : i32
          %parallel_loop3A_780 = arith.index_cast %parallel_loop3A_779 : i32 to index
          %parallel_loop3A_781 = tpu.vector_load %arg18[%parallel_loop3A_780] {strides = array<i32>} : memref<2560xf32, #tpu.memory_space<vmem>>, vector<16xf32>,
          %parallel_loop3A_782 = arith.constant 176 : i32
          %parallel_loop3A_783 = arith.addi %parallel_loop3A_737, %parallel_loop3A_782 : i32
          %parallel_loop3A_784 = arith.index_cast %parallel_loop3A_783 : i32 to index
          %parallel_loop3A_785 = tpu.vector_load %arg18[%parallel_loop3A_784] {strides = array<i32>} : memref<2560xf32, #tpu.memory_space<vmem>>, vector<16xf32>,
          %parallel_loop3A_786 = arith.constant 192 : i32
          %parallel_loop3A_787 = arith.addi %parallel_loop3A_737, %parallel_loop3A_786 : i32
          %parallel_loop3A_788 = arith.index_cast %parallel_loop3A_787 : i32 to index
          %parallel_loop3A_789 = tpu.vector_load %arg18[%parallel_loop3A_788] {strides = array<i32>} : memref<2560xf32, #tpu.memory_space<vmem>>, vector<16xf32>,
          %parallel_loop3A_790 = arith.constant 208 : i32
          %parallel_loop3A_791 = arith.addi %parallel_loop3A_737, %parallel_loop3A_790 : i32
          %parallel_loop3A_792 = arith.index_cast %parallel_loop3A_791 : i32 to index
          %parallel_loop3A_793 = tpu.vector_load %arg18[%parallel_loop3A_792] {strides = array<i32>} : memref<2560xf32, #tpu.memory_space<vmem>>, vector<16xf32>,
          %parallel_loop3A_794 = arith.constant 224 : i32
          %parallel_loop3A_795 = arith.addi %parallel_loop3A_737, %parallel_loop3A_794 : i32
          %parallel_loop3A_796 = arith.index_cast %parallel_loop3A_795 : i32 to index
          %parallel_loop3A_797 = tpu.vector_load %arg18[%parallel_loop3A_796] {strides = array<i32>} : memref<2560xf32, #tpu.memory_space<vmem>>, vector<16xf32>,
          %parallel_loop3A_798 = arith.constant 240 : i32
          %parallel_loop3A_799 = arith.addi %parallel_loop3A_737, %parallel_loop3A_798 : i32
          %parallel_loop3A_800 = arith.index_cast %parallel_loop3A_799 : i32 to index
          %parallel_loop3A_801 = tpu.vector_load %arg18[%parallel_loop3A_800] {strides = array<i32>} : memref<2560xf32, #tpu.memory_space<vmem>>, vector<16xf32>,
          %parallel_loop3A_802 = arith.addf %parallel_loop3A_741, %parallel_loop3A_745 : vector<16xf32>
          %parallel_loop3A_803 = arith.addf %parallel_loop3A_749, %parallel_loop3A_753 : vector<16xf32>
          %parallel_loop3A_804 = arith.addf %parallel_loop3A_757, %parallel_loop3A_761 : vector<16xf32>
          %parallel_loop3A_805 = arith.addf %parallel_loop3A_765, %parallel_loop3A_769 : vector<16xf32>
          %parallel_loop3A_806 = arith.addf %parallel_loop3A_773, %parallel_loop3A_777 : vector<16xf32>
          %parallel_loop3A_807 = arith.addf %parallel_loop3A_781, %parallel_loop3A_785 : vector<16xf32>
          %parallel_loop3A_808 = arith.addf %parallel_loop3A_789, %parallel_loop3A_793 : vector<16xf32>
          %parallel_loop3A_809 = arith.addf %parallel_loop3A_797, %parallel_loop3A_801 : vector<16xf32>
          %parallel_loop3A_810 = arith.addf %parallel_loop3A_802, %parallel_loop3A_803 : vector<16xf32>
          %parallel_loop3A_811 = arith.addf %parallel_loop3A_804, %parallel_loop3A_805 : vector<16xf32>
          %parallel_loop3A_812 = arith.addf %parallel_loop3A_806, %parallel_loop3A_807 : vector<16xf32>
          %parallel_loop3A_813 = arith.addf %parallel_loop3A_808, %parallel_loop3A_809 : vector<16xf32>
          %parallel_loop3A_814 = arith.addf %parallel_loop3A_810, %parallel_loop3A_811 : vector<16xf32>
          %parallel_loop3A_815 = arith.addf %parallel_loop3A_812, %parallel_loop3A_813 : vector<16xf32>
          %parallel_loop3A_816 = arith.addf %parallel_loop3A_814, %parallel_loop3A_815 : vector<16xf32>
          %parallel_loop3A_817 = arith.mulf %parallel_loop3A_734, %parallel_loop3A_816 : vector<16xf32>
          %parallel_loop3A_818 = arith.addf %parallel_loop3A_817, %parallel_loop3A_735 : vector<16xf32>
          %parallel_loop3A_819 = arith.constant 4 : i32
          %parallel_loop3A_820 = vector.broadcast %parallel_loop3A_819 : i32 to vector<16xi32>
          %parallel_loop3A_821 = arith.shrsi %parallel_loop3A_727, %parallel_loop3A_820 : vector<16xi32>
          %parallel_loop3A_822 = arith.constant 15 : i32
          %parallel_loop3A_823 = vector.broadcast %parallel_loop3A_822 : i32 to vector<16xi32>
          %parallel_loop3A_824 = arith.andi %parallel_loop3A_727, %parallel_loop3A_823 : vector<16xi32>
          tpu.vector_store_idx %arg17[%parallel_loop3A_821, %parallel_loop3A_824], %parallel_loop3A_818 {add = true} : memref<16x128xf32, #tpu.memory_space<vmem>>[vector<16xi32>, vector<16xi32>], vector<16xf32>,
        } {sc.loop_unroll_factor = 1 : i64, sc.parallel_access}
      } else {
      }
      %mul3A_670 = arith.constant 2 : i32
      %mul3A_671 = arith.muli %scan3A_662, %mul3A_670 : i32
      %add3A_672 = arith.constant 1 : i32
      %add3A_673 = arith.addi %mul3A_671, %add3A_672 : i32
      %lt3A_674 = arith.cmpi slt, %add3A_673, %select_n3A : i32
      %convert_element_type3A_675 = arith.extui %lt3A_674 : i1 to i32
      %cond3A_676 = arith.constant 0 : i32
      %cond3A_677 = arith.cmpi ne, %convert_element_type3A_675, %cond3A_676 : i32
      scf.if %cond3A_677 {
        %dma_wait3A = arith.constant 1 : i32
        %dma_wait3A_678 = arith.constant 160 : i32
        %dma_wait3A_679 = tpu.memref_slice %arg11[%dma_wait3A_678] : memref<320xi32, #tpu.memory_space<vmem>> -> memref<160xi32, #tpu.memory_space<vmem>>
        %dma_wait3A_680 = arith.constant 0 : i32
        %dma_wait3A_681 = tpu.memref_slice %arg3[%dma_wait3A_680] : memref<100000xi32, #tpu.memory_space<hbm>> -> memref<160xi32, #tpu.memory_space<hbm>>
        %dma_wait3A_682 = tpu.memref_slice %arg25[%dma_wait3A] : memref<2x!tpu.dma_semaphore, #tpu.memory_space<semaphore_mem>> -> memref<1x!tpu.dma_semaphore, #tpu.memory_space<semaphore_mem>>
        %dma_wait3A_683 = tpu.memref_squeeze %dma_wait3A_682 : memref<1x!tpu.dma_semaphore, #tpu.memory_space<semaphore_mem>> -> memref<!tpu.dma_semaphore, #tpu.memory_space<semaphore_mem>>
        %dma_wait3A_684 = arith.constant 160 : i32
        %dma_wait3A_685 = tpu.memref_slice %arg11[%dma_wait3A_684] : memref<320xi32, #tpu.memory_space<vmem>> -> memref<160xi32, #tpu.memory_space<vmem>>
        %dma_wait3A_686 = arith.constant 0 : i32
        %dma_wait3A_687 = tpu.memref_slice %arg3[%dma_wait3A_686] : memref<100000xi32, #tpu.memory_space<hbm>> -> memref<160xi32, #tpu.memory_space<hbm>>
        tpu.wait_dma2 semaphore(%dma_wait3A_683 : memref<!tpu.dma_semaphore, #tpu.memory_space<semaphore_mem>>) src(%dma_wait3A_687 : memref<160xi32, #tpu.memory_space<hbm>>) dst(%dma_wait3A_685 : memref<160xi32, #tpu.memory_space<vmem>>)
        %dma_wait3A_688 = arith.constant 1 : i32
        %dma_wait3A_689 = arith.constant 160 : i32
        %dma_wait3A_690 = tpu.memref_slice %arg12[%dma_wait3A_689] : memref<320xi32, #tpu.memory_space<vmem>> -> memref<160xi32, #tpu.memory_space<vmem>>
        %dma_wait3A_691 = arith.constant 0 : i32
        %dma_wait3A_692 = tpu.memref_slice %arg4[%dma_wait3A_691] : memref<100000xi32, #tpu.memory_space<hbm>> -> memref<160xi32, #tpu.memory_space<hbm>>
        %dma_wait3A_693 = tpu.memref_slice %arg26[%dma_wait3A_688] : memref<2x!tpu.dma_semaphore, #tpu.memory_space<semaphore_mem>> -> memref<1x!tpu.dma_semaphore, #tpu.memory_space<semaphore_mem>>
        %dma_wait3A_694 = tpu.memref_squeeze %dma_wait3A_693 : memref<1x!tpu.dma_semaphore, #tpu.memory_space<semaphore_mem>> -> memref<!tpu.dma_semaphore, #tpu.memory_space<semaphore_mem>>
        %dma_wait3A_695 = arith.constant 160 : i32
        %dma_wait3A_696 = tpu.memref_slice %arg12[%dma_wait3A_695] : memref<320xi32, #tpu.memory_space<vmem>> -> memref<160xi32, #tpu.memory_space<vmem>>
        %dma_wait3A_697 = arith.constant 0 : i32
        %dma_wait3A_698 = tpu.memref_slice %arg4[%dma_wait3A_697] : memref<100000xi32, #tpu.memory_space<hbm>> -> memref<160xi32, #tpu.memory_space<hbm>>
        tpu.wait_dma2 semaphore(%dma_wait3A_694 : memref<!tpu.dma_semaphore, #tpu.memory_space<semaphore_mem>>) src(%dma_wait3A_698 : memref<160xi32, #tpu.memory_space<hbm>>) dst(%dma_wait3A_696 : memref<160xi32, #tpu.memory_space<vmem>>)
        %dma_wait3A_699 = arith.constant 1 : i32
        %dma_wait3A_700 = arith.constant 20480 : i32
        %dma_wait3A_701 = tpu.memref_slice %arg10[%dma_wait3A_700] : memref<40960xf32, #tpu.memory_space<vmem>> -> memref<20480xf32, #tpu.memory_space<vmem>>
        %dma_wait3A_702 = arith.constant 0 : i32
        %dma_wait3A_703 = tpu.memref_slice %arg2[%dma_wait3A_702] : memref<12800000xf32, #tpu.memory_space<hbm>> -> memref<20480xf32, #tpu.memory_space<hbm>>
        %dma_wait3A_704 = tpu.memref_slice %arg24[%dma_wait3A_699] : memref<2x!tpu.dma_semaphore, #tpu.memory_space<semaphore_mem>> -> memref<1x!tpu.dma_semaphore, #tpu.memory_space<semaphore_mem>>
        %dma_wait3A_705 = tpu.memref_squeeze %dma_wait3A_704 : memref<1x!tpu.dma_semaphore, #tpu.memory_space<semaphore_mem>> -> memref<!tpu.dma_semaphore, #tpu.memory_space<semaphore_mem>>
        %dma_wait3A_706 = arith.constant 20480 : i32
        %dma_wait3A_707 = tpu.memref_slice %arg10[%dma_wait3A_706] : memref<40960xf32, #tpu.memory_space<vmem>> -> memref<20480xf32, #tpu.memory_space<vmem>>
        %dma_wait3A_708 = arith.constant 0 : i32
        %dma_wait3A_709 = tpu.memref_slice %arg2[%dma_wait3A_708] : memref<12800000xf32, #tpu.memory_space<hbm>> -> memref<20480xf32, #tpu.memory_space<hbm>>
        tpu.wait_dma2 semaphore(%dma_wait3A_705 : memref<!tpu.dma_semaphore, #tpu.memory_space<semaphore_mem>>) src(%dma_wait3A_709 : memref<20480xf32, #tpu.memory_space<hbm>>) dst(%dma_wait3A_707 : memref<20480xf32, #tpu.memory_space<vmem>>)
        %add3A_710 = arith.constant 1 : i32
        %add3A_711 = arith.addi %add3A_673, %add3A_710 : i32
        %lt3A_712 = arith.cmpi slt, %add3A_711, %select_n3A : i32
        %convert_element_type3A_713 = arith.extui %lt3A_712 : i1 to i32
        %cond3A_714 = arith.constant 0 : i32
        %cond3A_715 = arith.cmpi ne, %convert_element_type3A_713, %cond3A_714 : i32
        scf.if %cond3A_715 {
          %add3A_721 = arith.constant 1 : i32
          %add3A_722 = arith.addi %add3A_673, %add3A_721 : i32
          %mul3A_723 = arith.constant 32 : i32
          %mul3A_724 = arith.muli %add3A_722, %mul3A_723 : i32
          %add3A_725 = arith.addi %add3A, %mul3A_724 : i32
          %mul3A_726 = arith.constant 160 : i32
          %mul3A_727 = arith.muli %add3A_725, %mul3A_726 : i32
          %dma_start3A = arith.constant 0 : i32
          %dma_start3A_728 = arith.constant 0 : i32
          %dma_start3A_729 = tpu.memref_slice %arg11[%dma_start3A_728] : memref<320xi32, #tpu.memory_space<vmem>> -> memref<160xi32, #tpu.memory_space<vmem>>
          %dma_start3A_730 = tpu.memref_slice %arg3[%mul3A_727] : memref<100000xi32, #tpu.memory_space<hbm>> -> memref<160xi32, #tpu.memory_space<hbm>>
          %dma_start3A_731 = tpu.memref_slice %arg25[%dma_start3A] : memref<2x!tpu.dma_semaphore, #tpu.memory_space<semaphore_mem>> -> memref<1x!tpu.dma_semaphore, #tpu.memory_space<semaphore_mem>>
          %dma_start3A_732 = tpu.memref_squeeze %dma_start3A_731 : memref<1x!tpu.dma_semaphore, #tpu.memory_space<semaphore_mem>> -> memref<!tpu.dma_semaphore, #tpu.memory_space<semaphore_mem>>
          %dma_start3A_733 = arith.constant 0 : i32
          %dma_start3A_734 = tpu.memref_slice %arg11[%dma_start3A_733] : memref<320xi32, #tpu.memory_space<vmem>> -> memref<160xi32, #tpu.memory_space<vmem>>
          %dma_start3A_735 = tpu.memref_slice %arg3[%mul3A_727] : memref<100000xi32, #tpu.memory_space<hbm>> -> memref<160xi32, #tpu.memory_space<hbm>>
          tpu.enqueue_dma source(%dma_start3A_735 : memref<160xi32, #tpu.memory_space<hbm>>) target(%dma_start3A_734 : memref<160xi32, #tpu.memory_space<vmem>>) target_semaphore(%dma_start3A_732 : memref<!tpu.dma_semaphore, #tpu.memory_space<semaphore_mem>>)
          %dma_start3A_736 = arith.constant 0 : i32
          %dma_start3A_737 = arith.constant 0 : i32
          %dma_start3A_738 = tpu.memref_slice %arg12[%dma_start3A_737] : memref<320xi32, #tpu.memory_space<vmem>> -> memref<160xi32, #tpu.memory_space<vmem>>
          %dma_start3A_739 = tpu.memref_slice %arg4[%mul3A_727] : memref<100000xi32, #tpu.memory_space<hbm>> -> memref<160xi32, #tpu.memory_space<hbm>>
          %dma_start3A_740 = tpu.memref_slice %arg26[%dma_start3A_736] : memref<2x!tpu.dma_semaphore, #tpu.memory_space<semaphore_mem>> -> memref<1x!tpu.dma_semaphore, #tpu.memory_space<semaphore_mem>>
          %dma_start3A_741 = tpu.memref_squeeze %dma_start3A_740 : memref<1x!tpu.dma_semaphore, #tpu.memory_space<semaphore_mem>> -> memref<!tpu.dma_semaphore, #tpu.memory_space<semaphore_mem>>
          %dma_start3A_742 = arith.constant 0 : i32
          %dma_start3A_743 = tpu.memref_slice %arg12[%dma_start3A_742] : memref<320xi32, #tpu.memory_space<vmem>> -> memref<160xi32, #tpu.memory_space<vmem>>
          %dma_start3A_744 = tpu.memref_slice %arg4[%mul3A_727] : memref<100000xi32, #tpu.memory_space<hbm>> -> memref<160xi32, #tpu.memory_space<hbm>>
          tpu.enqueue_dma source(%dma_start3A_744 : memref<160xi32, #tpu.memory_space<hbm>>) target(%dma_start3A_743 : memref<160xi32, #tpu.memory_space<vmem>>) target_semaphore(%dma_start3A_741 : memref<!tpu.dma_semaphore, #tpu.memory_space<semaphore_mem>>)
          %mul3A_745 = arith.constant 20480 : i32
          %mul3A_746 = arith.muli %add3A_725, %mul3A_745 : i32
          %dma_start3A_747 = arith.constant 0 : i32
          %dma_start3A_748 = arith.constant 0 : i32
          %dma_start3A_749 = tpu.memref_slice %arg10[%dma_start3A_748] : memref<40960xf32, #tpu.memory_space<vmem>> -> memref<20480xf32, #tpu.memory_space<vmem>>
          %dma_start3A_750 = tpu.memref_slice %arg2[%mul3A_746] : memref<12800000xf32, #tpu.memory_space<hbm>> -> memref<20480xf32, #tpu.memory_space<hbm>>
          %dma_start3A_751 = tpu.memref_slice %arg24[%dma_start3A_747] : memref<2x!tpu.dma_semaphore, #tpu.memory_space<semaphore_mem>> -> memref<1x!tpu.dma_semaphore, #tpu.memory_space<semaphore_mem>>
          %dma_start3A_752 = tpu.memref_squeeze %dma_start3A_751 : memref<1x!tpu.dma_semaphore, #tpu.memory_space<semaphore_mem>> -> memref<!tpu.dma_semaphore, #tpu.memory_space<semaphore_mem>>
          %dma_start3A_753 = arith.constant 0 : i32
          %dma_start3A_754 = tpu.memref_slice %arg10[%dma_start3A_753] : memref<40960xf32, #tpu.memory_space<vmem>> -> memref<20480xf32, #tpu.memory_space<vmem>>
          %dma_start3A_755 = tpu.memref_slice %arg2[%mul3A_746] : memref<12800000xf32, #tpu.memory_space<hbm>> -> memref<20480xf32, #tpu.memory_space<hbm>>
          tpu.enqueue_dma source(%dma_start3A_755 : memref<20480xf32, #tpu.memory_space<hbm>>) target(%dma_start3A_754 : memref<20480xf32, #tpu.memory_space<vmem>>) target_semaphore(%dma_start3A_752 : memref<!tpu.dma_semaphore, #tpu.memory_space<semaphore_mem>>)
        } else {
        }
        %parallel_loop3A = arith.constant 0 : i32
        %parallel_loop3A_716 = arith.constant 160 : i32
        %parallel_loop3A_717 = arith.constant 1 : i32
        scf.for %parallel_loop3A_721 = %parallel_loop3A to %parallel_loop3A_716 step %parallel_loop3A_717  : i32 {
          %parallel_loop3A_722 = arith.constant 128 : i32
          %parallel_loop3A_723 = arith.muli %parallel_loop3A_721, %parallel_loop3A_722 : i32
          %parallel_loop3A_724 = arith.constant 20480 : i32
          %parallel_loop3A_725 = arith.addi %parallel_loop3A_724, %parallel_loop3A_723 : i32
          %parallel_loop3A_726 = arith.constant 160 : i32
          %parallel_loop3A_727 = arith.addi %parallel_loop3A_726, %parallel_loop3A_721 : i32
          %parallel_loop3A_728 = vector.broadcast %parallel_loop3A_727 : i32 to vector<16xi32>
          %parallel_loop3A_729 = tpu.vector_load_idx %arg11[%parallel_loop3A_728] : memref<320xi32, #tpu.memory_space<vmem>>[vector<16xi32>], vector<16xi32>,
          %parallel_loop3A_730 = arith.constant 0 : i32
          %parallel_loop3A_731 = arith.addi %parallel_loop3A_725, %parallel_loop3A_730 : i32
          %parallel_loop3A_732 = arith.index_cast %parallel_loop3A_731 : i32 to index
          %parallel_loop3A_733 = tpu.vector_load %arg10[%parallel_loop3A_732] {strides = array<i32>} : memref<40960xf32, #tpu.memory_space<vmem>>, vector<16xf32>,
          %parallel_loop3A_734 = arith.constant 0 : i32
          %parallel_loop3A_735 = vector.broadcast %parallel_loop3A_734 : i32 to vector<16xi32>
          %parallel_loop3A_736 = arith.addi %iota3A, %parallel_loop3A_735 : vector<16xi32>
          tpu.vector_store_idx %arg16[%parallel_loop3A_729, %parallel_loop3A_736], %parallel_loop3A_733 {add = true} : memref<256x128xf32, #tpu.memory_space<vmem>>[vector<16xi32>, vector<16xi32>], vector<16xf32>,
          %parallel_loop3A_737 = arith.mulf %parallel_loop3A_733, %get3A_628 : vector<16xf32>
          %parallel_loop3A_738 = arith.constant 16 : i32
          %parallel_loop3A_739 = arith.addi %parallel_loop3A_725, %parallel_loop3A_738 : i32
          %parallel_loop3A_740 = arith.index_cast %parallel_loop3A_739 : i32 to index
          %parallel_loop3A_741 = tpu.vector_load %arg10[%parallel_loop3A_740] {strides = array<i32>} : memref<40960xf32, #tpu.memory_space<vmem>>, vector<16xf32>,
          %parallel_loop3A_742 = arith.constant 16 : i32
          %parallel_loop3A_743 = vector.broadcast %parallel_loop3A_742 : i32 to vector<16xi32>
          %parallel_loop3A_744 = arith.addi %iota3A, %parallel_loop3A_743 : vector<16xi32>
          tpu.vector_store_idx %arg16[%parallel_loop3A_729, %parallel_loop3A_744], %parallel_loop3A_741 {add = true} : memref<256x128xf32, #tpu.memory_space<vmem>>[vector<16xi32>, vector<16xi32>], vector<16xf32>,
          %parallel_loop3A_745 = arith.mulf %parallel_loop3A_741, %get3A_630 : vector<16xf32>
          %parallel_loop3A_746 = arith.constant 32 : i32
          %parallel_loop3A_747 = arith.addi %parallel_loop3A_725, %parallel_loop3A_746 : i32
          %parallel_loop3A_748 = arith.index_cast %parallel_loop3A_747 : i32 to index
          %parallel_loop3A_749 = tpu.vector_load %arg10[%parallel_loop3A_748] {strides = array<i32>} : memref<40960xf32, #tpu.memory_space<vmem>>, vector<16xf32>,
          %parallel_loop3A_750 = arith.constant 32 : i32
          %parallel_loop3A_751 = vector.broadcast %parallel_loop3A_750 : i32 to vector<16xi32>
          %parallel_loop3A_752 = arith.addi %iota3A, %parallel_loop3A_751 : vector<16xi32>
          tpu.vector_store_idx %arg16[%parallel_loop3A_729, %parallel_loop3A_752], %parallel_loop3A_749 {add = true} : memref<256x128xf32, #tpu.memory_space<vmem>>[vector<16xi32>, vector<16xi32>], vector<16xf32>,
          %parallel_loop3A_753 = arith.mulf %parallel_loop3A_749, %get3A_632 : vector<16xf32>
          %parallel_loop3A_754 = arith.constant 48 : i32
          %parallel_loop3A_755 = arith.addi %parallel_loop3A_725, %parallel_loop3A_754 : i32
          %parallel_loop3A_756 = arith.index_cast %parallel_loop3A_755 : i32 to index
          %parallel_loop3A_757 = tpu.vector_load %arg10[%parallel_loop3A_756] {strides = array<i32>} : memref<40960xf32, #tpu.memory_space<vmem>>, vector<16xf32>,
          %parallel_loop3A_758 = arith.constant 48 : i32
          %parallel_loop3A_759 = vector.broadcast %parallel_loop3A_758 : i32 to vector<16xi32>
          %parallel_loop3A_760 = arith.addi %iota3A, %parallel_loop3A_759 : vector<16xi32>
          tpu.vector_store_idx %arg16[%parallel_loop3A_729, %parallel_loop3A_760], %parallel_loop3A_757 {add = true} : memref<256x128xf32, #tpu.memory_space<vmem>>[vector<16xi32>, vector<16xi32>], vector<16xf32>,
          %parallel_loop3A_761 = arith.mulf %parallel_loop3A_757, %get3A_634 : vector<16xf32>
          %parallel_loop3A_762 = arith.constant 64 : i32
          %parallel_loop3A_763 = arith.addi %parallel_loop3A_725, %parallel_loop3A_762 : i32
          %parallel_loop3A_764 = arith.index_cast %parallel_loop3A_763 : i32 to index
          %parallel_loop3A_765 = tpu.vector_load %arg10[%parallel_loop3A_764] {strides = array<i32>} : memref<40960xf32, #tpu.memory_space<vmem>>, vector<16xf32>,
          %parallel_loop3A_766 = arith.constant 64 : i32
          %parallel_loop3A_767 = vector.broadcast %parallel_loop3A_766 : i32 to vector<16xi32>
          %parallel_loop3A_768 = arith.addi %iota3A, %parallel_loop3A_767 : vector<16xi32>
          tpu.vector_store_idx %arg16[%parallel_loop3A_729, %parallel_loop3A_768], %parallel_loop3A_765 {add = true} : memref<256x128xf32, #tpu.memory_space<vmem>>[vector<16xi32>, vector<16xi32>], vector<16xf32>,
          %parallel_loop3A_769 = arith.mulf %parallel_loop3A_765, %get3A_636 : vector<16xf32>
          %parallel_loop3A_770 = arith.constant 80 : i32
          %parallel_loop3A_771 = arith.addi %parallel_loop3A_725, %parallel_loop3A_770 : i32
          %parallel_loop3A_772 = arith.index_cast %parallel_loop3A_771 : i32 to index
          %parallel_loop3A_773 = tpu.vector_load %arg10[%parallel_loop3A_772] {strides = array<i32>} : memref<40960xf32, #tpu.memory_space<vmem>>, vector<16xf32>,
          %parallel_loop3A_774 = arith.constant 80 : i32
          %parallel_loop3A_775 = vector.broadcast %parallel_loop3A_774 : i32 to vector<16xi32>
          %parallel_loop3A_776 = arith.addi %iota3A, %parallel_loop3A_775 : vector<16xi32>
          tpu.vector_store_idx %arg16[%parallel_loop3A_729, %parallel_loop3A_776], %parallel_loop3A_773 {add = true} : memref<256x128xf32, #tpu.memory_space<vmem>>[vector<16xi32>, vector<16xi32>], vector<16xf32>,
          %parallel_loop3A_777 = arith.mulf %parallel_loop3A_773, %get3A_638 : vector<16xf32>
          %parallel_loop3A_778 = arith.constant 96 : i32
          %parallel_loop3A_779 = arith.addi %parallel_loop3A_725, %parallel_loop3A_778 : i32
          %parallel_loop3A_780 = arith.index_cast %parallel_loop3A_779 : i32 to index
          %parallel_loop3A_781 = tpu.vector_load %arg10[%parallel_loop3A_780] {strides = array<i32>} : memref<40960xf32, #tpu.memory_space<vmem>>, vector<16xf32>,
          %parallel_loop3A_782 = arith.constant 96 : i32
          %parallel_loop3A_783 = vector.broadcast %parallel_loop3A_782 : i32 to vector<16xi32>
          %parallel_loop3A_784 = arith.addi %iota3A, %parallel_loop3A_783 : vector<16xi32>
          tpu.vector_store_idx %arg16[%parallel_loop3A_729, %parallel_loop3A_784], %parallel_loop3A_781 {add = true} : memref<256x128xf32, #tpu.memory_space<vmem>>[vector<16xi32>, vector<16xi32>], vector<16xf32>,
          %parallel_loop3A_785 = arith.mulf %parallel_loop3A_781, %get3A_640 : vector<16xf32>
          %parallel_loop3A_786 = arith.constant 112 : i32
          %parallel_loop3A_787 = arith.addi %parallel_loop3A_725, %parallel_loop3A_786 : i32
          %parallel_loop3A_788 = arith.index_cast %parallel_loop3A_787 : i32 to index
          %parallel_loop3A_789 = tpu.vector_load %arg10[%parallel_loop3A_788] {strides = array<i32>} : memref<40960xf32, #tpu.memory_space<vmem>>, vector<16xf32>,
          %parallel_loop3A_790 = arith.constant 112 : i32
          %parallel_loop3A_791 = vector.broadcast %parallel_loop3A_790 : i32 to vector<16xi32>
          %parallel_loop3A_792 = arith.addi %iota3A, %parallel_loop3A_791 : vector<16xi32>
          tpu.vector_store_idx %arg16[%parallel_loop3A_729, %parallel_loop3A_792], %parallel_loop3A_789 {add = true} : memref<256x128xf32, #tpu.memory_space<vmem>>[vector<16xi32>, vector<16xi32>], vector<16xf32>,
          %parallel_loop3A_793 = arith.mulf %parallel_loop3A_789, %get3A_642 : vector<16xf32>
          %parallel_loop3A_794 = arith.addf %parallel_loop3A_737, %parallel_loop3A_745 : vector<16xf32>
          %parallel_loop3A_795 = arith.addf %parallel_loop3A_753, %parallel_loop3A_761 : vector<16xf32>
          %parallel_loop3A_796 = arith.addf %parallel_loop3A_794, %parallel_loop3A_795 : vector<16xf32>
          %parallel_loop3A_797 = arith.addf %parallel_loop3A_769, %parallel_loop3A_777 : vector<16xf32>
          %parallel_loop3A_798 = arith.addf %parallel_loop3A_785, %parallel_loop3A_793 : vector<16xf32>
          %parallel_loop3A_799 = arith.addf %parallel_loop3A_797, %parallel_loop3A_798 : vector<16xf32>
          %parallel_loop3A_800 = arith.addf %parallel_loop3A_796, %parallel_loop3A_799 : vector<16xf32>
          %parallel_loop3A_801 = arith.constant 4 : i32
          %parallel_loop3A_802 = arith.shrsi %parallel_loop3A_721, %parallel_loop3A_801 : i32
          %parallel_loop3A_803 = arith.constant 8 : i32
          %parallel_loop3A_804 = arith.shli %parallel_loop3A_802, %parallel_loop3A_803 : i32
          %parallel_loop3A_805 = arith.constant 15 : i32
          %parallel_loop3A_806 = arith.andi %parallel_loop3A_721, %parallel_loop3A_805 : i32
          %parallel_loop3A_807 = arith.ori %parallel_loop3A_804, %parallel_loop3A_806 : i32
          %parallel_loop3A_808 = vector.broadcast %parallel_loop3A_807 : i32 to vector<16xi32>
          %parallel_loop3A_809 = arith.addi %mul3A_645, %parallel_loop3A_808 : vector<16xi32>
          tpu.vector_store_idx %arg18[%parallel_loop3A_809], %parallel_loop3A_800 : memref<2560xf32, #tpu.memory_space<vmem>>[vector<16xi32>], vector<16xf32>,
        } {sc.loop_unroll_factor = 1 : i64, sc.parallel_access}
        %parallel_loop3A_718 = arith.constant 0 : i32
        %parallel_loop3A_719 = arith.constant 10 : i32
        %parallel_loop3A_720 = arith.constant 1 : i32
        scf.for %parallel_loop3A_721 = %parallel_loop3A_718 to %parallel_loop3A_719 step %parallel_loop3A_720  : i32 {
          %parallel_loop3A_722 = arith.constant 16 : i32
          %parallel_loop3A_723 = arith.muli %parallel_loop3A_721, %parallel_loop3A_722 : i32
          %parallel_loop3A_724 = arith.constant 160 : i32
          %parallel_loop3A_725 = arith.addi %parallel_loop3A_724, %parallel_loop3A_723 : i32
          %parallel_loop3A_726 = arith.index_cast %parallel_loop3A_725 : i32 to index
          %parallel_loop3A_727 = tpu.vector_load %arg11[%parallel_loop3A_726] {strides = array<i32>} : memref<320xi32, #tpu.memory_space<vmem>>, vector<16xi32>,
          %parallel_loop3A_728 = arith.constant 16 : i32
          %parallel_loop3A_729 = arith.muli %parallel_loop3A_721, %parallel_loop3A_728 : i32
          %parallel_loop3A_730 = arith.constant 160 : i32
          %parallel_loop3A_731 = arith.addi %parallel_loop3A_730, %parallel_loop3A_729 : i32
          %parallel_loop3A_732 = arith.index_cast %parallel_loop3A_731 : i32 to index
          %parallel_loop3A_733 = tpu.vector_load %arg12[%parallel_loop3A_732] {strides = array<i32>} : memref<320xi32, #tpu.memory_space<vmem>>, vector<16xi32>,
          %parallel_loop3A_734 = tpu.vector_load_idx %arg14[%parallel_loop3A_733] : memref<128xf32, #tpu.memory_space<vmem>>[vector<16xi32>], vector<16xf32>,
          %parallel_loop3A_735 = tpu.vector_load_idx %arg15[%parallel_loop3A_733] : memref<128xf32, #tpu.memory_space<vmem>>[vector<16xi32>], vector<16xf32>,
          %parallel_loop3A_736 = arith.constant 256 : i32
          %parallel_loop3A_737 = arith.muli %parallel_loop3A_721, %parallel_loop3A_736 : i32
          %parallel_loop3A_738 = arith.constant 0 : i32
          %parallel_loop3A_739 = arith.addi %parallel_loop3A_737, %parallel_loop3A_738 : i32
          %parallel_loop3A_740 = arith.index_cast %parallel_loop3A_739 : i32 to index
          %parallel_loop3A_741 = tpu.vector_load %arg18[%parallel_loop3A_740] {strides = array<i32>} : memref<2560xf32, #tpu.memory_space<vmem>>, vector<16xf32>,
          %parallel_loop3A_742 = arith.constant 16 : i32
          %parallel_loop3A_743 = arith.addi %parallel_loop3A_737, %parallel_loop3A_742 : i32
          %parallel_loop3A_744 = arith.index_cast %parallel_loop3A_743 : i32 to index
          %parallel_loop3A_745 = tpu.vector_load %arg18[%parallel_loop3A_744] {strides = array<i32>} : memref<2560xf32, #tpu.memory_space<vmem>>, vector<16xf32>,
          %parallel_loop3A_746 = arith.constant 32 : i32
          %parallel_loop3A_747 = arith.addi %parallel_loop3A_737, %parallel_loop3A_746 : i32
          %parallel_loop3A_748 = arith.index_cast %parallel_loop3A_747 : i32 to index
          %parallel_loop3A_749 = tpu.vector_load %arg18[%parallel_loop3A_748] {strides = array<i32>} : memref<2560xf32, #tpu.memory_space<vmem>>, vector<16xf32>,
          %parallel_loop3A_750 = arith.constant 48 : i32
          %parallel_loop3A_751 = arith.addi %parallel_loop3A_737, %parallel_loop3A_750 : i32
          %parallel_loop3A_752 = arith.index_cast %parallel_loop3A_751 : i32 to index
          %parallel_loop3A_753 = tpu.vector_load %arg18[%parallel_loop3A_752] {strides = array<i32>} : memref<2560xf32, #tpu.memory_space<vmem>>, vector<16xf32>,
          %parallel_loop3A_754 = arith.constant 64 : i32
          %parallel_loop3A_755 = arith.addi %parallel_loop3A_737, %parallel_loop3A_754 : i32
          %parallel_loop3A_756 = arith.index_cast %parallel_loop3A_755 : i32 to index
          %parallel_loop3A_757 = tpu.vector_load %arg18[%parallel_loop3A_756] {strides = array<i32>} : memref<2560xf32, #tpu.memory_space<vmem>>, vector<16xf32>,
          %parallel_loop3A_758 = arith.constant 80 : i32
          %parallel_loop3A_759 = arith.addi %parallel_loop3A_737, %parallel_loop3A_758 : i32
          %parallel_loop3A_760 = arith.index_cast %parallel_loop3A_759 : i32 to index
          %parallel_loop3A_761 = tpu.vector_load %arg18[%parallel_loop3A_760] {strides = array<i32>} : memref<2560xf32, #tpu.memory_space<vmem>>, vector<16xf32>,
          %parallel_loop3A_762 = arith.constant 96 : i32
          %parallel_loop3A_763 = arith.addi %parallel_loop3A_737, %parallel_loop3A_762 : i32
          %parallel_loop3A_764 = arith.index_cast %parallel_loop3A_763 : i32 to index
          %parallel_loop3A_765 = tpu.vector_load %arg18[%parallel_loop3A_764] {strides = array<i32>} : memref<2560xf32, #tpu.memory_space<vmem>>, vector<16xf32>,
          %parallel_loop3A_766 = arith.constant 112 : i32
          %parallel_loop3A_767 = arith.addi %parallel_loop3A_737, %parallel_loop3A_766 : i32
          %parallel_loop3A_768 = arith.index_cast %parallel_loop3A_767 : i32 to index
          %parallel_loop3A_769 = tpu.vector_load %arg18[%parallel_loop3A_768] {strides = array<i32>} : memref<2560xf32, #tpu.memory_space<vmem>>, vector<16xf32>,
          %parallel_loop3A_770 = arith.constant 128 : i32
          %parallel_loop3A_771 = arith.addi %parallel_loop3A_737, %parallel_loop3A_770 : i32
          %parallel_loop3A_772 = arith.index_cast %parallel_loop3A_771 : i32 to index
          %parallel_loop3A_773 = tpu.vector_load %arg18[%parallel_loop3A_772] {strides = array<i32>} : memref<2560xf32, #tpu.memory_space<vmem>>, vector<16xf32>,
          %parallel_loop3A_774 = arith.constant 144 : i32
          %parallel_loop3A_775 = arith.addi %parallel_loop3A_737, %parallel_loop3A_774 : i32
          %parallel_loop3A_776 = arith.index_cast %parallel_loop3A_775 : i32 to index
          %parallel_loop3A_777 = tpu.vector_load %arg18[%parallel_loop3A_776] {strides = array<i32>} : memref<2560xf32, #tpu.memory_space<vmem>>, vector<16xf32>,
          %parallel_loop3A_778 = arith.constant 160 : i32
          %parallel_loop3A_779 = arith.addi %parallel_loop3A_737, %parallel_loop3A_778 : i32
          %parallel_loop3A_780 = arith.index_cast %parallel_loop3A_779 : i32 to index
          %parallel_loop3A_781 = tpu.vector_load %arg18[%parallel_loop3A_780] {strides = array<i32>} : memref<2560xf32, #tpu.memory_space<vmem>>, vector<16xf32>,
          %parallel_loop3A_782 = arith.constant 176 : i32
          %parallel_loop3A_783 = arith.addi %parallel_loop3A_737, %parallel_loop3A_782 : i32
          %parallel_loop3A_784 = arith.index_cast %parallel_loop3A_783 : i32 to index
          %parallel_loop3A_785 = tpu.vector_load %arg18[%parallel_loop3A_784] {strides = array<i32>} : memref<2560xf32, #tpu.memory_space<vmem>>, vector<16xf32>,
          %parallel_loop3A_786 = arith.constant 192 : i32
          %parallel_loop3A_787 = arith.addi %parallel_loop3A_737, %parallel_loop3A_786 : i32
          %parallel_loop3A_788 = arith.index_cast %parallel_loop3A_787 : i32 to index
          %parallel_loop3A_789 = tpu.vector_load %arg18[%parallel_loop3A_788] {strides = array<i32>} : memref<2560xf32, #tpu.memory_space<vmem>>, vector<16xf32>,
          %parallel_loop3A_790 = arith.constant 208 : i32
          %parallel_loop3A_791 = arith.addi %parallel_loop3A_737, %parallel_loop3A_790 : i32
          %parallel_loop3A_792 = arith.index_cast %parallel_loop3A_791 : i32 to index
          %parallel_loop3A_793 = tpu.vector_load %arg18[%parallel_loop3A_792] {strides = array<i32>} : memref<2560xf32, #tpu.memory_space<vmem>>, vector<16xf32>,
          %parallel_loop3A_794 = arith.constant 224 : i32
          %parallel_loop3A_795 = arith.addi %parallel_loop3A_737, %parallel_loop3A_794 : i32
          %parallel_loop3A_796 = arith.index_cast %parallel_loop3A_795 : i32 to index
          %parallel_loop3A_797 = tpu.vector_load %arg18[%parallel_loop3A_796] {strides = array<i32>} : memref<2560xf32, #tpu.memory_space<vmem>>, vector<16xf32>,
          %parallel_loop3A_798 = arith.constant 240 : i32
          %parallel_loop3A_799 = arith.addi %parallel_loop3A_737, %parallel_loop3A_798 : i32
          %parallel_loop3A_800 = arith.index_cast %parallel_loop3A_799 : i32 to index
          %parallel_loop3A_801 = tpu.vector_load %arg18[%parallel_loop3A_800] {strides = array<i32>} : memref<2560xf32, #tpu.memory_space<vmem>>, vector<16xf32>,
          %parallel_loop3A_802 = arith.addf %parallel_loop3A_741, %parallel_loop3A_745 : vector<16xf32>
          %parallel_loop3A_803 = arith.addf %parallel_loop3A_749, %parallel_loop3A_753 : vector<16xf32>
          %parallel_loop3A_804 = arith.addf %parallel_loop3A_757, %parallel_loop3A_761 : vector<16xf32>
          %parallel_loop3A_805 = arith.addf %parallel_loop3A_765, %parallel_loop3A_769 : vector<16xf32>
          %parallel_loop3A_806 = arith.addf %parallel_loop3A_773, %parallel_loop3A_777 : vector<16xf32>
          %parallel_loop3A_807 = arith.addf %parallel_loop3A_781, %parallel_loop3A_785 : vector<16xf32>
          %parallel_loop3A_808 = arith.addf %parallel_loop3A_789, %parallel_loop3A_793 : vector<16xf32>
          %parallel_loop3A_809 = arith.addf %parallel_loop3A_797, %parallel_loop3A_801 : vector<16xf32>
          %parallel_loop3A_810 = arith.addf %parallel_loop3A_802, %parallel_loop3A_803 : vector<16xf32>
          %parallel_loop3A_811 = arith.addf %parallel_loop3A_804, %parallel_loop3A_805 : vector<16xf32>
          %parallel_loop3A_812 = arith.addf %parallel_loop3A_806, %parallel_loop3A_807 : vector<16xf32>
          %parallel_loop3A_813 = arith.addf %parallel_loop3A_808, %parallel_loop3A_809 : vector<16xf32>
          %parallel_loop3A_814 = arith.addf %parallel_loop3A_810, %parallel_loop3A_811 : vector<16xf32>
          %parallel_loop3A_815 = arith.addf %parallel_loop3A_812, %parallel_loop3A_813 : vector<16xf32>
          %parallel_loop3A_816 = arith.addf %parallel_loop3A_814, %parallel_loop3A_815 : vector<16xf32>
          %parallel_loop3A_817 = arith.mulf %parallel_loop3A_734, %parallel_loop3A_816 : vector<16xf32>
          %parallel_loop3A_818 = arith.addf %parallel_loop3A_817, %parallel_loop3A_735 : vector<16xf32>
          %parallel_loop3A_819 = arith.constant 4 : i32
          %parallel_loop3A_820 = vector.broadcast %parallel_loop3A_819 : i32 to vector<16xi32>
          %parallel_loop3A_821 = arith.shrsi %parallel_loop3A_727, %parallel_loop3A_820 : vector<16xi32>
          %parallel_loop3A_822 = arith.constant 15 : i32
          %parallel_loop3A_823 = vector.broadcast %parallel_loop3A_822 : i32 to vector<16xi32>
          %parallel_loop3A_824 = arith.andi %parallel_loop3A_727, %parallel_loop3A_823 : vector<16xi32>
          tpu.vector_store_idx %arg17[%parallel_loop3A_821, %parallel_loop3A_824], %parallel_loop3A_818 {add = true} : memref<16x128xf32, #tpu.memory_space<vmem>>[vector<16xi32>, vector<16xi32>], vector<16xf32>,
        } {sc.loop_unroll_factor = 1 : i64, sc.parallel_access}
      } else {
      }
    }
    %scan3A_651 = arith.constant 10 : i32
    %barrier3A = arith.constant 0 : index
    tpu.barrier barrier_id(%barrier3A)
    "tpu.region"() ({
      %run_scoped3A = tpu.sem_alloc : memref<!tpu.dma_semaphore, #tpu.memory_space<semaphore_mem>>
      %dma_start3A = arith.constant 0 : i32
      %dma_start3A_662 = arith.constant 0 : i32
      %dma_start3A_663 = tpu.memref_slice %arg16[%dma_start3A, %dma_start3A_662] : memref<256x128xf32, #tpu.memory_space<vmem>> -> memref<128x128xf32, #tpu.memory_space<vmem>>
      %dma_start3A_664 = arith.constant 0 : i32
      %dma_start3A_665 = arith.constant 0 : i32
      %dma_start3A_666 = tpu.memref_slice %arg19[%dma_start3A_664, %dma_start3A_665] : memref<256x128xf32, #tpu.memory_space<vmem_shared>> -> memref<256x128xf32, #tpu.memory_space<vmem_shared>>
      tpu.enqueue_indirect_dma source(%dma_start3A_663 : memref<128x128xf32, #tpu.memory_space<vmem>>) target(%dma_start3A_666 : memref<256x128xf32, #tpu.memory_space<vmem_shared>>) offsets(%arg21 : memref<128xi32, #tpu.memory_space<vmem>>) semaphore(%run_scoped3A : memref<!tpu.dma_semaphore, #tpu.memory_space<semaphore_mem>>) {add = true}
      %dma_wait3A = arith.constant 0 : i32
      %dma_wait3A_667 = arith.constant 0 : i32
      %dma_wait3A_668 = tpu.memref_slice %arg16[%dma_wait3A, %dma_wait3A_667] : memref<256x128xf32, #tpu.memory_space<vmem>> -> memref<128x128xf32, #tpu.memory_space<vmem>>
      %dma_wait3A_669 = arith.constant 0 : i32
      %dma_wait3A_670 = arith.constant 0 : i32
      %dma_wait3A_671 = tpu.memref_slice %arg19[%dma_wait3A_669, %dma_wait3A_670] : memref<256x128xf32, #tpu.memory_space<vmem_shared>> -> memref<256x128xf32, #tpu.memory_space<vmem_shared>>
      tpu.wait_indirect_dma semaphore(%run_scoped3A : memref<!tpu.dma_semaphore, #tpu.memory_space<semaphore_mem>>) src(%dma_wait3A_668 : memref<128x128xf32, #tpu.memory_space<vmem>>) dst(%dma_wait3A_671 : memref<256x128xf32, #tpu.memory_space<vmem_shared>>)
      tpu.yield
    }) : () -> ()
    "tpu.region"() ({
      %run_scoped3A = tpu.sem_alloc : memref<!tpu.dma_semaphore, #tpu.memory_space<semaphore_mem>>
      %dma_start3A = arith.constant 128 : i32
      %dma_start3A_662 = arith.constant 0 : i32
      %dma_start3A_663 = tpu.memref_slice %arg16[%dma_start3A, %dma_start3A_662] : memref<256x128xf32, #tpu.memory_space<vmem>> -> memref<128x128xf32, #tpu.memory_space<vmem>>
      %dma_start3A_664 = arith.constant 0 : i32
      %dma_start3A_665 = arith.constant 0 : i32
      %dma_start3A_666 = tpu.memref_slice %arg19[%dma_start3A_664, %dma_start3A_665] : memref<256x128xf32, #tpu.memory_space<vmem_shared>> -> memref<256x128xf32, #tpu.memory_space<vmem_shared>>
      tpu.enqueue_indirect_dma source(%dma_start3A_663 : memref<128x128xf32, #tpu.memory_space<vmem>>) target(%dma_start3A_666 : memref<256x128xf32, #tpu.memory_space<vmem_shared>>) offsets(%arg22 : memref<128xi32, #tpu.memory_space<vmem>>) semaphore(%run_scoped3A : memref<!tpu.dma_semaphore, #tpu.memory_space<semaphore_mem>>) {add = true}
      %dma_wait3A = arith.constant 128 : i32
      %dma_wait3A_667 = arith.constant 0 : i32
      %dma_wait3A_668 = tpu.memref_slice %arg16[%dma_wait3A, %dma_wait3A_667] : memref<256x128xf32, #tpu.memory_space<vmem>> -> memref<128x128xf32, #tpu.memory_space<vmem>>
      %dma_wait3A_669 = arith.constant 0 : i32
      %dma_wait3A_670 = arith.constant 0 : i32
      %dma_wait3A_671 = tpu.memref_slice %arg19[%dma_wait3A_669, %dma_wait3A_670] : memref<256x128xf32, #tpu.memory_space<vmem_shared>> -> memref<256x128xf32, #tpu.memory_space<vmem_shared>>
      tpu.wait_indirect_dma semaphore(%run_scoped3A : memref<!tpu.dma_semaphore, #tpu.memory_space<semaphore_mem>>) src(%dma_wait3A_668 : memref<128x128xf32, #tpu.memory_space<vmem>>) dst(%dma_wait3A_671 : memref<256x128xf32, #tpu.memory_space<vmem_shared>>)
      tpu.yield
    }) : () -> ()
    "tpu.region"() ({
      %run_scoped3A = tpu.sem_alloc : memref<!tpu.dma_semaphore, #tpu.memory_space<semaphore_mem>>
      %dma_start3A = arith.constant 0 : i32
      %dma_start3A_662 = arith.constant 0 : i32
      %dma_start3A_663 = tpu.memref_slice %arg20[%dma_start3A, %dma_start3A_662] : memref<16x128xf32, #tpu.memory_space<vmem_shared>> -> memref<16x128xf32, #tpu.memory_space<vmem_shared>>
      tpu.enqueue_indirect_dma source(%arg17 : memref<16x128xf32, #tpu.memory_space<vmem>>) target(%dma_start3A_663 : memref<16x128xf32, #tpu.memory_space<vmem_shared>>) offsets(%arg23 : memref<16xi32, #tpu.memory_space<vmem>>) semaphore(%run_scoped3A : memref<!tpu.dma_semaphore, #tpu.memory_space<semaphore_mem>>) {add = true}
      %dma_wait3A = arith.constant 0 : i32
      %dma_wait3A_664 = arith.constant 0 : i32
      %dma_wait3A_665 = tpu.memref_slice %arg20[%dma_wait3A, %dma_wait3A_664] : memref<16x128xf32, #tpu.memory_space<vmem_shared>> -> memref<16x128xf32, #tpu.memory_space<vmem_shared>>
      tpu.wait_indirect_dma semaphore(%run_scoped3A : memref<!tpu.dma_semaphore, #tpu.memory_space<semaphore_mem>>) src(%arg17 : memref<16x128xf32, #tpu.memory_space<vmem>>) dst(%dma_wait3A_665 : memref<16x128xf32, #tpu.memory_space<vmem_shared>>)
      tpu.yield
    }) : () -> ()
    %barrier3A_652 = arith.constant 0 : index
    tpu.barrier barrier_id(%barrier3A_652)
    %mul3A_653 = arith.constant 16 : i32
    %mul3A_654 = arith.muli %arg1, %mul3A_653 : i32
    %mul3A_655 = arith.constant 16 : i32
    %mul3A_656 = arith.muli %arg1, %mul3A_655 : i32
    "tpu.region"() ({
      %run_scoped3A = tpu.sem_alloc : memref<!tpu.dma_semaphore, #tpu.memory_space<semaphore_mem>>
      %dma_start3A = arith.constant 0 : i32
      %dma_start3A_662 = tpu.memref_slice %arg8[%arg0, %mul3A_656, %dma_start3A] : memref<2x256x128xf32, #tpu.memory_space<hbm>> -> memref<1x16x128xf32, #tpu.memory_space<hbm>>
      %dma_start3A_663 = tpu.memref_squeeze %dma_start3A_662 : memref<1x16x128xf32, #tpu.memory_space<hbm>> -> memref<16x128xf32, #tpu.memory_space<hbm>>
      %dma_start3A_664 = arith.constant 0 : i32
      %dma_start3A_665 = tpu.memref_slice %arg19[%mul3A_654, %dma_start3A_664] : memref<256x128xf32, #tpu.memory_space<vmem_shared>> -> memref<16x128xf32, #tpu.memory_space<vmem_shared>>
      tpu.enqueue_dma source(%dma_start3A_665 : memref<16x128xf32, #tpu.memory_space<vmem_shared>>) target(%dma_start3A_663 : memref<16x128xf32, #tpu.memory_space<hbm>>) target_semaphore(%run_scoped3A : memref<!tpu.dma_semaphore, #tpu.memory_space<semaphore_mem>>)
      %dma_wait3A = arith.constant 0 : i32
      %dma_wait3A_666 = tpu.memref_slice %arg8[%arg0, %mul3A_656, %dma_wait3A] : memref<2x256x128xf32, #tpu.memory_space<hbm>> -> memref<1x16x128xf32, #tpu.memory_space<hbm>>
      %dma_wait3A_667 = tpu.memref_squeeze %dma_wait3A_666 : memref<1x16x128xf32, #tpu.memory_space<hbm>> -> memref<16x128xf32, #tpu.memory_space<hbm>>
      %dma_wait3A_668 = arith.constant 0 : i32
      %dma_wait3A_669 = tpu.memref_slice %arg19[%mul3A_654, %dma_wait3A_668] : memref<256x128xf32, #tpu.memory_space<vmem_shared>> -> memref<16x128xf32, #tpu.memory_space<vmem_shared>>
      tpu.wait_dma2 semaphore(%run_scoped3A : memref<!tpu.dma_semaphore, #tpu.memory_space<semaphore_mem>>) src(%dma_wait3A_669 : memref<16x128xf32, #tpu.memory_space<vmem_shared>>) dst(%dma_wait3A_667 : memref<16x128xf32, #tpu.memory_space<hbm>>)
      tpu.yield
    }) : () -> ()
    %eq3A_657 = arith.constant 0 : i32
    %eq3A_658 = arith.cmpi eq, %arg1, %eq3A_657 : i32
    %convert_element_type3A_659 = arith.extui %eq3A_658 : i1 to i32
    %cond3A_660 = arith.constant 0 : i32
    %cond3A_661 = arith.cmpi ne, %convert_element_type3A_659, %cond3A_660 : i32
    scf.if %cond3A_661 {
      "tpu.region"() ({
        %run_scoped3A = tpu.sem_alloc : memref<!tpu.dma_semaphore, #tpu.memory_space<semaphore_mem>>
        %dma_start3A = arith.constant 0 : i32
        %dma_start3A_662 = arith.constant 0 : i32
        %dma_start3A_663 = tpu.memref_slice %arg9[%arg0, %dma_start3A, %dma_start3A_662] : memref<2x16x128xf32, #tpu.memory_space<hbm>> -> memref<1x16x128xf32, #tpu.memory_space<hbm>>
        %dma_start3A_664 = tpu.memref_squeeze %dma_start3A_663 : memref<1x16x128xf32, #tpu.memory_space<hbm>> -> memref<16x128xf32, #tpu.memory_space<hbm>>
        tpu.enqueue_dma source(%arg20 : memref<16x128xf32, #tpu.memory_space<vmem_shared>>) target(%dma_start3A_664 : memref<16x128xf32, #tpu.memory_space<hbm>>) target_semaphore(%run_scoped3A : memref<!tpu.dma_semaphore, #tpu.memory_space<semaphore_mem>>)
        %dma_wait3A = arith.constant 0 : i32
        %dma_wait3A_665 = arith.constant 0 : i32
        %dma_wait3A_666 = tpu.memref_slice %arg9[%arg0, %dma_wait3A, %dma_wait3A_665] : memref<2x16x128xf32, #tpu.memory_space<hbm>> -> memref<1x16x128xf32, #tpu.memory_space<hbm>>
        %dma_wait3A_667 = tpu.memref_squeeze %dma_wait3A_666 : memref<1x16x128xf32, #tpu.memory_space<hbm>> -> memref<16x128xf32, #tpu.memory_space<hbm>>
        tpu.wait_dma2 semaphore(%run_scoped3A : memref<!tpu.dma_semaphore, #tpu.memory_space<semaphore_mem>>) src(%arg20 : memref<16x128xf32, #tpu.memory_space<vmem_shared>>) dst(%dma_wait3A_667 : memref<16x128xf32, #tpu.memory_space<hbm>>)
        tpu.yield
      }) : () -> ()
    } else {
    }
    return
  }
}

module attributes {stable_mosaic.version = 14 : i64} {
  func.func @_phase2_body(%arg0: i32, %arg1: memref<1x1x32768xf32, #tpu.memory_space<vmem>>, %arg2: memref<1x1x2048xf32, #tpu.memory_space<vmem>>, %arg3: memref<1x32768xf32, #tpu.memory_space<vmem>>, %arg4: memref<1x2048xf32, #tpu.memory_space<vmem>>) attributes {dimension_semantics = [#tpu.dimension_semantics<arbitrary>], iteration_bounds = array<i64: 2>, scalar_prefetch = 0 : i64, scratch_operands = 0 : i64, tpu.core_type = #tpu.core_type<tc>, window_params = [{transform_indices = @transform_0, window_bounds = array<i64: 1, 1, 32768>}, {transform_indices = @transform_1, window_bounds = array<i64: 1, 1, 2048>}, {pipeline_mode = #tpu.pipeline_mode<synchronous>, transform_indices = @transform_2, window_bounds = array<i64: 1, 32768>}, {pipeline_mode = #tpu.pipeline_mode<synchronous>, transform_indices = @transform_3, window_bounds = array<i64: 1, 2048>}]} {
    %eq3A = arith.constant 0 : i32
    %eq3A_0 = arith.cmpi eq, %arg0, %eq3A : i32
    %convert_element_type3A = arith.extui %eq3A_0 : i1 to i32
    %cond3A = arith.constant 0 : i32
    %cond3A_1 = arith.cmpi ne, %convert_element_type3A, %cond3A : i32
    scf.if %cond3A_1 {
      %get3A = arith.constant 0 : index
      %get3A_6 = arith.constant 0 : index
      %get3A_7 = arith.constant 0 : index
      %get3A_8 = vector.load %arg1[%get3A, %get3A_6, %get3A_7] : memref<1x1x32768xf32, #tpu.memory_space<vmem>>, vector<1x1x32768xf32>
      %get3A_9 = vector.shape_cast %get3A_8 : vector<1x1x32768xf32> to vector<1x32768xf32>
      %swap3A = arith.constant 0 : index
      %swap3A_10 = arith.constant 0 : index
      %swap3A_11 = vector.load %arg3[%swap3A, %swap3A_10] : memref<1x32768xf32, #tpu.memory_space<vmem>>, vector<1x32768xf32>
      tpu.vector_store %arg3[%swap3A, %swap3A_10], %get3A_9 {strides = array<i32>} : memref<1x32768xf32, #tpu.memory_space<vmem>>, vector<1x32768xf32>,
      %get3A_12 = arith.constant 0 : index
      %get3A_13 = arith.constant 0 : index
      %get3A_14 = arith.constant 0 : index
      %get3A_15 = vector.load %arg2[%get3A_12, %get3A_13, %get3A_14] : memref<1x1x2048xf32, #tpu.memory_space<vmem>>, vector<1x1x2048xf32>
      %get3A_16 = vector.shape_cast %get3A_15 : vector<1x1x2048xf32> to vector<1x2048xf32>
      %swap3A_17 = arith.constant 0 : index
      %swap3A_18 = arith.constant 0 : index
      %swap3A_19 = vector.load %arg4[%swap3A_17, %swap3A_18] : memref<1x2048xf32, #tpu.memory_space<vmem>>, vector<1x2048xf32>
      tpu.vector_store %arg4[%swap3A_17, %swap3A_18], %get3A_16 {strides = array<i32>} : memref<1x2048xf32, #tpu.memory_space<vmem>>, vector<1x2048xf32>,
    } else {
    }
    %gt3A = arith.constant 0 : i32
    %gt3A_2 = arith.cmpi sgt, %arg0, %gt3A : i32
    %convert_element_type3A_3 = arith.extui %gt3A_2 : i1 to i32
    %cond3A_4 = arith.constant 0 : i32
    %cond3A_5 = arith.cmpi ne, %convert_element_type3A_3, %cond3A_4 : i32
    scf.if %cond3A_5 {
      %get3A = arith.constant 0 : index
      %get3A_6 = arith.constant 0 : index
      %get3A_7 = vector.load %arg3[%get3A, %get3A_6] : memref<1x32768xf32, #tpu.memory_space<vmem>>, vector<1x32768xf32>
      %get3A_8 = arith.constant 0 : index
      %get3A_9 = arith.constant 0 : index
      %get3A_10 = arith.constant 0 : index
      %get3A_11 = vector.load %arg1[%get3A_8, %get3A_9, %get3A_10] : memref<1x1x32768xf32, #tpu.memory_space<vmem>>, vector<1x1x32768xf32>
      %get3A_12 = vector.shape_cast %get3A_11 : vector<1x1x32768xf32> to vector<1x32768xf32>
      %add3A = arith.addf %get3A_7, %get3A_12 : vector<1x32768xf32>
      %swap3A = arith.constant 0 : index
      %swap3A_13 = arith.constant 0 : index
      %swap3A_14 = vector.load %arg3[%swap3A, %swap3A_13] : memref<1x32768xf32, #tpu.memory_space<vmem>>, vector<1x32768xf32>
      tpu.vector_store %arg3[%swap3A, %swap3A_13], %add3A {strides = array<i32>} : memref<1x32768xf32, #tpu.memory_space<vmem>>, vector<1x32768xf32>,
      %get3A_15 = arith.constant 0 : index
      %get3A_16 = arith.constant 0 : index
      %get3A_17 = vector.load %arg4[%get3A_15, %get3A_16] : memref<1x2048xf32, #tpu.memory_space<vmem>>, vector<1x2048xf32>
      %get3A_18 = arith.constant 0 : index
      %get3A_19 = arith.constant 0 : index
      %get3A_20 = arith.constant 0 : index
      %get3A_21 = vector.load %arg2[%get3A_18, %get3A_19, %get3A_20] : memref<1x1x2048xf32, #tpu.memory_space<vmem>>, vector<1x1x2048xf32>
      %get3A_22 = vector.shape_cast %get3A_21 : vector<1x1x2048xf32> to vector<1x2048xf32>
      %add3A_23 = arith.addf %get3A_17, %get3A_22 : vector<1x2048xf32>
      %swap3A_24 = arith.constant 0 : index
      %swap3A_25 = arith.constant 0 : index
      %swap3A_26 = vector.load %arg4[%swap3A_24, %swap3A_25] : memref<1x2048xf32, #tpu.memory_space<vmem>>, vector<1x2048xf32>
      tpu.vector_store %arg4[%swap3A_24, %swap3A_25], %add3A_23 {strides = array<i32>} : memref<1x2048xf32, #tpu.memory_space<vmem>>, vector<1x2048xf32>,
    } else {
    }
    return
  }
  func.func @transform_0(%arg0: i32) -> (i32, i32, i32) {
    %c0_i32 = arith.constant 0 : i32
    %c0_i32_0 = arith.constant 0 : i32
    %c0_i32_1 = arith.constant 0 : i32
    return %arg0, %c0_i32, %c0_i32_0 : i32, i32, i32
  }
  func.func @transform_1(%arg0: i32) -> (i32, i32, i32) {
    %c0_i32 = arith.constant 0 : i32
    %c0_i32_0 = arith.constant 0 : i32
    %c0_i32_1 = arith.constant 0 : i32
    return %arg0, %c0_i32, %c0_i32_0 : i32, i32, i32
  }
  func.func @transform_2(%arg0: i32) -> (i32, i32) {
    %c0_i32 = arith.constant 0 : i32
    %c0_i32_0 = arith.constant 0 : i32
    %c0_i32_1 = arith.constant 0 : i32
    return %c0_i32, %c0_i32_0 : i32, i32
  }
  func.func @transform_3(%arg0: i32) -> (i32, i32) {
    %c0_i32 = arith.constant 0 : i32
    %c0_i32_0 = arith.constant 0 : i32
    %c0_i32_1 = arith.constant 0 : i32
    return %c0_i32, %c0_i32_0 : i32, i32
  }
}

</mosaic_0001>

<sc_bundles>
// kernel: kernel.4.cloned.1.call-start
scs
__scs_entry_jumppad:
0x0: {  	(pc) =	sbr.rel $0x88, $3  }
0x1: {  	(tag) =	ssettag $0x0;
	lr =	simm.s32 $0x1  }
0x2: {  	[smem:$0x3F98] =	sst lr;
	_ =	strace $0xD0000000  }
0x3: {  	_ = 	snop  }
0x4: {  	_ = 	snop  }
0x5: {  	_ = 	snop  }
0x6: {  	_ = 	snop  }
0x7: {  	_ = 	snop  }
__scs_overlays_trampoline_lowered:
0x8: {  	[smem:$0x3FA7] =	sst s0  }
0x9: {  	[smem:$0x3FA8] =	sst s1  }
0xa: {  	[smem:$0x3FA9] =	sst s2  }
0xb: {  	[smem:$0x3FAA] =	sst s3  }
0xc: {  	[smem:$0x3FAB] =	sst s4  }
0xd: {  	[smem:$0x3FAC] =	sst s5  }
0xe: {  	[smem:$0x3FAD] =	sst s6  }
0xf: {  	[smem:$0x3FAE] =	sst s7  }
0x10: {  	[smem:$0x3FAF] =	sst s8  }
0x11: {  	[smem:$0x3FB0] =	sst s9;
	s0 =	simm.s32 @!p0 $0x0  }
0x12: {  	s1 =	sld [smem:$0x3F96];
	s0 =	simm.s32 @p0 $0x1  }
0x13: {  	[smem:$0x3FB1] =	sst s0;
	s0 =	simm.s32 @!p1 $0x0  }
0x14: {  	s2 =	sld [smem:$0x3F95];
	s0 =	simm.s32 @p1 $0x1  }
0x15: {  	[smem:$0x3FB2] =	sst s0;
	s0 =	simm.s32 @!p2 $0x0  }
0x16: {  	s3 =	sld [smem:$0x3FDB];
	s0 =	simm.s32 @p2 $0x1  }
0x17: {  	s4 =	simm.s32 $0x1BF5;
	[smem:$0x3FB4] =	sst s0  }
0x18: {  	s0 =	sld [smem:$0x3F97];
	_ =	swait.ge [sflag:s4], $0x0  }
0x19: {  	s7 =	sld [smem:$0x3F98]  }
0x1a: {  	s8 =	sadd.s32 $0xFFFFE003, lr  }
0x1b: {  	s9 =	sadd.s32 $0xFFFFFEF7, lr;
	s5 =	simm.s32 $0xFFFFFFFF;
	p2 =	slt.u32 s8, $0xFFFFF086  }
0x1c: {  	p1 =	slt.u32 s9, $0xF7A;
	s5 =	simm.s32 @!p2 $0x0  }
0x1d: {  	s5 =	simm.s32 @p1 $0x1;
	p0 =	seq.s32 s7, s2  }
0x1e: {  	s7 =	smul.u32 @!p0 $0xF7A, s2;
	p2 =	seq.s32 @!p0 s5, $0x0  }
0x1f: {  	s9 =	smul.u32 $0xF7A, s1;
	s8 =	simm.s32 @!p0 $0x1BF5;
	p2 =	por !p2, p0  }
0x20: {  	[sflag:s8] =	ssyncset.s32 @!p0 $0xFFFFF086;
	s6 =	sadd.s32 @!p0 s3, s7;
	s7 =	simm.s32 @!p0 $0x108  }
0x21: {  	s3 =	sadd.s32 s3, s9;
	s6 =	sadd.s32 @!p0 $0x88, s6;
	s7 =	simm.s32 @p2 $0x1082  }
0x22: {  	[simem:s7], [sflag:s8] =	dma.local @!p0 [hbm:s6], $0xF7A  }
0x23: {  	s9 =	sor.u32 $0xD0000000, s2;
	s6 =	simm.s32 $0x108;
	_ =	swait.ge @!p0 [sflag:s8], $0x0  }
0x24: {  	s3 =	sadd.s32 $0x88, s3;
	s6 =	simm.s32 @!p1 $0x1082;
	[sflag:s4] =	ssyncset.s32 $0xFFFFF086  }
0x25: {  	[simem:s6], [sflag:s4] =	dma.local [hbm:s3], $0xF7A  }
0x26: {  	[smem:$0x3F98] =	sst s1;
	(tag) =	ssettag s2;
	_ =	strace s9  }
0x27: {  	s1 =	sld [smem:$0x3FA8]  }
0x28: {  	s2 =	sld [smem:$0x3FA9]  }
0x29: {  	s4 =	sld [smem:$0x3FAB]  }
0x2a: {  	p0 =	seq.s32 s5, $0x0;
	s5 =	sld [smem:$0x3FAC]  }
0x2b: {  	s6 =	sld [smem:$0x3FAD]  }
0x2c: {  	s7 =	sld [smem:$0x3FAE]  }
0x2d: {  	s3 =	simm.s32 $0x108;
	s8 =	sld [smem:$0x3FAF]  }
0x2e: {  	s3 =	simm.s32 @!p0 $0x1082;
	s9 =	sld [smem:$0x3FB0]  }
0x2f: {  	lr =	sadd.s32 s0, s3;
	s0 =	sld [smem:$0x3FA7]  }
0x30: {  	s3 =	sld [smem:$0x3FAA]  }
0x31: {  	[smem:$0x3FB3] =	sst s10  }
0x32: {  	s10 =	sld [smem:$0x3FB1];
	_ =	sdelay $0x3  }
0x33: {  	p0 =	seq.s32 s10, $0x1;
	s10 =	sld [smem:$0x3FB3];
	_ =	sdelay $0x3  }
0x34: {  	[smem:$0x3FB3] =	sst s10  }
0x35: {  	s10 =	sld [smem:$0x3FB2];
	_ =	sdelay $0x3  }
0x36: {  	p1 =	seq.s32 s10, $0x1;
	s10 =	sld [smem:$0x3FB3];
	_ =	sdelay $0x3  }
0x37: {  	[smem:$0x3FB3] =	sst s10  }
0x38: {  	s10 =	sld [smem:$0x3FB4]  }
0x39: {  	_ = 	snop;
	(pc) =	sbr.ind lr, $3  }
0x3a: {  	_ = 	snop  }
0x3b: {  	_ = 	snop  }
0x3c: {  	p2 =	seq.s32 s10, $0x1;
	s10 =	sld [smem:$0x3FB3]  }
0x3d: {  	_ =	shalt  }
0x3e: {  	_ =	shalt  }
0x3f: {  	_ =	shalt  }
0x40: {  	_ =	shalt  }
0x41: {  	_ =	shalt  }
0x42: {  	_ =	shalt  }
0x43: {  	_ =	shalt  }
0x44: {  	_ =	shalt  }
0x45: {  	_ =	shalt  }
0x46: {  	_ =	shalt  }
0x47: {  	_ =	shalt  }
0x48: {  	_ =	shalt  }
0x49: {  	_ =	shalt  }
0x4a: {  	_ =	shalt  }
0x4b: {  	_ =	shalt  }
0x4c: {  	_ =	shalt  }
0x4d: {  	_ =	shalt  }
0x4e: {  	_ =	shalt  }
0x4f: {  	_ =	shalt  }
0x50: {  	_ =	shalt  }
0x51: {  	_ =	shalt  }
0x52: {  	_ =	shalt  }
0x53: {  	_ =	shalt  }
0x54: {  	_ =	shalt  }
0x55: {  	_ =	shalt  }
0x56: {  	_ =	shalt  }
0x57: {  	_ =	shalt  }
0x58: {  	_ =	shalt  }
0x59: {  	_ =	shalt  }
0x5a: {  	_ =	shalt  }
0x5b: {  	_ =	shalt  }
0x5c: {  	_ =	shalt  }
0x5d: {  	_ =	shalt  }
0x5e: {  	_ =	shalt  }
0x5f: {  	_ =	shalt  }
0x60: {  	_ =	shalt  }
0x61: {  	_ =	shalt  }
0x62: {  	_ =	shalt  }
0x63: {  	_ =	shalt  }
0x64: {  	_ =	shalt  }
0x65: {  	_ =	shalt  }
0x66: {  	_ =	shalt  }
0x67: {  	_ =	shalt  }
0x68: {  	_ =	shalt  }
0x69: {  	_ =	shalt  }
0x6a: {  	_ =	shalt  }
0x6b: {  	_ =	shalt  }
0x6c: {  	_ =	shalt  }
0x6d: {  	_ =	shalt  }
0x6e: {  	_ =	shalt  }
0x6f: {  	_ =	shalt  }
0x70: {  	_ =	shalt  }
0x71: {  	_ =	shalt  }
0x72: {  	_ =	shalt  }
0x73: {  	_ =	shalt  }
0x74: {  	_ =	shalt  }
0x75: {  	_ =	shalt  }
0x76: {  	_ =	shalt  }
0x77: {  	_ =	shalt  }
0x78: {  	_ =	shalt  }
0x79: {  	_ =	shalt  }
0x7a: {  	_ =	shalt  }
0x7b: {  	_ =	shalt  }
0x7c: {  	_ =	shalt  }
0x7d: {  	_ =	shalt  }
0x7e: {  	_ =	shalt  }
0x7f: {  	_ =	shalt  }
0x80: {  	_ =	shalt  }
0x81: {  	_ =	shalt  }
0x82: {  	_ =	shalt  }
0x83: {  	_ =	shalt  }
0x84: {  	_ =	shalt  }
0x85: {  	_ =	shalt  }
0x86: {  	_ =	shalt  }
0x87: {  	_ =	shalt  }
.Lfunc_end0:
.L_simem_size_0:
called_computation_lowered:
.L_overlay_start_0:
0x88: {  	s2 =	sld [smem:$0x3FD9]  }
0x89: {  	s3 =	sld [smem:$0x3FFE];
	_ =	sdelay $0x1  }
0x8a: {  	s1 =	srdreg.scid  }
0x8b: {  	s0 =	sand.u32 $0x1, s1  }
0x8c: {  	s14 =	sshll.u32 s0, $0xA;
	s2 =	sadd.s32 s3, s2  }
0x8d: {  	s2 =	sadd.s32 s2, s14  }
0x8e: {  	[smem:$0x3FBF] =	sst s2  }
0x8f: {  	_ = 	snop  }
0x90: {  	s2 =	sld [smem:$0x3FC9]  }
0x91: {  	s15 =	sld [smem:$0x3FD0]  }
0x92: {  	s4 =	sld [smem:$0x3FC8]  }
0x93: {  	s5 =	sld [smem:$0x3FC7]  }
0x94: {  	s7 =	simm.s32 $0xA;
	s8 =	simm.s32 $0x10;
	s6 =	sld [smem:$0x3FC6]  }
0x95: {  	[smem:s8], [sflag:s7] =	dma.local [hbm:s15], $0x1  }
0x96: {  	_ =	swait.eq [sflag:s7], $0x1  }
0x97: {  	[sflag:s7] =	ssyncset.done $0x0  }
0x98: {  	s16 =	sld [smem:$0x10];
	[sflag:s7] =	ssyncadd.s32 $0xFFFFFFFF  }
0x99: {  	s17 =	sld [smem:$0x11];
	(tm) =	ssettm $0x1  }
0x9a: {  	s18 =	sld [smem:$0x3FFB];
	_ =	sdelay $0x3  }
0x9b: {  	_ =	strace s18  }
0x9c: {  	s8 =	sld [smem:$0x3FFC];
	_ =	sdelay $0x3  }
0x9d: {  	_ =	strace s8  }
0x9e: {  	s8 =	sld [smem:$0x3FFD];
	_ =	sdelay $0x3  }
0x9f: {  	_ =	strace s8  }
0xa0: {  	_ =	strace $0x8FFFFFFF  }
0xa1: {  	s19 =	sld [smem:$0x3FDB];
	_ =	sdelay $0x1  }
0xa2: {  	s9 =	simm.s32 $_scs_section_size  }
0xa3: {  	s10 =	simm.s32 $_size__tile_overlayer_lowered;
	s11 =	simm.s32 $_tile_overlayer_lowered  }
0xa4: {  	s22 =	simm.s32 $0x1BFF;
	s21 =	sshll.u32 s11, $0x1;
	s8 =	sadd.s32 s9, s19  }
0xa5: {  	s12 =	simm.s32 $0x0;
	s20 =	sshll.u32 s10, $0x1;
	s10 =	sadd.s32 s21, s8  }
0xa6: {  	[timem:s12], [sflag:s22] =	dma.local [hbm:s10], s20  }
0xa7: {  	_ =	swait.ge [sflag:s22], s20  }
0xa8: {  	s9 =	ssub.s32 $0x0, s20;
	[sflag:s22] =	ssyncset.done $0x0  }
0xa9: {  	[sflag:s22] =	ssyncadd.s32 s9;
	_ =	sdelay $0x1  }
0xaa: {  	s23 =	simm.s32 $0x1B8B  }
0xab: {  	_ =	swait.ge [sflag:s23], $0x1  }
0xac: {  	[sflag:s23] =	ssyncset.done $0x0  }
0xad: {  	s25 =	simm.s32 $0x1B8E;
	s24 =	sld [smem:$0x3FFE];
	[sflag:s23] =	ssyncadd.s32 $0xFFFFFFFF  }
0xae: {  	s26 =	simm.s32 $execute0_lowered;
	[smem:$0x3FD2] =	sst s25  }
0xaf: {  	s10 =	sshll.u32 s26, $0x1;
	_ =	strace $0x80000046;
	[dreg:$0x1] =	wrdreg $0xFFFFFFFF  }
0xb0: {  	s28 =	simm.s32 $_size_execute0_lowered;
	s8 =	sadd.s32 s8, s10;
	[dreg:$0x0] =	wrdreg $0x0  }
0xb1: {  	s10 =	sshll.u32 s28, $0x1;
	[dreg:$0x2] =	wrdreg s8  }
0xb2: {  	[dreg:$0x3] =	wrdreg s10  }
0xb3: {  	[dreg:$0x4] =	wrdreg $0xC0  }
0xb4: {  	_ =	task [dreg:s12], $0x5FFFF  }
0xb5: {  	[dreg:$0x1] =	wrdreg $0xFFFFFFFF  }
0xb6: {  	[dreg:$0x0] =	wrdreg $0x60  }
0xb7: {  	[dreg:$0x2] =	wrdreg s2  }
0xb8: {  	[dreg:$0x3] =	wrdreg s5  }
0xb9: {  	[dreg:$0x4] =	wrdreg s4  }
0xba: {  	[dreg:$0x5] =	wrdreg s6  }
0xbb: {  	[dreg:$0x6] =	wrdreg s24  }
0xbc: {  	[dreg:$0x7] =	wrdreg s17  }
0xbd: {  	[dreg:$0x8] =	wrdreg s16  }
0xbe: {  	[dreg:$0x9] =	wrdreg $0x136800  }
0xbf: {  	[dreg:$0xa] =	wrdreg $0x13E800  }
0xc0: {  	[dreg:$0xb] =	wrdreg $0x9  }
0xc1: {  	_ =	task.clear_ibuf [dreg:s12], $0xCFFFF;
	_ =	strace $0x90000046  }
0xc2: {  	s29 =	simm.s32 $0x9;
	_ =	strace $0x80000048  }
0xc3: {  	_ =	swait.ge [sflag:s29], $0x1  }
0xc4: {  	[sflag:s29] =	ssyncadd.s32 $0xFFFFFFFF  }
0xc5: {  	_ =	strace $0x90000048  }
0xc6: {  	_ =	sfence  }
0xc7: {  	s30 =	sld [smem:$0x0];
	_ =	sdelay $0x2  }
0xc8: {  	s31 =	sshll.u32 s1, $0xD;
	s1 =	sshrl.u32 s1, $0x2  }
0xc9: {  	s3 =	sand.u32 $0x4000, s31;
	s1 =	sadd.s32 s1, s30  }
0xca: {  	s0 =	sor.u32 s3, s0;
	s1 =	sshll.u32 s1, $0x11  }
0xcb: {  	s0 =	sor.u32 s1, s0  }
0xcc: {  	s0 =	sadd.s32 $0x8F2B, s0  }
0xcd: {  	[sflag:s0] =	ssyncadd.remote.s32 $0x1  }
0xce: {  	_ =	sfence.sel $0xFFFF  }
0xcf: {  	[dreg:$0x0] =	wrdreg $0xFFFFFFFF;
	(pc) =	sbr.abs _section_cstart, $3  }
0xd0: {  	[dreg:$0x1] =	wrdreg $0xFFFFFFFF  }
0xd1: {  	_ =	task.clear_ibuf [dreg:s12], $0x2FFFF;
	_ =	strace $0x9FFFFFFF  }
0xd2: {  	(tm) =	ssettm $0x7FFFFFFF  }
0xd3: {  	_ =	shalt  }
tec
execute0_lowered:
.L_overlay_start_1:
0x0: {  	(tag) =	ssettag $0x1  }
0x1: {  	s1 =	rddreg [dreg:$0x0]  }
0x2: {  	s0 =	rddreg [dreg:$0x1]  }
0x3: {  	s10 =	rddreg [dreg:$0x2]  }
0x4: {  	s3 =	rddreg [dreg:$0x4]  }
0x5: {  	s4 =	rddreg [dreg:$0x6]  }
0x6: {  	s13 =	rddreg [dreg:$0x7]  }
0x7: {  	s14 =	rddreg [dreg:$0x8];
	s2 =	simm.s32 $0x0;
	s5 =	srdreg.scid  }
0x8: {  	s28 =	simm.s32 $0x3;
	s29 =	simm.s32 $0x5;
	s30 =	simm.s32 $0x1  }
0x9: {  	s31 =	simm.s32 $0xA480;
	[smem:$0x7FF] =	sst s2;
	s15 =	sadd.s32 $0x1000, s3  }
0xa: {  	s5 =	sand.u32 $0x1, s5;
	s2 =	smov.u32 s10;
	_ =	strace $0x80000047  }
0xb: {  	[dreg:$0xa] =	wrdreg s15;
	s15 =	stileid.u32;
	s16 =	ssub.s32 $0x2, s5  }
0xc: {  	s20 =	sshll.u32 s5, $0xC;
	s6 =	sshll.u32 s15, $0x8;
	s7 =	sshll.u32 s15, $0x1  }
0xd: {  	s17 =	sshrl.u32 s16, $0x1;
	s23 =	sshll.u32 s15, $0xB;
	p0 =	sne.s32 s15, $0x0  }
0xe: {  	s3 =	sadd.s32 s6, s3;
	s11 =	sor.u32 s5, s7;
	s6 =	ssub.s32 s16, s17  }
0xf: {  	s5 =	sshll.u32 s5, $0x8;
	s7 =	simm.s32 $0x0;
	s9 =	smul.u32 $0x14, s11  }
0x10: {  	s8 =	ssub.s32 $0x290, s11;
	s18 =	smul.u32 $0xA00, s11;
	s3 =	sadd.s32 s20, s3  }
0x11: {  	s24 =	sadd.s32 s4, s5;
	s25 =	smax.u32 s6, $0x1;
	s20 =	simm.s32 $0xA000  }
0x12: {  	s4 =	simm.s32 $0x12C80;
	s5 =	simm.s32 $0x4;
	s12 =	sshrl.u32 s8, $0x5  }
0x13: {  	v0 =	vlaneseq.u32;
	s22 =	sadd.s32 $0x1200, s3;
	s3 =	sadd.s32 s23, s13;
	[dreg:$0xf] =	wrdreg s24  }
0x14: {  	v1 =	vimm.f32 $0.0e+00;
	v2 =	vor.u32 $0x80, v0;
	[dreg:$0x10] =	wrdreg s25;
	s8 =	simm.s32 $0x7;
	s24 =	simm.s32 $0xA380  }
.Ltmp0:
0x15: {  	v3 =	vor.u32 $0x10, v0;
	v4 =	vor.u32 $0x90, v0;
	v5 =	vor.u32 $0x20, v0;
	s0 =	sadd.s32 s0, s9;
	[dreg:$0xe] =	wrdreg s22;
	(pc) =	sbr.rel .LBB2_1-.Ltmp0, $4  }
0x16: {  	v6 =	vor.u32 $0xA0, v0;
	v7 =	vor.u32 $0x30, v0;
	v8 =	vor.u32 $0xB0, v0;
	s19 =	sadd.s32 s10, s9;
	s21 =	sadd.s32 s1, s18;
	[dreg:$0xb] =	wrdreg s0  }
0x17: {  	v9 =	vor.u32 $0x40, v0;
	v10 =	vor.u32 $0xC0, v0;
	v11 =	vor.u32 $0x50, v0;
	s16 =	sadd.s32 $0xFFFFFFFF, s12;
	s26 =	sshrl.u32 s3, $0x3;
	[dreg:$0xc] =	wrdreg s19  }
0x18: {  	v12 =	vor.u32 $0xD0, v0;
	v13 =	vor.u32 $0x60, v0;
	v14 =	vor.u32 $0xE0, v0;
	s3 =	simm.s32 $0x12480;
	s22 =	simm.s32 $0x2;
	[dreg:$0xd] =	wrdreg s21  }
0x19: {  	v15 =	vor.u32 $0x70, v0;
	v16 =	vor.u32 $0xF0, v0;
	v17 =	vmul.u32 $0x10, v0;
	[dreg:$0x11] =	wrdreg s26;
	s26 =	simm.s32 $0xA400;
	s21 =	simm.s32 $0x6  }
.LBB2_15:
0x1a: {  	[bflag:$0x0] =	sbarrier.arrive $0xFFFF;
	s0 =	simm.s32 $0x80  }
0x1b: {  	s1 =	simm.s32 $0x13F00;
	s8 =	simm.s32 $0x7;
	s13 =	rddreg [dreg:$0x7]  }
0x1c: {  	[spmem:s13] =	stream.indirect.scatter.add.f32 [tilespmem:s31], [sflag:$0x7], $0x80, s1, s0, $0xb8;
	[tilespmem:$0x14080] =	vst v63  }
0x1d: {  	_ =	swait.ge [sflag:s8], $0x4000  }
0x1e: {  	[sflag:s8] =	ssyncset.done $0x0  }
0x1f: {  	s14 =	simm.s32 $0x13F80;
	s6 =	simm.s32 $0xE480;
	[sflag:s8] =	ssyncadd.s32 $0xFFFFC000  }
0x20: {  	[spmem:s13] =	stream.indirect.scatter.add.f32 [tilespmem:s6], [sflag:$0x7], $0x80, s14, s0, $0xb8;
	[tilespmem:$0x14080] =	vst v63  }
0x21: {  	_ =	swait.ge [sflag:s8], $0x4000  }
0x22: {  	[sflag:s8] =	ssyncset.done $0x0  }
0x23: {  	[sflag:s8] =	ssyncadd.s32 $0xFFFFC000  }
0x24: {  	s15 =	simm.s32 $0x10;
	s17 =	simm.s32 $0x14000;
	s14 =	rddreg [dreg:$0x8]  }
0x25: {  	[spmem:s14] =	stream.indirect.scatter.add.f32 [tilespmem:s3], [sflag:$0x7], $0x80, s17, s15, $0xb8;
	[tilespmem:$0x14080] =	vst v63  }
0x26: {  	_ =	swait.ge [sflag:s8], $0x800  }
0x27: {  	[sflag:s8] =	ssyncset.done $0x0  }
0x28: {  	[sflag:s8] =	ssyncadd.s32 $0xFFFFF800  }
0x29: {  	s18 =	stileid.u32;
	[bflag:$0x0] =	sbarrier.arrive $0xFFFF  }
0x2a: {  	s0 =	sshll.u32 s18, $0x6;
	s19 =	rddreg [dreg:$0xe]  }
0x2b: {  	s0 =	sor.u32 $0x1C07, s0;
	s23 =	rddreg [dreg:$0x11]  }
0x2c: {  	[hbm:s19], [sflag:s0] =	dma.local [spmem:s23], $0x100  }
0x2d: {  	_ =	swait.ge [sflag:s8], $0x100  }
0x2e: {  	[sflag:s8] =	ssyncset.done $0x0  }
0x2f: {  	s1 =	sshrl.u32 @!p0 s14, $0x3;
	s6 =	rddreg [dreg:$0xf];
	[sflag:s8] =	ssyncadd.s32 $0xFFFFFF00  }
0x30: {  	[hbm:s6], [sflag:s0] =	dma.local @!p0 [spmem:s1], $0x100  }
0x31: {  	s0 =	simm.s32 @!p0 $0x7  }
0x32: {  	s1 =	rddreg [dreg:$0x0];
	_ =	swait.ge @!p0 [sflag:s0], $0x100  }
0x33: {  	s7 =	rddreg [dreg:$0x12]  }
0x34: {  	s25 =	rddreg [dreg:$0x10];
	s7 =	sadd.s32 $0x1, s7  }
0x35: {  	p1 =	sne.s32 s7, s25  }
.Ltmp1:
0x36: {  	_ = 	snop;
	(pc) =	sbr.rel @!p1 .LBB2_16-.Ltmp1, $3  }
0x37: {  	_ =	sdelay $0x1  }
0x38: {  	[sflag:s0] =	ssyncset.done @!p0 $0x0  }
0x39: {  	[sflag:s0] =	ssyncadd.s32 @!p0 $0xFFFFFF00  }
.LBB2_1:
0x3a: {  	[dreg:$0x12] =	wrdreg s7  }
0x3b: {  	s6 =	simm.s32 $0x0;
	s0 =	rddreg [dreg:$0xb]  }
0x3c: {  	[tilespmem:s20], [sflag:$0x3] =	stream.linear.gather [hbm4b:s0+s6], $0xA0, $0x38;
	[tilespmem:$0x14080] =	vst v63  }
0x3d: {  	s10 =	rddreg [dreg:$0xc];
	s15 =	simm.s32 $0xA180  }
0x3e: {  	[tilespmem:s15], [sflag:$0x5] =	stream.linear.gather [hbm4b:s10+s6], $0xA0, $0x38;
	[tilespmem:$0x14080] =	vst v63  }
0x3f: {  	s17 =	rddreg [dreg:$0xd]  }
0x40: {  	[tilespmem:s6], [sflag:$0x1] =	stream.linear.gather [hbm4b:s17+s6], $0x5000, $0x38;
	[tilespmem:$0x14080] =	vst v63  }
0x41: {  	s18 =	rddreg [dreg:$0x3];
	s19 =	simm.s32 $0xA300  }
0x42: {  	[tilespmem:s19], [sflag:$0x7] =	stream.linear.gather [hbm4b:s18+s6], $0x80, $0x38;
	[tilespmem:$0x14080] =	vst v63  }
0x43: {  	_ =	swait.ge [sflag:s8], $0x80  }
0x44: {  	[sflag:s8] =	ssyncset.done $0x0  }
0x45: {  	s23 =	rddreg [dreg:$0xa];
	[sflag:s8] =	ssyncadd.s32 $0xFFFFFF80  }
0x46: {  	[tilespmem:s24], [sflag:$0x7] =	stream.linear.gather [hbm4b:s23+s6], $0x80, $0x38;
	[tilespmem:$0x14080] =	vst v63  }
0x47: {  	_ =	swait.ge [sflag:s8], $0x80  }
0x48: {  	[sflag:s8] =	ssyncset.done $0x0  }
0x49: {  	[sflag:s8] =	ssyncadd.s32 $0xFFFFFF80  }
0x4a: {  	s25 =	rddreg [dreg:$0x5]  }
0x4b: {  	[tilespmem:s26], [sflag:$0x7] =	stream.linear.gather [hbm4b:s25+s6], $0x80, $0x38;
	[tilespmem:$0x14080] =	vst v63  }
0x4c: {  	_ =	swait.ge [sflag:s8], $0x80  }
0x4d: {  	[sflag:s8] =	ssyncset.done $0x0  }
0x4e: {  	s7 =	simm.s32 $0x200;
	s6 =	simm.s32 $0x0;
	[sflag:s8] =	ssyncadd.s32 $0xFFFFFF80  }
.LBB2_2:
0x4f: {  	p1 =	sne.s32 s7, $0x1FE00;
	[tilespmem:s6+$0xA4F0] =	vst v1  }
0x50: {  	[tilespmem:s6+$0xA480] =	vst v1  }
0x51: {  	[tilespmem:s6+$0xA490] =	vst v1  }
.Ltmp2:
0x52: {  	[tilespmem:s6+$0xA4A0] =	vst v1;
	(pc) =	sbr.rel @p1 .LBB2_2-.Ltmp2, $4  }
0x53: {  	[tilespmem:s6+$0xA4B0] =	vst v1  }
0x54: {  	[tilespmem:s6+$0xA4C0] =	vst v1  }
0x55: {  	[tilespmem:s6+$0xA4D0] =	vst v1  }
0x56: {  	[tilespmem:s6+$0xA4E0] =	vst v1;
	s6 =	sshra.s32 s7, $0x2;
	s7 =	sadd.s32 $0x200, s7  }
0x57: {  	[tilespmem:s6+$0xA4F0] =	vst v1  }
0x58: {  	[tilespmem:s6+$0xA480] =	vst v1  }
0x59: {  	[tilespmem:s6+$0xA490] =	vst v1  }
0x5a: {  	[tilespmem:s6+$0xA4A0] =	vst v1  }
0x5b: {  	[tilespmem:s6+$0xA4B0] =	vst v1  }
0x5c: {  	[tilespmem:s6+$0xA4C0] =	vst v1  }
0x5d: {  	[tilespmem:s6+$0xA4D0] =	vst v1  }
0x5e: {  	[tilespmem:s6+$0xA4E0] =	vst v1  }
0x5f: {  	[tilespmem:$0x12480] =	vst v1  }
0x60: {  	[tilespmem:$0x12490] =	vst v1  }
0x61: {  	[tilespmem:$0x124A0] =	vst v1  }
0x62: {  	[tilespmem:$0x124B0] =	vst v1  }
0x63: {  	[tilespmem:$0x124C0] =	vst v1  }
0x64: {  	[tilespmem:$0x124D0] =	vst v1  }
0x65: {  	[tilespmem:$0x124E0] =	vst v1  }
0x66: {  	[tilespmem:$0x124F0] =	vst v1  }
0x67: {  	[tilespmem:$0x12500] =	vst v1  }
0x68: {  	[tilespmem:$0x12510] =	vst v1  }
0x69: {  	[tilespmem:$0x12520] =	vst v1  }
0x6a: {  	[tilespmem:$0x12530] =	vst v1  }
0x6b: {  	[tilespmem:$0x12540] =	vst v1  }
0x6c: {  	[tilespmem:$0x12550] =	vst v1  }
0x6d: {  	[tilespmem:$0x12560] =	vst v1  }
0x6e: {  	[tilespmem:$0x12570] =	vst v1  }
0x6f: {  	[tilespmem:$0x12580] =	vst v1  }
0x70: {  	[tilespmem:$0x12590] =	vst v1  }
0x71: {  	[tilespmem:$0x125A0] =	vst v1  }
0x72: {  	[tilespmem:$0x125B0] =	vst v1  }
0x73: {  	[tilespmem:$0x125C0] =	vst v1  }
0x74: {  	[tilespmem:$0x125D0] =	vst v1  }
0x75: {  	[tilespmem:$0x125E0] =	vst v1  }
0x76: {  	[tilespmem:$0x125F0] =	vst v1  }
0x77: {  	[tilespmem:$0x12600] =	vst v1  }
0x78: {  	[tilespmem:$0x12610] =	vst v1  }
0x79: {  	[tilespmem:$0x12620] =	vst v1  }
0x7a: {  	[tilespmem:$0x12630] =	vst v1  }
0x7b: {  	[tilespmem:$0x12640] =	vst v1  }
0x7c: {  	[tilespmem:$0x12650] =	vst v1  }
0x7d: {  	[tilespmem:$0x12660] =	vst v1  }
0x7e: {  	[tilespmem:$0x12670] =	vst v1  }
0x7f: {  	[tilespmem:$0x12680] =	vst v1  }
0x80: {  	[tilespmem:$0x12690] =	vst v1  }
0x81: {  	[tilespmem:$0x126A0] =	vst v1  }
0x82: {  	[tilespmem:$0x126B0] =	vst v1  }
0x83: {  	[tilespmem:$0x126C0] =	vst v1  }
0x84: {  	[tilespmem:$0x126D0] =	vst v1  }
0x85: {  	[tilespmem:$0x126E0] =	vst v1  }
0x86: {  	[tilespmem:$0x126F0] =	vst v1  }
0x87: {  	[tilespmem:$0x12700] =	vst v1  }
0x88: {  	[tilespmem:$0x12710] =	vst v1  }
0x89: {  	[tilespmem:$0x12720] =	vst v1  }
0x8a: {  	[tilespmem:$0x12730] =	vst v1  }
0x8b: {  	[tilespmem:$0x12740] =	vst v1  }
0x8c: {  	[tilespmem:$0x12750] =	vst v1  }
0x8d: {  	[tilespmem:$0x12760] =	vst v1  }
0x8e: {  	[tilespmem:$0x12770] =	vst v1  }
0x8f: {  	[tilespmem:$0x12780] =	vst v1  }
0x90: {  	[tilespmem:$0x12790] =	vst v1  }
0x91: {  	[tilespmem:$0x127A0] =	vst v1  }
0x92: {  	[tilespmem:$0x127B0] =	vst v1  }
0x93: {  	[tilespmem:$0x127C0] =	vst v1  }
0x94: {  	[tilespmem:$0x127D0] =	vst v1  }
0x95: {  	[tilespmem:$0x127E0] =	vst v1  }
0x96: {  	[tilespmem:$0x127F0] =	vst v1  }
0x97: {  	[tilespmem:$0x12800] =	vst v1  }
0x98: {  	[tilespmem:$0x12810] =	vst v1  }
0x99: {  	[tilespmem:$0x12820] =	vst v1  }
0x9a: {  	[tilespmem:$0x12830] =	vst v1  }
0x9b: {  	[tilespmem:$0x12840] =	vst v1  }
0x9c: {  	[tilespmem:$0x12850] =	vst v1  }
0x9d: {  	[tilespmem:$0x12860] =	vst v1  }
0x9e: {  	[tilespmem:$0x12870] =	vst v1  }
0x9f: {  	[tilespmem:$0x12880] =	vst v1  }
0xa0: {  	[tilespmem:$0x12890] =	vst v1  }
0xa1: {  	[tilespmem:$0x128A0] =	vst v1  }
0xa2: {  	[tilespmem:$0x128B0] =	vst v1  }
0xa3: {  	[tilespmem:$0x128C0] =	vst v1  }
0xa4: {  	[tilespmem:$0x128D0] =	vst v1  }
0xa5: {  	[tilespmem:$0x128E0] =	vst v1  }
0xa6: {  	[tilespmem:$0x128F0] =	vst v1  }
0xa7: {  	[tilespmem:$0x12900] =	vst v1  }
0xa8: {  	[tilespmem:$0x12910] =	vst v1  }
0xa9: {  	[tilespmem:$0x12920] =	vst v1  }
0xaa: {  	[tilespmem:$0x12930] =	vst v1  }
0xab: {  	[tilespmem:$0x12940] =	vst v1  }
0xac: {  	[tilespmem:$0x12950] =	vst v1  }
0xad: {  	[tilespmem:$0x12960] =	vst v1  }
0xae: {  	[tilespmem:$0x12970] =	vst v1  }
0xaf: {  	[tilespmem:$0x12980] =	vst v1  }
0xb0: {  	[tilespmem:$0x12990] =	vst v1  }
0xb1: {  	[tilespmem:$0x129A0] =	vst v1  }
0xb2: {  	[tilespmem:$0x129B0] =	vst v1  }
0xb3: {  	[tilespmem:$0x129C0] =	vst v1  }
0xb4: {  	[tilespmem:$0x129D0] =	vst v1  }
0xb5: {  	[tilespmem:$0x129E0] =	vst v1  }
0xb6: {  	[tilespmem:$0x129F0] =	vst v1  }
0xb7: {  	[tilespmem:$0x12A00] =	vst v1  }
0xb8: {  	[tilespmem:$0x12A10] =	vst v1  }
0xb9: {  	[tilespmem:$0x12A20] =	vst v1  }
0xba: {  	[tilespmem:$0x12A30] =	vst v1  }
0xbb: {  	[tilespmem:$0x12A40] =	vst v1  }
0xbc: {  	[tilespmem:$0x12A50] =	vst v1  }
0xbd: {  	[tilespmem:$0x12A60] =	vst v1  }
0xbe: {  	[tilespmem:$0x12A70] =	vst v1  }
0xbf: {  	[tilespmem:$0x12A80] =	vst v1  }
0xc0: {  	[tilespmem:$0x12A90] =	vst v1  }
0xc1: {  	[tilespmem:$0x12AA0] =	vst v1  }
0xc2: {  	[tilespmem:$0x12AB0] =	vst v1  }
0xc3: {  	[tilespmem:$0x12AC0] =	vst v1  }
0xc4: {  	[tilespmem:$0x12AD0] =	vst v1  }
0xc5: {  	[tilespmem:$0x12AE0] =	vst v1  }
0xc6: {  	[tilespmem:$0x12AF0] =	vst v1  }
0xc7: {  	[tilespmem:$0x12B00] =	vst v1  }
0xc8: {  	[tilespmem:$0x12B10] =	vst v1  }
0xc9: {  	[tilespmem:$0x12B20] =	vst v1  }
0xca: {  	[tilespmem:$0x12B30] =	vst v1  }
0xcb: {  	[tilespmem:$0x12B40] =	vst v1  }
0xcc: {  	[tilespmem:$0x12B50] =	vst v1  }
0xcd: {  	[tilespmem:$0x12B60] =	vst v1  }
0xce: {  	[tilespmem:$0x12B70] =	vst v1  }
0xcf: {  	[tilespmem:$0x12B80] =	vst v1  }
0xd0: {  	[tilespmem:$0x12B90] =	vst v1  }
0xd1: {  	[tilespmem:$0x12BA0] =	vst v1  }
0xd2: {  	[tilespmem:$0x12BB0] =	vst v1  }
0xd3: {  	[tilespmem:$0x12BC0] =	vst v1  }
0xd4: {  	[tilespmem:$0x12BD0] =	vst v1  }
0xd5: {  	[tilespmem:$0x12BE0] =	vst v1  }
0xd6: {  	[tilespmem:$0x12BF0] =	vst v1  }
0xd7: {  	[tilespmem:$0x12C00] =	vst v1  }
0xd8: {  	[tilespmem:$0x12C10] =	vst v1  }
0xd9: {  	[tilespmem:$0x12C20] =	vst v1  }
0xda: {  	[tilespmem:$0x12C30] =	vst v1  }
0xdb: {  	[tilespmem:$0x12C40] =	vst v1  }
0xdc: {  	[tilespmem:$0x12C50] =	vst v1  }
0xdd: {  	[tilespmem:$0x12C60] =	vst v1  }
0xde: {  	[tilespmem:$0x12C70] =	vst v1  }
0xdf: {  	[tilespmem:$0x13F00] =	vst v0  }
0xe0: {  	[tilespmem:$0x13F80] =	vst v2  }
0xe1: {  	[tilespmem:$0x13F10] =	vst v3  }
0xe2: {  	[tilespmem:$0x13F90] =	vst v4  }
0xe3: {  	[tilespmem:$0x13F20] =	vst v5  }
0xe4: {  	[tilespmem:$0x13FA0] =	vst v6  }
0xe5: {  	[tilespmem:$0x13F30] =	vst v7  }
0xe6: {  	[tilespmem:$0x13FB0] =	vst v8  }
0xe7: {  	[tilespmem:$0x13F40] =	vst v9  }
0xe8: {  	[tilespmem:$0x13FC0] =	vst v10  }
0xe9: {  	[tilespmem:$0x13F50] =	vst v11  }
0xea: {  	[tilespmem:$0x13FD0] =	vst v12  }
0xeb: {  	[tilespmem:$0x13F60] =	vst v13  }
0xec: {  	[tilespmem:$0x13FE0] =	vst v14  }
0xed: {  	[tilespmem:$0x13F70] =	vst v15  }
0xee: {  	[tilespmem:$0x13FF0] =	vst v16  }
0xef: {  	s6 =	simm.s32 @!p0 $0xA480;
	[tilespmem:$0x14000] =	vst v0  }
0xf0: {  	[spmem:s13] =	stream.linear.scatter @!p0 [tilespmem:s6], [sflag:$0x7], $0x8000, $0x38;
	[tilespmem:$0x14080] =	vst v63  }
0xf1: {  	s6 =	simm.s32 @!p0 $0x7  }
0xf2: {  	_ =	swait.ge @!p0 [sflag:s6], $0x8000  }
0xf3: {  	[sflag:s6] =	ssyncset.done @!p0 $0x0  }
0xf4: {  	s7 =	simm.s32 @!p0 $0x12480;
	[sflag:s6] =	ssyncadd.s32 @!p0 $0xFFFF8000  }
0xf5: {  	[spmem:s14] =	stream.linear.scatter @!p0 [tilespmem:s7], [sflag:$0x7], $0x800, $0x38;
	[tilespmem:$0x14080] =	vst v63  }
0xf6: {  	_ =	swait.ge @!p0 [sflag:s6], $0x800  }
0xf7: {  	[sflag:s6] =	ssyncset.done @!p0 $0x0  }
0xf8: {  	[sflag:s6] =	ssyncadd.s32 @!p0 $0xFFFFF800  }
0xf9: {  	v18 =	vld [tilespmem:$0xA300]  }
0xfa: {  	v19 =	vld [tilespmem:$0xA310]  }
0xfb: {  	v20 =	vld [tilespmem:$0xA320]  }
.Ltmp3:
0xfc: {  	v21 =	vld [tilespmem:$0xA330];
	(pc) =	sbr.rel .LBB2_4-.Ltmp3, $4  }
0xfd: {  	v22 =	vld [tilespmem:$0xA340]  }
0xfe: {  	v23 =	vld [tilespmem:$0xA350]  }
0xff: {  	v24 =	vld [tilespmem:$0xA360]  }
0x100: {  	s13 =	simm.s32 $0x0;
	s14 =	simm.s32 $0x0;
	v25 =	vld [tilespmem:$0xA370]  }
.LBB2_14:
0x101: {  	s14 =	sadd.s32 $0x1, s14  }
0x102: {  	p1 =	sne.s32 s14, $0xA  }
.Ltmp4:
0x103: {  	_ = 	snop;
	(pc) =	sbr.rel @!p1 .LBB2_15-.Ltmp4, $1  }
0x104: {  	_ =	sdelay $0x3  }
.LBB2_4:
0x105: {  	_ =	swait.ge [sflag:s28], $0xA0  }
0x106: {  	[sflag:s28] =	ssyncset.done $0x0  }
0x107: {  	[sflag:s28] =	ssyncadd.s32 $0xFFFFFF60  }
0x108: {  	_ =	swait.ge [sflag:s29], $0xA0  }
0x109: {  	s6 =	sshllo.u32 s14, $0x1;
	[sflag:s29] =	ssyncset.done $0x0  }
0x10a: {  	p1 =	sge.u32 s6, s12;
	[sflag:s29] =	ssyncadd.s32 $0xFFFFFF60  }
0x10b: {  	s6 =	sshll.u32 @!p1 s6, $0x5;
	_ =	swait.ge [sflag:s30], $0x5000  }
0x10c: {  	s6 =	sor.u32 @!p1 s11, s6;
	[sflag:s30] =	ssyncset.done $0x0  }
0x10d: {  	s7 =	smul.u32 @!p1 $0x14, s6;
	[sflag:s30] =	ssyncadd.s32 $0xFFFFB000  }
0x10e: {  	s0 =	rddreg [dreg:$0x1]  }
0x10f: {  	s9 =	simm.s32 @!p1 $0x0;
	s10 =	simm.s32 @!p1 $0xA0A0;
	s8 =	sadd.s32 @!p1 s0, s7  }
0x110: {  	v26 =	vmov s13;
	[tilespmem:s10], [sflag:$0x4] =	stream.linear.gather @!p1 [hbm4b:s8+s9], $0xA0, $0x38;
	[tilespmem:$0x14080] =	vst v63  }
0x111: {  	s6 =	smul.u32 @!p1 $0xA00, s6;
	s7 =	sadd.s32 @!p1 s2, s7;
	s8 =	simm.s32 @!p1 $0xA220  }
0x112: {  	[tilespmem:s8], [sflag:$0x6] =	stream.linear.gather @!p1 [hbm4b:s7+s9], $0xA0, $0x38;
	[tilespmem:$0x14080] =	vst v63  }
0x113: {  	s6 =	sadd.s32 @!p1 s1, s6;
	s7 =	simm.s32 @!p1 $0x5000  }
0x114: {  	[tilespmem:s7], [sflag:$0x2] =	stream.linear.gather @!p1 [hbm4b:s6+s9], $0x5000, $0x38;
	[tilespmem:$0x14080] =	vst v63  }
0x115: {  	v26 =	vld.idx.msk [tilespmem:v26+s20+$0x0], $0xffff;
	_ =	sdelay $0x4  }
0x116: {  	s9 =	simm.s32 $0x40;
	v37 =	vshll.u32 v26, $0x7  }
0x117: {  	v34 =	vld [tilespmem:s9+$0xFFFFFFC0];
	v26 =	vor.u32 v0, v37;
	_ =	sdelay $0x3  }
0x118: {  	s18 =	simm.s32 $0x1  }
0x119: {  	v27 =	vmov s18;
	[tilespmem:v26+s31+$0x0] =	vst.idx.add.f32.msk $0xffff, v34  }
0x11a: {  	v26 =	vor.u32 v3, v37;
	v39 =	vld [tilespmem:s9+$0xFFFFFFD0];
	_ =	sdelay $0x3  }
0x11b: {  	v27 =	vld.idx.msk [tilespmem:v27+s20+$0x0], $0xffff  }
0x11c: {  	[tilespmem:v26+s31+$0x0] =	vst.idx.add.f32.msk $0xffff, v39  }
0x11d: {  	v26 =	vor.u32 v5, v37;
	v40 =	vld [tilespmem:s9+$0xFFFFFFE0];
	_ =	sdelay $0x2  }
0x11e: {  	s6 =	simm.s32 $0xC0;
	v28 =	vshll.u32 v27, $0x7  }
0x11f: {  	v31 =	vld [tilespmem:s6+$0xFFFFFFC0];
	v27 =	vor.u32 v0, v28  }
0x120: {  	[tilespmem:v26+s31+$0x0] =	vst.idx.add.f32.msk $0xffff, v40  }
0x121: {  	v26 =	vor.u32 v7, v37;
	v41 =	vld [tilespmem:s9+$0xFFFFFFF0];
	_ =	sdelay $0x1  }
0x122: {  	s25 =	simm.s32 $0x2  }
0x123: {  	v29 =	vmov s25;
	[tilespmem:v27+s31+$0x0] =	vst.idx.add.f32.msk $0xffff, v31  }
0x124: {  	v27 =	vor.u32 v3, v28;
	v32 =	vld [tilespmem:s6+$0xFFFFFFD0]  }
0x125: {  	[tilespmem:v26+s31+$0x0] =	vst.idx.add.f32.msk $0xffff, v41  }
0x126: {  	v26 =	vor.u32 v9, v37;
	v42 =	vld [tilespmem:s9+$0x0];
	_ =	sdelay $0x1  }
0x127: {  	s17 =	simm.s32 $0x3;
	v29 =	vld.idx.msk [tilespmem:v29+s20+$0x0], $0xffff  }
0x128: {  	v35 =	vmov s17;
	[tilespmem:v27+s31+$0x0] =	vst.idx.add.f32.msk $0xffff, v32  }
0x129: {  	v36 =	vor.u32 v5, v28;
	v33 =	vld [tilespmem:s6+$0xFFFFFFE0]  }
0x12a: {  	[tilespmem:v26+s31+$0x0] =	vst.idx.add.f32.msk $0xffff, v42  }
0x12b: {  	s7 =	simm.s32 $0x140;
	v26 =	vor.u32 v11, v37;
	v43 =	vld [tilespmem:s9+$0x10]  }
0x12c: {  	v30 =	vld [tilespmem:s7+$0xFFFFFFC0];
	v27 =	vshll.u32 v29, $0x7  }
0x12d: {  	v44 =	vld.idx.msk [tilespmem:v35+s20+$0x0], $0xffff;
	v29 =	vor.u32 v0, v27  }
0x12e: {  	[tilespmem:v36+s31+$0x0] =	vst.idx.add.f32.msk $0xffff, v33  }
0x12f: {  	v56 =	vor.u32 v7, v28;
	v36 =	vld [tilespmem:s6+$0xFFFFFFF0]  }
0x130: {  	[tilespmem:v26+s31+$0x0] =	vst.idx.add.f32.msk $0xffff, v43  }
0x131: {  	v26 =	vor.u32 v13, v37;
	v45 =	vld [tilespmem:s9+$0x20]  }
0x132: {  	[tilespmem:v29+s31+$0x0] =	vst.idx.add.f32.msk $0xffff, v30  }
0x133: {  	v38 =	vld [tilespmem:s7+$0xFFFFFFD0]  }
0x134: {  	v46 =	vor.u32 v3, v27;
	[tilespmem:v56+s31+$0x0] =	vst.idx.add.f32.msk $0xffff, v36  }
0x135: {  	v35 =	vld [tilespmem:s6+$0x0]  }
0x136: {  	[tilespmem:v26+s31+$0x0] =	vst.idx.add.f32.msk $0xffff, v45  }
0x137: {  	v47 =	vor.u32 v9, v28;
	v48 =	vld [tilespmem:s9+$0x30];
	_ =	sdelay $0x1  }
0x138: {  	v57 =	vmul.f32 v34, v18;
	v58 =	vmul.f32 v39, v19;
	[tilespmem:v46+s31+$0x0] =	vst.idx.add.f32.msk $0xffff, v38  }
0x139: {  	v51 =	vor.u32 v5, v27;
	v40 =	vmul.f32 v40, v20;
	v52 =	vmul.f32 v41, v21;
	v34 =	vld [tilespmem:s7+$0xFFFFFFE0]  }
0x13a: {  	s19 =	simm.s32 $0x4;
	v59 =	vor.u32 v11, v28;
	v42 =	vmul.f32 v42, v22;
	v43 =	vmul.f32 v43, v23  }
0x13b: {  	v49 =	vmov s19;
	[tilespmem:v47+s31+$0x0] =	vst.idx.add.f32.msk $0xffff, v35;
	v45 =	vmul.f32 v45, v24;
	v53 =	vmul.f32 v48, v25  }
0x13c: {  	s15 =	sand.u32 $0xF00, s13;
	s23 =	sand.u32 $0xF, s13;
	s10 =	simm.s32 $0x1C0;
	v60 =	vadd.f32 v52, v40;
	v39 =	vld [tilespmem:s6+$0x10];
	v37 =	vor.u32 v15, v37;
	v42 =	vadd.f32 v43, v42  }
0x13d: {  	s8 =	sor.u32 s23, s15;
	v29 =	vld [tilespmem:s10+$0xFFFFFFC0];
	v26 =	vshll.u32 v44, $0x7;
	v44 =	vadd.f32 v58, v57;
	v61 =	vadd.f32 v53, v45  }
0x13e: {  	v62 =	vor.u32 s8, v17;
	[tilespmem:v51+s31+$0x0] =	vst.idx.add.f32.msk $0xffff, v34  }
0x13f: {  	v63 =	vor.u32 v7, v27;
	v40 =	vld [tilespmem:s7+$0xFFFFFFF0];
	v44 =	vadd.f32 v60, v44;
	v43 =	vadd.f32 v61, v42  }
0x140: {  	v41 =	vld.idx.msk [tilespmem:v49+s20+$0x0], $0xffff;
	v50 =	vor.u32 v0, v26  }
0x141: {  	[tilespmem:v59+s31+$0x0] =	vst.idx.add.f32.msk $0xffff, v39;
	v43 =	vadd.f32 v43, v44  }
0x142: {  	[tilespmem:v37+s31+$0x0] =	vst.idx.add.f32.msk $0xffff, v48  }
0x143: {  	v42 =	vld [tilespmem:s6+$0x20];
	[tilespmem:v62+s4+$0x0] =	vst.idx.msk $0xffff, v43;
	v43 =	vor.u32 v13, v28  }
0x144: {  	[tilespmem:v63+s31+$0x0] =	vst.idx.add.f32.msk $0xffff, v40  }
0x145: {  	[tilespmem:v50+s31+$0x0] =	vst.idx.add.f32.msk $0xffff, v29  }
0x146: {  	s15 =	sshll.u32 s14, $0x1;
	s8 =	simm.s32 $0x0;
	s9 =	simm.s32 $0x5;
	v37 =	vld [tilespmem:s10+$0xFFFFFFD0];
	v44 =	vor.u32 v3, v26  }
.LBB2_5:
0x147: {  	p1 =	sne.s32 s9, $0x9F;
	v45 =	vld [tilespmem:s7+$0x0]  }
0x148: {  	v46 =	vor.u32 v9, v27;
	[tilespmem:v43+s31+$0x0] =	vst.idx.add.f32.msk $0xffff, v42  }
0x149: {  	v47 =	vld [tilespmem:s6+$0x30];
	s6 =	smov.u32 s7;
	s7 =	smov.u32 s10;
	s10 =	sadd.s32 $0x80, s10  }
0x14a: {  	v48 =	vshll.u32 v41, $0x7;
	v49 =	vmul.f32 v31, v18;
	v31 =	vmovc v30;
	v30 =	vmovc v29;
	v43 =	vmov s9;
	v29 =	vld [tilespmem:s10+$0xFFFFFFC0]  }
0x14b: {  	v50 =	vor.u32 v0, v48;
	[tilespmem:v44+s31+$0x0] =	vst.idx.add.f32.msk $0xffff, v37;
	v44 =	vmul.f32 v32, v19;
	v32 =	vmov v38  }
0x14c: {  	v51 =	vmul.f32 v33, v20;
	v52 =	vmul.f32 v36, v21;
	v33 =	vmovc v34;
	v38 =	vor.u32 v5, v26;
	v34 =	vld [tilespmem:s7+$0xFFFFFFE0]  }
0x14d: {  	v53 =	vmul.f32 v39, v23;
	[tilespmem:v46+s31+$0x0] =	vst.idx.add.f32.msk $0xffff, v45;
	v46 =	vmul.f32 v35, v22;
	v35 =	vmov v45  }
0x14e: {  	s8 =	sadd.s32 $0x10, s8;
	v36 =	vmovc v40;
	v42 =	vmul.f32 v42, v24;
	v45 =	vor.u32 v11, v27;
	v39 =	vld [tilespmem:s6+$0x10];
	v54 =	vmul.f32 v47, v25  }
0x14f: {  	v55 =	vor.u32 v15, v28;
	s0 =	sand.u32 $0xF, s18;
	s18 =	smov.u32 s25;
	s23 =	sand.u32 $0xF00, s8;
	v41 =	vld.idx.msk [tilespmem:v43+s20+$0x0], $0xffff;
	v43 =	vadd.f32 v44, v49;
	v44 =	vadd.f32 v52, v51  }
0x150: {  	v28 =	vmov v27;
	s25 =	smov.u32 s17;
	s17 =	smov.u32 s19;
	s0 =	sor.u32 s0, s23;
	v46 =	vadd.f32 v53, v46;
	[tilespmem:v50+s31+$0x0] =	vst.idx.add.f32.msk $0xffff, v29;
	v42 =	vadd.f32 v54, v42  }
0x151: {  	s19 =	smov.u32 s9;
	v27 =	vmovc v26;
	v26 =	vmov v48;
	v49 =	vor.u32 s0, v17;
	[tilespmem:v38+s31+$0x0] =	vst.idx.add.f32.msk $0xffff, v34;
	v38 =	vmov v37  }
0x152: {  	v48 =	vor.u32 v7, v27;
	v37 =	vadd.f32 v44, v43;
	v40 =	vld [tilespmem:s7+$0xFFFFFFF0];
	v44 =	vadd.f32 v42, v46  }
.Ltmp5:
0x153: {  	[tilespmem:v45+s31+$0x0] =	vst.idx.add.f32.msk $0xffff, v39;
	(pc) =	sbr.rel @p1 .LBB2_5-.Ltmp5, $4  }
0x154: {  	v43 =	vor.u32 v13, v28;
	v42 =	vld [tilespmem:s6+$0x20];
	v44 =	vadd.f32 v44, v37  }
0x155: {  	[tilespmem:v55+s31+$0x0] =	vst.idx.add.f32.msk $0xffff, v47  }
0x156: {  	v37 =	vld [tilespmem:s10+$0xFFFFFFD0];
	[tilespmem:v49+s4+$0x0] =	vst.idx.msk $0xffff, v44  }
0x157: {  	s9 =	sadd.s32 $0x1, s9;
	v44 =	vor.u32 v3, v26;
	[tilespmem:v48+s31+$0x0] =	vst.idx.add.f32.msk $0xffff, v40  }
0x158: {  	s9 =	sadd.s32 $0x80, s10;
	v41 =	vshll.u32 v41, $0x7  }
0x159: {  	v45 =	vld [tilespmem:s9+$0xFFFFFFC0];
	v46 =	vor.u32 v0, v41;
	_ =	sdelay $0x3  }
0x15a: {  	v47 =	vld [tilespmem:s7+$0x0]  }
0x15b: {  	v59 =	vor.u32 v9, v27;
	[tilespmem:v46+s31+$0x0] =	vst.idx.add.f32.msk $0xffff, v45  }
0x15c: {  	v49 =	vor.u32 v3, v41;
	v46 =	vld [tilespmem:s9+$0xFFFFFFD0]  }
0x15d: {  	[tilespmem:v43+s31+$0x0] =	vst.idx.add.f32.msk $0xffff, v42  }
0x15e: {  	[tilespmem:v44+s31+$0x0] =	vst.idx.add.f32.msk $0xffff, v37  }
0x15f: {  	v48 =	vor.u32 v5, v26;
	v44 =	vld [tilespmem:s10+$0xFFFFFFE0]  }
0x160: {  	[tilespmem:v59+s31+$0x0] =	vst.idx.add.f32.msk $0xffff, v47  }
0x161: {  	[tilespmem:v49+s31+$0x0] =	vst.idx.add.f32.msk $0xffff, v46  }
0x162: {  	v52 =	vor.u32 v5, v41;
	v49 =	vld [tilespmem:s9+$0xFFFFFFE0]  }
0x163: {  	v43 =	vld [tilespmem:s7+$0x10]  }
0x164: {  	v53 =	vor.u32 v11, v27;
	[tilespmem:v48+s31+$0x0] =	vst.idx.add.f32.msk $0xffff, v44  }
0x165: {  	v51 =	vor.u32 v7, v26;
	v48 =	vld [tilespmem:s10+$0xFFFFFFF0]  }
0x166: {  	v50 =	vld [tilespmem:s6+$0x30]  }
0x167: {  	[tilespmem:v52+s31+$0x0] =	vst.idx.add.f32.msk $0xffff, v49  }
0x168: {  	v55 =	vor.u32 v7, v41;
	v52 =	vld [tilespmem:s9+$0xFFFFFFF0]  }
0x169: {  	[tilespmem:v53+s31+$0x0] =	vst.idx.add.f32.msk $0xffff, v43  }
0x16a: {  	[tilespmem:v51+s31+$0x0] =	vst.idx.add.f32.msk $0xffff, v48  }
0x16b: {  	v54 =	vor.u32 v9, v26;
	v51 =	vld [tilespmem:s10+$0x0]  }
0x16c: {  	v53 =	vld [tilespmem:s7+$0x20]  }
0x16d: {  	v56 =	vor.u32 v13, v27;
	[tilespmem:v55+s31+$0x0] =	vst.idx.add.f32.msk $0xffff, v52  }
0x16e: {  	v58 =	vor.u32 v9, v41;
	v55 =	vld [tilespmem:s9+$0x0]  }
0x16f: {  	v31 =	vmul.f32 v31, v18;
	v32 =	vmul.f32 v32, v19  }
0x170: {  	v33 =	vmul.f32 v33, v20;
	v36 =	vmul.f32 v36, v21;
	[tilespmem:v54+s31+$0x0] =	vst.idx.add.f32.msk $0xffff, v51  }
0x171: {  	v57 =	vor.u32 v11, v26;
	v35 =	vmul.f32 v35, v22;
	v39 =	vmul.f32 v39, v23;
	v54 =	vld [tilespmem:s10+$0x10]  }
0x172: {  	v60 =	vmul.f32 v42, v24;
	v61 =	vmul.f32 v50, v25;
	[tilespmem:v56+s31+$0x0] =	vst.idx.add.f32.msk $0xffff, v53  }
0x173: {  	v28 =	vor.u32 v15, v28;
	v31 =	vadd.f32 v32, v31;
	[tilespmem:v58+s31+$0x0] =	vst.idx.add.f32.msk $0xffff, v55  }
0x174: {  	v62 =	vadd.f32 v36, v33;
	v56 =	vadd.f32 v61, v60;
	v60 =	vor.u32 v11, v41;
	v33 =	vld [tilespmem:s9+$0x10]  }
0x175: {  	v30 =	vmul.f32 v30, v18;
	v34 =	vmul.f32 v34, v20;
	v63 =	vadd.f32 v39, v35;
	v42 =	vld [tilespmem:s7+$0x30]  }
0x176: {  	v31 =	vadd.f32 v62, v31;
	v62 =	vmul.f32 v40, v21;
	[tilespmem:v57+s31+$0x0] =	vst.idx.add.f32.msk $0xffff, v54  }
0x177: {  	v27 =	vor.u32 v15, v27;
	v29 =	vmul.f32 v29, v18;
	v57 =	vor.u32 v13, v26;
	v36 =	vld [tilespmem:s10+$0x20]  }
0x178: {  	v34 =	vadd.f32 v62, v34;
	[tilespmem:v28+s31+$0x0] =	vst.idx.add.f32.msk $0xffff, v50;
	v59 =	vadd.f32 v56, v63  }
0x179: {  	v62 =	vmul.f32 v44, v20;
	v61 =	vmul.f32 v38, v19;
	[tilespmem:v60+s31+$0x0] =	vst.idx.add.f32.msk $0xffff, v33  }
0x17a: {  	v63 =	vmul.f32 v47, v22;
	v31 =	vadd.f32 v59, v31;
	v59 =	vor.u32 v13, v41;
	v32 =	vld [tilespmem:s9+$0x20]  }
0x17b: {  	v56 =	vmul.f32 v43, v23;
	v30 =	vadd.f32 v61, v30;
	v61 =	vmul.f32 v37, v19  }
0x17c: {  	s0 =	sadd.s32 $0x10, s8;
	v58 =	vmul.f32 v42, v25;
	[tilespmem:v57+s31+$0x0] =	vst.idx.add.f32.msk $0xffff, v36;
	v57 =	vmul.f32 v53, v24  }
0x17d: {  	s23 =	sand.u32 $0xF, s18;
	s8 =	sand.u32 $0xF00, s0;
	v30 =	vadd.f32 v34, v30;
	v29 =	vadd.f32 v61, v29;
	v50 =	vmul.f32 v54, v23;
	v39 =	vld [tilespmem:s10+$0x30]  }
0x17e: {  	s0 =	sadd.s32 $0x10, s0;
	s6 =	sor.u32 s23, s8;
	v26 =	vor.u32 v15, v26;
	v28 =	vadd.f32 v58, v57;
	v60 =	vadd.f32 v56, v63  }
0x17f: {  	s8 =	sand.u32 $0xF00, s0;
	v35 =	vor.u32 s6, v17;
	s10 =	sand.u32 $0xF, s25;
	v57 =	vmul.f32 v46, v19;
	v58 =	vmul.f32 v49, v20;
	[tilespmem:v59+s31+$0x0] =	vst.idx.add.f32.msk $0xffff, v32  }
0x180: {  	s6 =	sor.u32 s10, s8;
	v63 =	vmul.f32 v48, v21;
	v48 =	vmul.f32 v51, v22;
	v28 =	vadd.f32 v28, v60;
	v47 =	vld [tilespmem:s9+$0x30]  }
0x181: {  	v40 =	vor.u32 s6, v17;
	v56 =	vmul.f32 v45, v18;
	v33 =	vmul.f32 v33, v23  }
0x182: {  	v51 =	vmul.f32 v39, v25;
	v28 =	vadd.f32 v28, v30;
	v30 =	vmul.f32 v36, v24  }
0x183: {  	s0 =	sadd.s32 $0x10, s0;
	v53 =	vadd.f32 v63, v62;
	v54 =	vadd.f32 v50, v48;
	v60 =	vmul.f32 v55, v22  }
0x184: {  	s23 =	sand.u32 $0xF, s17;
	s18 =	sand.u32 $0xF00, s0;
	v62 =	vadd.f32 v57, v56;
	v30 =	vadd.f32 v51, v30;
	v59 =	vmul.f32 v52, v21  }
0x185: {  	s0 =	sadd.s32 $0x10, s0;
	s6 =	sor.u32 s23, s18;
	v29 =	vadd.f32 v53, v29;
	v32 =	vmul.f32 v32, v24;
	v61 =	vmul.f32 v47, v25  }
0x186: {  	s0 =	sand.u32 $0xF00, s0;
	[tilespmem:v35+s4+$0x0] =	vst.idx.msk $0xffff, v31;
	s25 =	sand.u32 $0xF, s19;
	v31 =	vor.u32 s6, v17;
	v33 =	vadd.f32 v33, v60;
	v30 =	vadd.f32 v30, v54  }
0x187: {  	s0 =	sor.u32 s25, s0;
	v63 =	vor.u32 v15, v41;
	v36 =	vadd.f32 v59, v58;
	v32 =	vadd.f32 v61, v32  }
0x188: {  	[tilespmem:v27+s31+$0x0] =	vst.idx.add.f32.msk $0xffff, v42;
	v27 =	vadd.f32 v30, v29;
	v29 =	vor.u32 s0, v17  }
0x189: {  	[tilespmem:v40+s4+$0x0] =	vst.idx.msk $0xffff, v28;
	v28 =	vadd.f32 v36, v62;
	v30 =	vadd.f32 v32, v33  }
0x18a: {  	[tilespmem:v26+s31+$0x0] =	vst.idx.add.f32.msk $0xffff, v39  }
0x18b: {  	[tilespmem:v31+s4+$0x0] =	vst.idx.msk $0xffff, v27;
	v26 =	vadd.f32 v30, v28  }
0x18c: {  	[tilespmem:v63+s31+$0x0] =	vst.idx.add.f32.msk $0xffff, v47  }
0x18d: {  	s6 =	simm.s32 $0x12D00;
	[tilespmem:v29+s4+$0x0] =	vst.idx.msk $0xffff, v26  }
0x18e: {  	v26 =	vld [tilespmem:s6+$0xFFFFFF80]  }
0x18f: {  	v27 =	vld [tilespmem:s6+$0xFFFFFF90]  }
0x190: {  	v28 =	vld [tilespmem:s6+$0xFFFFFFA0]  }
0x191: {  	v29 =	vld [tilespmem:s6+$0xFFFFFFB0]  }
0x192: {  	v30 =	vld [tilespmem:s6+$0xFFFFFFC0]  }
0x193: {  	v31 =	vld [tilespmem:s6+$0xFFFFFFD0]  }
0x194: {  	v32 =	vld [tilespmem:s6+$0xFFFFFFE0]  }
0x195: {  	v33 =	vld [tilespmem:s6+$0xFFFFFFF0]  }
0x196: {  	v34 =	vld [tilespmem:s6+$0x0]  }
0x197: {  	v35 =	vld [tilespmem:s6+$0x10]  }
0x198: {  	v36 =	vld [tilespmem:s6+$0x20]  }
0x199: {  	v38 =	vld [tilespmem:s6+$0x30]  }
0x19a: {  	v37 =	vld [tilespmem:s6+$0x40]  }
0x19b: {  	v39 =	vld [tilespmem:s6+$0x50]  }
0x19c: {  	s7 =	simm.s32 $0x40;
	s8 =	simm.s32 $0x0;
	v40 =	vld [tilespmem:s6+$0x60]  }
.LBB2_7:
0x19d: {  	p1 =	sne.s32 s7, $0x240;
	v41 =	vld [tilespmem:s8+$0xA180]  }
0x19e: {  	v42 =	vld [tilespmem:s6+$0x70]  }
0x19f: {  	s6 =	sadd.s32 $0x100, s6;
	v43 =	vld [tilespmem:s8+$0xA000]  }
0x1a0: {  	v44 =	vadd.f32 v27, v26;
	v45 =	vadd.f32 v29, v28;
	v26 =	vld [tilespmem:s6+$0xFFFFFF80]  }
0x1a1: {  	v31 =	vadd.f32 v31, v30;
	v32 =	vadd.f32 v33, v32;
	v27 =	vld [tilespmem:s6+$0xFFFFFF90]  }
0x1a2: {  	v33 =	vadd.f32 v35, v34;
	v34 =	vadd.f32 v38, v36;
	v28 =	vld [tilespmem:s6+$0xFFFFFFA0]  }
0x1a3: {  	v35 =	vadd.f32 v39, v37;
	v29 =	vld [tilespmem:s6+$0xFFFFFFB0];
	v36 =	vadd.f32 v42, v40  }
0x1a4: {  	v32 =	vadd.f32 v32, v31;
	v37 =	vadd.f32 v45, v44;
	v30 =	vld [tilespmem:s6+$0xFFFFFFC0]  }
0x1a5: {  	v33 =	vadd.f32 v34, v33;
	v38 =	vld.idx.msk [tilespmem:v41+s24+$0x0], $0xffff;
	v34 =	vadd.f32 v36, v35  }
0x1a6: {  	v31 =	vld [tilespmem:s6+$0xFFFFFFD0]  }
0x1a7: {  	v35 =	vadd.f32 v32, v37;
	v39 =	vld.idx.msk [tilespmem:v41+s26+$0x0], $0xffff;
	v34 =	vadd.f32 v34, v33  }
0x1a8: {  	v36 =	vshll.u32 v43, $0x3;
	v32 =	vld [tilespmem:s6+$0xFFFFFFE0]  }
0x1a9: {  	v36 =	vand.u32 $0xFFFFFF80, v36;
	v33 =	vld [tilespmem:s6+$0xFFFFFFF0];
	v37 =	vadd.f32 v34, v35;
	v35 =	vand.u32 $0xF, v43  }
0x1aa: {  	v34 =	vld [tilespmem:s6+$0x0];
	v40 =	vor.u32 v35, v36  }
0x1ab: {  	v35 =	vld [tilespmem:s6+$0x10];
	v37 =	vmul.f32 v37, v38  }
0x1ac: {  	v36 =	vld [tilespmem:s6+$0x20]  }
.Ltmp6:
0x1ad: {  	v38 =	vld [tilespmem:s6+$0x30];
	v39 =	vadd.f32 v37, v39;
	(pc) =	sbr.rel @p1 .LBB2_7-.Ltmp6, $4  }
0x1ae: {  	v37 =	vld [tilespmem:s6+$0x40]  }
0x1af: {  	[tilespmem:v40+s3+$0x0] =	vst.idx.add.f32.msk $0xffff, v39  }
0x1b0: {  	v39 =	vld [tilespmem:s6+$0x50]  }
0x1b1: {  	s8 =	sshra.s32 s7, $0x2;
	s7 =	sadd.s32 $0x40, s7;
	v40 =	vld [tilespmem:s6+$0x60]  }
0x1b2: {  	v41 =	vld [tilespmem:s8+$0xA180]  }
0x1b3: {  	v42 =	vld [tilespmem:s6+$0x70];
	_ =	sdelay $0x1  }
0x1b4: {  	v26 =	vadd.f32 v27, v26;
	v27 =	vadd.f32 v29, v28  }
0x1b5: {  	v52 =	vadd.f32 v31, v30;
	v53 =	vadd.f32 v33, v32  }
0x1b6: {  	v54 =	vadd.f32 v35, v34;
	v55 =	vadd.f32 v38, v36  }
0x1b7: {  	v56 =	vld [tilespmem:s8+$0xA000];
	v57 =	vadd.f32 v39, v37;
	v58 =	vadd.f32 v42, v40  }
0x1b8: {  	v26 =	vadd.f32 v27, v26;
	v27 =	vadd.f32 v53, v52  }
0x1b9: {  	v59 =	vadd.f32 v55, v54;
	v60 =	vadd.f32 v58, v57  }
0x1ba: {  	v61 =	vld.idx.msk [tilespmem:v41+s24+$0x0], $0xffff  }
0x1bb: {  	v26 =	vadd.f32 v27, v26;
	v27 =	vadd.f32 v60, v59  }
0x1bc: {  	v63 =	vshll.u32 v56, $0x3;
	v62 =	vld.idx.msk [tilespmem:v41+s26+$0x0], $0xffff  }
0x1bd: {  	v29 =	vand.u32 $0xFFFFFF80, v63;
	v26 =	vadd.f32 v27, v26;
	v27 =	vand.u32 $0xF, v56  }
0x1be: {  	p1 =	sge.u32 s15, s16;
	v27 =	vor.u32 v27, v29  }
.Ltmp7:
0x1bf: {  	v26 =	vmul.f32 v26, v61;
	(pc) =	sbr.rel @p1 .LBB2_14-.Ltmp7, $3  }
0x1c0: {  	_ = 	snop  }
0x1c1: {  	v26 =	vadd.f32 v26, v62;
	_ =	sdelay $0x1  }
0x1c2: {  	[tilespmem:v27+s3+$0x0] =	vst.idx.add.f32.msk $0xffff, v26  }
0x1c3: {  	_ =	swait.ge [sflag:s5], $0xA0  }
0x1c4: {  	[sflag:s5] =	ssyncset.done $0x0  }
0x1c5: {  	[sflag:s5] =	ssyncadd.s32 $0xFFFFFF60  }
0x1c6: {  	_ =	swait.ge [sflag:s21], $0xA0  }
0x1c7: {  	s0 =	sadd.s32 $0x2, s15;
	[sflag:s21] =	ssyncset.done $0x0  }
0x1c8: {  	p1 =	sge.u32 s0, s12;
	[sflag:s21] =	ssyncadd.s32 $0xFFFFFF60  }
0x1c9: {  	s0 =	sshll.u32 @!p1 s0, $0x5;
	_ =	swait.ge [sflag:s22], $0x5000  }
0x1ca: {  	s0 =	sor.u32 @!p1 s11, s0;
	[sflag:s22] =	ssyncset.done $0x0  }
0x1cb: {  	s6 =	smul.u32 @!p1 $0x14, s0;
	[sflag:s22] =	ssyncadd.s32 $0xFFFFB000  }
0x1cc: {  	s10 =	simm.s32 $0xA0;
	s7 =	rddreg [dreg:$0x1]  }
0x1cd: {  	s8 =	simm.s32 @!p1 $0x0;
	s9 =	simm.s32 @!p1 $0xA000;
	s7 =	sadd.s32 @!p1 s7, s6  }
0x1ce: {  	v26 =	vmov s10;
	[tilespmem:s9], [sflag:$0x3] =	stream.linear.gather @!p1 [hbm4b:s7+s8], $0xA0, $0x38;
	[tilespmem:$0x14080] =	vst v63  }
0x1cf: {  	s0 =	smul.u32 @!p1 $0xA00, s0;
	s6 =	sadd.s32 @!p1 s2, s6;
	s7 =	simm.s32 @!p1 $0xA180  }
0x1d0: {  	[tilespmem:s7], [sflag:$0x5] =	stream.linear.gather @!p1 [hbm4b:s6+s8], $0xA0, $0x38;
	[tilespmem:$0x14080] =	vst v63  }
0x1d1: {  	s0 =	sadd.s32 @!p1 s1, s0  }
0x1d2: {  	[tilespmem:s8], [sflag:$0x1] =	stream.linear.gather @!p1 [hbm4b:s0+s8], $0x5000, $0x38;
	[tilespmem:$0x14080] =	vst v63  }
0x1d3: {  	v26 =	vld.idx.msk [tilespmem:v26+s20+$0x0], $0xffff;
	_ =	sdelay $0x4  }
0x1d4: {  	s10 =	simm.s32 $0x0;
	v38 =	vshll.u32 v26, $0x7  }
0x1d5: {  	v34 =	vld [tilespmem:s10+$0x5000];
	v26 =	vor.u32 v0, v38;
	_ =	sdelay $0x3  }
0x1d6: {  	s15 =	simm.s32 $0xA1  }
0x1d7: {  	v27 =	vmov s15;
	[tilespmem:v26+s31+$0x0] =	vst.idx.add.f32.msk $0xffff, v34  }
0x1d8: {  	v26 =	vor.u32 v3, v38;
	v39 =	vld [tilespmem:s10+$0x5010];
	_ =	sdelay $0x3  }
0x1d9: {  	v27 =	vld.idx.msk [tilespmem:v27+s20+$0x0], $0xffff  }
0x1da: {  	[tilespmem:v26+s31+$0x0] =	vst.idx.add.f32.msk $0xffff, v39  }
0x1db: {  	v26 =	vor.u32 v5, v38;
	v40 =	vld [tilespmem:s10+$0x5020];
	_ =	sdelay $0x2  }
0x1dc: {  	s7 =	simm.s32 $0x80;
	v28 =	vshll.u32 v27, $0x7  }
0x1dd: {  	v31 =	vld [tilespmem:s7+$0x5000];
	v27 =	vor.u32 v0, v28  }
0x1de: {  	[tilespmem:v26+s31+$0x0] =	vst.idx.add.f32.msk $0xffff, v40  }
0x1df: {  	v26 =	vor.u32 v7, v38;
	v41 =	vld [tilespmem:s10+$0x5030];
	_ =	sdelay $0x1  }
0x1e0: {  	s17 =	simm.s32 $0xA2  }
0x1e1: {  	v29 =	vmov s17;
	[tilespmem:v27+s31+$0x0] =	vst.idx.add.f32.msk $0xffff, v31  }
0x1e2: {  	v27 =	vor.u32 v3, v28;
	v32 =	vld [tilespmem:s7+$0x5010]  }
0x1e3: {  	[tilespmem:v26+s31+$0x0] =	vst.idx.add.f32.msk $0xffff, v41  }
0x1e4: {  	v26 =	vor.u32 v9, v38;
	v42 =	vld [tilespmem:s10+$0x5040];
	_ =	sdelay $0x1  }
0x1e5: {  	s18 =	simm.s32 $0xA3;
	v29 =	vld.idx.msk [tilespmem:v29+s20+$0x0], $0xffff  }
0x1e6: {  	v35 =	vmov s18;
	[tilespmem:v27+s31+$0x0] =	vst.idx.add.f32.msk $0xffff, v32  }
0x1e7: {  	v36 =	vor.u32 v5, v28;
	v33 =	vld [tilespmem:s7+$0x5020]  }
0x1e8: {  	[tilespmem:v26+s31+$0x0] =	vst.idx.add.f32.msk $0xffff, v42  }
0x1e9: {  	s18 =	simm.s32 $0x100;
	v26 =	vor.u32 v11, v38;
	v43 =	vld [tilespmem:s10+$0x5050]  }
0x1ea: {  	v30 =	vld [tilespmem:s18+$0x5000];
	v27 =	vshll.u32 v29, $0x7  }
0x1eb: {  	v44 =	vld.idx.msk [tilespmem:v35+s20+$0x0], $0xffff;
	v29 =	vor.u32 v0, v27  }
0x1ec: {  	[tilespmem:v36+s31+$0x0] =	vst.idx.add.f32.msk $0xffff, v33  }
0x1ed: {  	v57 =	vor.u32 v7, v28;
	v36 =	vld [tilespmem:s7+$0x5030]  }
0x1ee: {  	[tilespmem:v26+s31+$0x0] =	vst.idx.add.f32.msk $0xffff, v43  }
0x1ef: {  	v26 =	vor.u32 v13, v38;
	v45 =	vld [tilespmem:s10+$0x5060]  }
0x1f0: {  	[tilespmem:v29+s31+$0x0] =	vst.idx.add.f32.msk $0xffff, v30  }
0x1f1: {  	v37 =	vld [tilespmem:s18+$0x5010]  }
0x1f2: {  	v46 =	vor.u32 v3, v27;
	[tilespmem:v57+s31+$0x0] =	vst.idx.add.f32.msk $0xffff, v36  }
0x1f3: {  	v35 =	vld [tilespmem:s7+$0x5040]  }
0x1f4: {  	[tilespmem:v26+s31+$0x0] =	vst.idx.add.f32.msk $0xffff, v45  }
0x1f5: {  	v47 =	vor.u32 v9, v28;
	v48 =	vld [tilespmem:s10+$0x5070]  }
0x1f6: {  	s19 =	simm.s32 $0xA4  }
0x1f7: {  	v49 =	vmov s19;
	v58 =	vmul.f32 v34, v18;
	v59 =	vmul.f32 v39, v19;
	[tilespmem:v46+s31+$0x0] =	vst.idx.add.f32.msk $0xffff, v37  }
0x1f8: {  	v51 =	vor.u32 v5, v27;
	v40 =	vmul.f32 v40, v20;
	v52 =	vmul.f32 v41, v21;
	v34 =	vld [tilespmem:s18+$0x5020]  }
0x1f9: {  	v60 =	vor.u32 v11, v28;
	v42 =	vmul.f32 v42, v22;
	v43 =	vmul.f32 v43, v23  }
0x1fa: {  	[tilespmem:v47+s31+$0x0] =	vst.idx.add.f32.msk $0xffff, v35;
	v45 =	vmul.f32 v45, v24;
	v53 =	vmul.f32 v48, v25  }
0x1fb: {  	s15 =	simm.s32 $0x180;
	v61 =	vadd.f32 v52, v40;
	v39 =	vld [tilespmem:s7+$0x5050];
	v42 =	vadd.f32 v43, v42;
	v26 =	vshll.u32 v44, $0x7  }
0x1fc: {  	v29 =	vld [tilespmem:s15+$0x5000];
	v44 =	vadd.f32 v59, v58;
	v50 =	vor.u32 v0, v26;
	s10 =	simm.s32 $0x0;
	v62 =	vadd.f32 v53, v45  }
0x1fd: {  	[tilespmem:v51+s31+$0x0] =	vst.idx.add.f32.msk $0xffff, v34;
	s23 =	sand.u32 $0xF00, s10;
	s25 =	sand.u32 $0xF, s10  }
0x1fe: {  	v41 =	vld.idx.msk [tilespmem:v49+s20+$0x0], $0xffff;
	v38 =	vor.u32 v15, v38;
	v44 =	vadd.f32 v61, v44;
	s0 =	sor.u32 s25, s23;
	v43 =	vadd.f32 v62, v42  }
0x1ff: {  	v40 =	vld [tilespmem:s18+$0x5030];
	v63 =	vor.u32 s0, v17  }
0x200: {  	[tilespmem:v60+s31+$0x0] =	vst.idx.add.f32.msk $0xffff, v39;
	v46 =	vadd.f32 v43, v44;
	v44 =	vor.u32 v7, v27  }
0x201: {  	[tilespmem:v50+s31+$0x0] =	vst.idx.add.f32.msk $0xffff, v29  }
0x202: {  	s17 =	simm.s32 $0x3;
	v42 =	vld [tilespmem:s7+$0x5060];
	v43 =	vor.u32 v13, v28  }
0x203: {  	s19 =	simm.s32 $0x4;
	s9 =	simm.s32 $0xA00;
	s6 =	simm.s32 $0x2;
	[tilespmem:v38+s31+$0x0] =	vst.idx.add.f32.msk $0xffff, v48  }
0x204: {  	s8 =	simm.s32 $0x4;
	s25 =	simm.s32 $0x1;
	s23 =	simm.s32 $0x800;
	v38 =	vld [tilespmem:s15+$0x5010];
	[tilespmem:v63+s4+$0x0] =	vst.idx.msk $0xffff, v46  }
.LBB2_10:
0x205: {  	p1 =	sne.s32 s9, $0x13E00;
	v45 =	vor.u32 v3, v26;
	[tilespmem:v44+s31+$0x0] =	vst.idx.add.f32.msk $0xffff, v40  }
0x206: {  	v44 =	vld [tilespmem:s18+$0x5040]  }
0x207: {  	s8 =	sadd.s32 $0x1, s8;
	v46 =	vor.u32 v9, v27;
	[tilespmem:v43+s31+$0x0] =	vst.idx.add.f32.msk $0xffff, v42  }
0x208: {  	s23 =	sshra.s32 s23, $0x2;
	s0 =	sadd.s32 $0xA0, s8;
	v47 =	vld [tilespmem:s7+$0x5070];
	s7 =	smov.u32 s18  }
0x209: {  	v48 =	vshll.u32 v41, $0x7;
	v49 =	vmul.f32 v31, v18;
	v31 =	vmovc v30;
	v30 =	vmovc v29;
	v43 =	vmov s0;
	s18 =	smov.u32 s15;
	s15 =	smov.u32 s23;
	v29 =	vld [tilespmem:s23+$0x5000];
	s23 =	smov.u32 s9  }
0x20a: {  	v50 =	vor.u32 v0, v48;
	[tilespmem:v45+s31+$0x0] =	vst.idx.add.f32.msk $0xffff, v38;
	v45 =	vmul.f32 v32, v19;
	v32 =	vmov v37  }
0x20b: {  	v51 =	vmul.f32 v33, v20;
	v52 =	vmul.f32 v36, v21;
	v33 =	vmovc v34;
	v37 =	vor.u32 v5, v26;
	v34 =	vld [tilespmem:s18+$0x5020]  }
0x20c: {  	v53 =	vmul.f32 v39, v23;
	[tilespmem:v46+s31+$0x0] =	vst.idx.add.f32.msk $0xffff, v44;
	v46 =	vmul.f32 v35, v22;
	v35 =	vmov v44  }
0x20d: {  	v54 =	vor.u32 v11, v27;
	s10 =	sadd.s32 $0x10, s10;
	v36 =	vmovc v40;
	v42 =	vmul.f32 v42, v24;
	v39 =	vld [tilespmem:s7+$0x5050];
	v44 =	vmul.f32 v47, v25  }
0x20e: {  	v55 =	vor.u32 v15, v28;
	s1 =	sand.u32 $0xF, s25;
	s25 =	smov.u32 s6;
	s0 =	sand.u32 $0xF00, s10;
	v41 =	vld.idx.msk [tilespmem:v43+s20+$0x0], $0xffff;
	v43 =	vadd.f32 v45, v49;
	v45 =	vadd.f32 v52, v51  }
0x20f: {  	v28 =	vmov v27;
	s6 =	smov.u32 s17;
	s17 =	smov.u32 s19;
	s0 =	sor.u32 s1, s0;
	v46 =	vadd.f32 v53, v46;
	[tilespmem:v50+s31+$0x0] =	vst.idx.add.f32.msk $0xffff, v29;
	v42 =	vadd.f32 v44, v42  }
0x210: {  	v27 =	vmovc v26;
	s19 =	smov.u32 s8;
	v26 =	vmov v48;
	v49 =	vor.u32 s0, v17;
	[tilespmem:v37+s31+$0x0] =	vst.idx.add.f32.msk $0xffff, v34;
	v37 =	vmov v38  }
.Ltmp8:
0x211: {  	v44 =	vor.u32 v7, v27;
	v38 =	vadd.f32 v45, v43;
	v40 =	vld [tilespmem:s18+$0x5030];
	v45 =	vadd.f32 v42, v46;
	(pc) =	sbr.rel @p1 .LBB2_10-.Ltmp8, $4  }
0x212: {  	[tilespmem:v54+s31+$0x0] =	vst.idx.add.f32.msk $0xffff, v39  }
0x213: {  	v43 =	vor.u32 v13, v28;
	v42 =	vld [tilespmem:s7+$0x5060];
	v45 =	vadd.f32 v45, v38  }
0x214: {  	[tilespmem:v55+s31+$0x0] =	vst.idx.add.f32.msk $0xffff, v47  }
0x215: {  	s9 =	sadd.s32 $0x200, s9;
	v38 =	vld [tilespmem:s15+$0x5010];
	[tilespmem:v49+s4+$0x0] =	vst.idx.msk $0xffff, v45  }
0x216: {  	s8 =	sshra.s32 s23, $0x2;
	v41 =	vshll.u32 v41, $0x7  }
0x217: {  	v46 =	vld [tilespmem:s8+$0x5000];
	v47 =	vor.u32 v0, v41;
	_ =	sdelay $0x2  }
0x218: {  	v45 =	vor.u32 v3, v26;
	[tilespmem:v44+s31+$0x0] =	vst.idx.add.f32.msk $0xffff, v40  }
0x219: {  	v44 =	vld [tilespmem:s18+$0x5040]  }
0x21a: {  	v59 =	vor.u32 v9, v27;
	[tilespmem:v47+s31+$0x0] =	vst.idx.add.f32.msk $0xffff, v46  }
0x21b: {  	v49 =	vor.u32 v3, v41;
	v47 =	vld [tilespmem:s8+$0x5010]  }
0x21c: {  	[tilespmem:v43+s31+$0x0] =	vst.idx.add.f32.msk $0xffff, v42  }
0x21d: {  	[tilespmem:v45+s31+$0x0] =	vst.idx.add.f32.msk $0xffff, v38  }
0x21e: {  	v48 =	vor.u32 v5, v26;
	v45 =	vld [tilespmem:s15+$0x5020]  }
0x21f: {  	[tilespmem:v59+s31+$0x0] =	vst.idx.add.f32.msk $0xffff, v44  }
0x220: {  	[tilespmem:v49+s31+$0x0] =	vst.idx.add.f32.msk $0xffff, v47  }
0x221: {  	v52 =	vor.u32 v5, v41;
	v49 =	vld [tilespmem:s8+$0x5020]  }
0x222: {  	v43 =	vld [tilespmem:s18+$0x5050]  }
0x223: {  	v53 =	vor.u32 v11, v27;
	[tilespmem:v48+s31+$0x0] =	vst.idx.add.f32.msk $0xffff, v45  }
0x224: {  	v51 =	vor.u32 v7, v26;
	v48 =	vld [tilespmem:s15+$0x5030]  }
0x225: {  	v50 =	vld [tilespmem:s7+$0x5070]  }
0x226: {  	[tilespmem:v52+s31+$0x0] =	vst.idx.add.f32.msk $0xffff, v49  }
0x227: {  	v55 =	vor.u32 v7, v41;
	v52 =	vld [tilespmem:s8+$0x5030]  }
0x228: {  	[tilespmem:v53+s31+$0x0] =	vst.idx.add.f32.msk $0xffff, v43  }
0x229: {  	[tilespmem:v51+s31+$0x0] =	vst.idx.add.f32.msk $0xffff, v48  }
0x22a: {  	v54 =	vor.u32 v9, v26;
	v51 =	vld [tilespmem:s15+$0x5040]  }
0x22b: {  	v53 =	vld [tilespmem:s18+$0x5060]  }
0x22c: {  	v56 =	vor.u32 v13, v27;
	[tilespmem:v55+s31+$0x0] =	vst.idx.add.f32.msk $0xffff, v52  }
0x22d: {  	v58 =	vor.u32 v9, v41;
	v55 =	vld [tilespmem:s8+$0x5040]  }
0x22e: {  	v31 =	vmul.f32 v31, v18;
	v32 =	vmul.f32 v32, v19  }
0x22f: {  	v33 =	vmul.f32 v33, v20;
	v36 =	vmul.f32 v36, v21;
	[tilespmem:v54+s31+$0x0] =	vst.idx.add.f32.msk $0xffff, v51  }
0x230: {  	v57 =	vor.u32 v11, v26;
	v35 =	vmul.f32 v35, v22;
	v39 =	vmul.f32 v39, v23;
	v54 =	vld [tilespmem:s15+$0x5050]  }
0x231: {  	v60 =	vmul.f32 v42, v24;
	v61 =	vmul.f32 v50, v25;
	[tilespmem:v56+s31+$0x0] =	vst.idx.add.f32.msk $0xffff, v53  }
0x232: {  	v28 =	vor.u32 v15, v28;
	v31 =	vadd.f32 v32, v31;
	[tilespmem:v58+s31+$0x0] =	vst.idx.add.f32.msk $0xffff, v55  }
0x233: {  	v62 =	vadd.f32 v36, v33;
	v56 =	vadd.f32 v61, v60;
	v60 =	vor.u32 v11, v41;
	v33 =	vld [tilespmem:s8+$0x5050]  }
0x234: {  	v30 =	vmul.f32 v30, v18;
	v34 =	vmul.f32 v34, v20;
	v63 =	vadd.f32 v39, v35;
	v42 =	vld [tilespmem:s18+$0x5070]  }
0x235: {  	v31 =	vadd.f32 v62, v31;
	v62 =	vmul.f32 v40, v21;
	[tilespmem:v57+s31+$0x0] =	vst.idx.add.f32.msk $0xffff, v54  }
0x236: {  	v27 =	vor.u32 v15, v27;
	v29 =	vmul.f32 v29, v18;
	v57 =	vor.u32 v13, v26;
	v36 =	vld [tilespmem:s15+$0x5060]  }
0x237: {  	v34 =	vadd.f32 v62, v34;
	[tilespmem:v28+s31+$0x0] =	vst.idx.add.f32.msk $0xffff, v50;
	v59 =	vadd.f32 v56, v63  }
0x238: {  	v62 =	vmul.f32 v45, v20;
	v61 =	vmul.f32 v37, v19;
	[tilespmem:v60+s31+$0x0] =	vst.idx.add.f32.msk $0xffff, v33  }
0x239: {  	v63 =	vmul.f32 v44, v22;
	v31 =	vadd.f32 v59, v31;
	v59 =	vor.u32 v13, v41;
	v32 =	vld [tilespmem:s8+$0x5060]  }
0x23a: {  	v56 =	vmul.f32 v43, v23;
	v30 =	vadd.f32 v61, v30;
	v61 =	vmul.f32 v38, v19  }
0x23b: {  	s0 =	sadd.s32 $0x10, s10;
	v58 =	vmul.f32 v42, v25;
	[tilespmem:v57+s31+$0x0] =	vst.idx.add.f32.msk $0xffff, v36;
	v57 =	vmul.f32 v53, v24  }
0x23c: {  	s10 =	sand.u32 $0xF, s25;
	s1 =	sand.u32 $0xF00, s0;
	v30 =	vadd.f32 v34, v30;
	v29 =	vadd.f32 v61, v29;
	v50 =	vmul.f32 v54, v23;
	v39 =	vld [tilespmem:s15+$0x5070]  }
0x23d: {  	s0 =	sadd.s32 $0x10, s0;
	s1 =	sor.u32 s10, s1;
	v26 =	vor.u32 v15, v26;
	v60 =	vadd.f32 v56, v63;
	v28 =	vadd.f32 v58, v57  }
0x23e: {  	s6 =	sand.u32 $0xF, s6;
	v35 =	vor.u32 s1, v17;
	s15 =	sand.u32 $0xF00, s0;
	v63 =	vmul.f32 v48, v21;
	v48 =	vmul.f32 v51, v22;
	[tilespmem:v59+s31+$0x0] =	vst.idx.add.f32.msk $0xffff, v32  }
0x23f: {  	v56 =	vmul.f32 v46, v18;
	v33 =	vmul.f32 v33, v23;
	s1 =	sor.u32 s6, s15;
	v28 =	vadd.f32 v28, v60;
	v44 =	vld [tilespmem:s8+$0x5070]  }
0x240: {  	v57 =	vmul.f32 v47, v19;
	v58 =	vmul.f32 v49, v20;
	v40 =	vor.u32 s1, v17  }
0x241: {  	v28 =	vadd.f32 v28, v30;
	v30 =	vmul.f32 v36, v24;
	v51 =	vmul.f32 v39, v25  }
0x242: {  	v53 =	vadd.f32 v63, v62;
	v54 =	vadd.f32 v50, v48;
	v60 =	vmul.f32 v55, v22  }
0x243: {  	s0 =	sadd.s32 $0x10, s0;
	v62 =	vadd.f32 v57, v56;
	v59 =	vmul.f32 v52, v21;
	v30 =	vadd.f32 v51, v30  }
0x244: {  	s23 =	sand.u32 $0xF, s17;
	s18 =	sand.u32 $0xF00, s0;
	s0 =	sadd.s32 $0x10, s0;
	v29 =	vadd.f32 v53, v29;
	v32 =	vmul.f32 v32, v24;
	v61 =	vmul.f32 v44, v25  }
0x245: {  	s25 =	sand.u32 $0xF, s19;
	s1 =	sor.u32 s23, s18;
	s0 =	sand.u32 $0xF00, s0;
	v63 =	vor.u32 v15, v41;
	v33 =	vadd.f32 v33, v60;
	v30 =	vadd.f32 v30, v54  }
0x246: {  	[tilespmem:v35+s4+$0x0] =	vst.idx.msk $0xffff, v31;
	v31 =	vor.u32 s1, v17;
	s0 =	sor.u32 s25, s0;
	v36 =	vadd.f32 v59, v58;
	v32 =	vadd.f32 v61, v32  }
0x247: {  	[tilespmem:v27+s31+$0x0] =	vst.idx.add.f32.msk $0xffff, v42;
	v27 =	vadd.f32 v30, v29;
	v29 =	vor.u32 s0, v17  }
0x248: {  	[tilespmem:v40+s4+$0x0] =	vst.idx.msk $0xffff, v28;
	v28 =	vadd.f32 v36, v62;
	v30 =	vadd.f32 v32, v33  }
0x249: {  	[tilespmem:v26+s31+$0x0] =	vst.idx.add.f32.msk $0xffff, v39  }
0x24a: {  	[tilespmem:v63+s31+$0x0] =	vst.idx.add.f32.msk $0xffff, v44;
	v26 =	vadd.f32 v30, v28  }
0x24b: {  	[tilespmem:v31+s4+$0x0] =	vst.idx.msk $0xffff, v27  }
0x24c: {  	s6 =	simm.s32 $0x12D00;
	[tilespmem:v29+s4+$0x0] =	vst.idx.msk $0xffff, v26  }
0x24d: {  	v26 =	vld [tilespmem:s6+$0xFFFFFF80]  }
0x24e: {  	v27 =	vld [tilespmem:s6+$0xFFFFFF90]  }
0x24f: {  	v28 =	vld [tilespmem:s6+$0xFFFFFFA0]  }
0x250: {  	v29 =	vld [tilespmem:s6+$0xFFFFFFB0]  }
0x251: {  	v30 =	vld [tilespmem:s6+$0xFFFFFFC0]  }
0x252: {  	v31 =	vld [tilespmem:s6+$0xFFFFFFD0]  }
0x253: {  	v32 =	vld [tilespmem:s6+$0xFFFFFFE0]  }
0x254: {  	v33 =	vld [tilespmem:s6+$0xFFFFFFF0]  }
0x255: {  	v34 =	vld [tilespmem:s6+$0x0]  }
0x256: {  	v35 =	vld [tilespmem:s6+$0x10]  }
0x257: {  	v36 =	vld [tilespmem:s6+$0x20]  }
0x258: {  	v38 =	vld [tilespmem:s6+$0x30]  }
0x259: {  	v37 =	vld [tilespmem:s6+$0x40]  }
0x25a: {  	v39 =	vld [tilespmem:s6+$0x50]  }
0x25b: {  	s7 =	simm.s32 $0x40;
	s8 =	simm.s32 $0x0;
	v40 =	vld [tilespmem:s6+$0x60]  }
.LBB2_12:
0x25c: {  	p1 =	sne.s32 s7, $0x240;
	v41 =	vld [tilespmem:s8+$0xA220]  }
0x25d: {  	v42 =	vld [tilespmem:s6+$0x70]  }
0x25e: {  	s6 =	sadd.s32 $0x100, s6;
	v43 =	vld [tilespmem:s8+$0xA0A0]  }
0x25f: {  	v44 =	vadd.f32 v27, v26;
	v45 =	vadd.f32 v29, v28;
	v26 =	vld [tilespmem:s6+$0xFFFFFF80]  }
0x260: {  	v31 =	vadd.f32 v31, v30;
	v32 =	vadd.f32 v33, v32;
	v27 =	vld [tilespmem:s6+$0xFFFFFF90]  }
0x261: {  	v33 =	vadd.f32 v35, v34;
	v34 =	vadd.f32 v38, v36;
	v28 =	vld [tilespmem:s6+$0xFFFFFFA0]  }
0x262: {  	v35 =	vadd.f32 v39, v37;
	v29 =	vld [tilespmem:s6+$0xFFFFFFB0];
	v36 =	vadd.f32 v42, v40  }
0x263: {  	v32 =	vadd.f32 v32, v31;
	v37 =	vadd.f32 v45, v44;
	v30 =	vld [tilespmem:s6+$0xFFFFFFC0]  }
0x264: {  	v33 =	vadd.f32 v34, v33;
	v38 =	vld.idx.msk [tilespmem:v41+s24+$0x0], $0xffff;
	v34 =	vadd.f32 v36, v35  }
0x265: {  	v31 =	vld [tilespmem:s6+$0xFFFFFFD0]  }
0x266: {  	v35 =	vadd.f32 v32, v37;
	v39 =	vld.idx.msk [tilespmem:v41+s26+$0x0], $0xffff;
	v34 =	vadd.f32 v34, v33  }
0x267: {  	v36 =	vshll.u32 v43, $0x3;
	v32 =	vld [tilespmem:s6+$0xFFFFFFE0]  }
0x268: {  	v36 =	vand.u32 $0xFFFFFF80, v36;
	v33 =	vld [tilespmem:s6+$0xFFFFFFF0];
	v37 =	vadd.f32 v34, v35;
	v35 =	vand.u32 $0xF, v43  }
0x269: {  	v34 =	vld [tilespmem:s6+$0x0];
	v40 =	vor.u32 v35, v36  }
0x26a: {  	v35 =	vld [tilespmem:s6+$0x10];
	v37 =	vmul.f32 v37, v38  }
0x26b: {  	v36 =	vld [tilespmem:s6+$0x20]  }
.Ltmp9:
0x26c: {  	v38 =	vld [tilespmem:s6+$0x30];
	v39 =	vadd.f32 v37, v39;
	(pc) =	sbr.rel @p1 .LBB2_12-.Ltmp9, $4  }
0x26d: {  	v37 =	vld [tilespmem:s6+$0x40]  }
0x26e: {  	[tilespmem:v40+s3+$0x0] =	vst.idx.add.f32.msk $0xffff, v39  }
0x26f: {  	v39 =	vld [tilespmem:s6+$0x50]  }
0x270: {  	s8 =	sshra.s32 s7, $0x2;
	s7 =	sadd.s32 $0x40, s7;
	v40 =	vld [tilespmem:s6+$0x60]  }
0x271: {  	v41 =	vld [tilespmem:s8+$0xA220]  }
0x272: {  	v42 =	vld [tilespmem:s6+$0x70];
	_ =	sdelay $0x1  }
0x273: {  	v26 =	vadd.f32 v27, v26;
	v27 =	vadd.f32 v29, v28  }
0x274: {  	v52 =	vadd.f32 v31, v30;
	v53 =	vadd.f32 v33, v32  }
0x275: {  	v54 =	vadd.f32 v35, v34;
	v55 =	vadd.f32 v38, v36  }
0x276: {  	v56 =	vld [tilespmem:s8+$0xA0A0];
	v57 =	vadd.f32 v39, v37;
	v58 =	vadd.f32 v42, v40  }
0x277: {  	v26 =	vadd.f32 v27, v26;
	v27 =	vadd.f32 v53, v52  }
0x278: {  	v59 =	vadd.f32 v55, v54;
	v60 =	vadd.f32 v58, v57  }
0x279: {  	v61 =	vld.idx.msk [tilespmem:v41+s24+$0x0], $0xffff  }
0x27a: {  	v26 =	vadd.f32 v27, v26;
	v27 =	vadd.f32 v60, v59  }
0x27b: {  	v63 =	vshll.u32 v56, $0x3;
	v62 =	vld.idx.msk [tilespmem:v41+s26+$0x0], $0xffff  }
0x27c: {  	v29 =	vand.u32 $0xFFFFFF80, v63;
	v26 =	vadd.f32 v27, v26;
	v27 =	vand.u32 $0xF, v56  }
0x27d: {  	v27 =	vor.u32 v27, v29  }
.Ltmp10:
0x27e: {  	v26 =	vmul.f32 v26, v61;
	(pc) =	sbr.rel .LBB2_14-.Ltmp10, $3  }
0x27f: {  	_ = 	snop  }
0x280: {  	v26 =	vadd.f32 v26, v62;
	_ =	sdelay $0x1  }
0x281: {  	s1 =	rddreg [dreg:$0x0];
	[tilespmem:v27+s3+$0x0] =	vst.idx.add.f32.msk $0xffff, v26  }
.LBB2_16:
0x282: {  	_ =	sfence.sel $0x180000  }
0x283: {  	[bflag:$0x0] =	sbarrier.arrive $0xFFFF  }
0x284: {  	_ =	strace $0x90000047  }
0x285: {  	[bflag:$0x2] =	sbarrier.arrive $0xFFFF  }
0x286: {  	s0 =	rddreg [dreg:$0x9]  }
0x287: {  	s0 =	sadd.s32 @!p0 $0x100000, s0  }
0x288: {  	[sflag:s0] =	ssyncadd.tile.s32 @!p0 $0x1;
	_ =	shalt  }
.Lfunc_end2:
_tile_overlayer_lowered:
.L_overlay_start_2:
0x289: {  	(tag) =	ssettag $0x2  }
0x28a: {  	s0 =	rddreg [dreg:$0x0];
	s2 =	stileid.u32  }
0x28b: {  	s1 =	rddreg [dreg:$0x1];
	p0 =	sne.s32 s2, $0x0  }
0x28c: {  	s3 =	rddreg [dreg:$0x2];
	[bflag:$0x3] =	sbarrier.arrive $0xFFFF;
	s2 =	simm.s32 @!p0 $0x1C07  }
0x28d: {  	[timem:s3], [sflag:s2] =	dma.local @!p0 [hbm:s0], s1  }
0x28e: {  	s0 =	simm.s32 @!p0 $0x7  }
0x28f: {  	_ =	swait.ge @!p0 [sflag:s0], s1  }
0x290: {  	s1 =	ssub.s32 @!p0 $0x0, s1;
	[sflag:s0] =	ssyncset.done @!p0 $0x0  }
0x291: {  	[sflag:s0] =	ssyncadd.s32 @!p0 s1  }
0x292: {  	[bflag:$0x3] =	sbarrier.arrive $0xFFFF  }
0x293: {  	_ =	shalt  }

</sc_bundles>
